<compile_context>
chip_gen: v7x
topology: tpu7x:2x2x1
jax: 0.10.2.dev20260603
libtpu: 0.0.44.dev20260713+nightly
codegen_flags: <defaults>
</compile_context>

<pallas_src>
import functools

import jax
import jax.numpy as jnp
from jax import lax
from jax.experimental import pallas as pl
from jax.experimental.pallas import tpu as pltpu
from jax.experimental.pallas import tpu_sc as plsc

_L = 16
_NS = 16
_NC = 2


def _sc_body(n, d, feat_hbm, out_hbm, x_v, f0_v, rd_v, g_v, part_v, all_v, part_sh, dma_sem, *red_v):
    c = lax.axis_index("c")
    s = lax.axis_index("s")
    rows = n // _NS
    base = s * rows

    cp = pltpu.async_copy(feat_hbm.at[pl.ds((c * n + base) * d, rows * d)], x_v, dma_sem)
    pltpu.sync_copy(feat_hbm.at[pl.ds(c * n * d, d)], f0_v)

    for h in range(d // _L):
        rd_v[pl.ds(h * _L, _L)] = jnp.maximum(f0_v[pl.ds(h * _L, _L)], 0.0)

    nb = rows // _L
    lane = lax.iota(jnp.int32, _L)
    f0a = rd_v[pl.ds(0, _L)]
    f0b = rd_v[pl.ds(_L, _L)]

    zeros = jnp.zeros((_L,), jnp.float32)
    for r in range(_L):
        red_v[r][pl.ds(_L, _L)] = zeros
        red_v[r][pl.ds(3 * _L, _L)] = zeros

    def block(b, ss):
        mvec = jnp.zeros((_L,), jnp.float32)
        qvec = jnp.zeros((_L,), jnp.float32)
        for g0 in range(0, _L, 8):
            slots = []
            for r in range(g0, g0 + 8):
                off = b * (_L * d) + r * d
                v0 = x_v[pl.ds(off, _L)]
                v1 = x_v[pl.ds(off + _L, _L)]
                fa = jnp.maximum(v0, 0.0)
                fb = jnp.maximum(v1, 0.0)
                qa = jnp.exp(fa - f0a) * fa
                qb = jnp.exp(fb - f0b) * fb
                slots.append((jnp.maximum(fa, fb), red_v[r], 0))
                slots.append((jnp.maximum(qa, qb), red_v[r], 2 * _L))
            xs = [t for (t, _, _) in slots]
            for x, (_, ref, base) in zip(xs, slots):
                ref[pl.ds(base, _L)] = x
            for k in (8, 4, 2, 1):
                ys = [ref[pl.ds(base + k, _L)] for (_, ref, base) in slots]
                xs = [jnp.maximum(x, y) for x, y in zip(xs, ys)]
                if k != 1:
                    for x, (_, ref, base) in zip(xs, slots):
                        ref[pl.ds(base, _L)] = x
            for i, r in enumerate(range(g0, g0 + 8)):
                mvec = jnp.where(lane == r, xs[2 * i][0], mvec)
                qvec = jnp.where(lane == r, xs[2 * i + 1][0], qvec)
        gvec = qvec * (1.0 / mvec)
        g_v[pl.ds(b * _L, _L)] = gvec
        return ss + gvec * gvec

    cp.wait()
    ss = lax.fori_loop(0, nb, block, jnp.zeros((_L,), jnp.float32))

    part_v[...] = ss
    pltpu.sync_copy(part_v, part_sh.at[pl.ds(s * _L, _L)])
    plsc.subcore_barrier()
    pltpu.sync_copy(part_sh, all_v)
    tv = all_v[pl.ds(0, _L)]
    for i in range(1, _NS):
        tv = tv + all_v[pl.ds(i * _L, _L)]
    tot = tv[0]
    for l in range(1, _L):
        tot = tot + tv[l]

    tv = jnp.full((_L,), tot, jnp.float32)
    y = 0.5 * (1.0 + tv)
    for _ in range(24):
        y = 0.5 * (y + tv / y)
    r = 1.0 / y

    for b in range(nb):
        g_v[pl.ds(b * _L, _L)] = g_v[pl.ds(b * _L, _L)] * r
    pltpu.sync_copy(g_v, out_hbm.at[pl.ds(c * n + base, rows)])


def kernel(coords, features, len_batch):
    b, n, d = features.shape
    mesh = plsc.VectorSubcoreMesh(
        core_axis_name="c", subcore_axis_name="s", num_cores=_NC, num_subcores=_NS
    )
    rows = n // _NS
    run = pl.kernel(
        functools.partial(_sc_body, n, d),
        out_type=jax.ShapeDtypeStruct((b * n,), features.dtype),
        mesh=mesh,
        scratch_types=[
            pltpu.VMEM((rows * d,), jnp.float32),
            pltpu.VMEM((d,), jnp.float32),
            pltpu.VMEM((d,), jnp.float32),
            pltpu.VMEM((rows,), jnp.float32),
            pltpu.VMEM((_L,), jnp.float32),
            pltpu.VMEM((_NS * _L,), jnp.float32),
            pltpu.VMEM_SHARED((_NS * _L,), jnp.float32),
            pltpu.SemaphoreType.DMA,
        ] + [pltpu.VMEM((4 * _L,), jnp.float32) for _ in range(_L)],
    )
    return run(features.reshape(b * n * d))

# --- scband reference (transcript-rebuilt; emitter-appended) ---
"""Pipeline reference for scband-joint-net-23785528885377 (READ-ONLY COPY).

The authoritative reference and input builder live on the scoring server;
editing this copy changes nothing except your own understanding.
"""

import jax, jax.numpy as jnp
import numpy as np

B = 2
N = 4096
D = 32


def setup_inputs(seed: int = 0) -> dict:
    key = jax.random.key(seed)
    k1, k2 = jax.random.split(key)
    coords = jax.random.randint(k1, (B, N, 3), 0, 256).astype(jnp.int32)
    features = jax.random.normal(k2, (B, N, D), dtype=jnp.float32)
    return {"coords": coords, "features": features, "len_batch": B}


def _detection_score(coords, feature):
    # Faithful port of Detection._detection_score
    feature = jax.nn.relu(feature)
    max_local = jnp.max(feature, axis=1)  # [N]
    beta = feature / max_local[:, None]  # [N, D]
    c = coords.astype(jnp.float32)
    # pairwise distances: coords_A - coords_B, squared sum, sqrt
    diff = c[:, None, :] - c[None, :, :]  # [N, N, 3]
    every_dist = jnp.sqrt(jnp.sum(diff * diff, axis=2))  # [N, N]
    # torch.topk(every_dist, 1, largest=False).indices -> nearest neighbor index
    _, neighbors = jax.lax.top_k(-every_dist, 1)  # [N, 1]
    # feature[neighbors, :][0] -> gather then take first row, matching torch semantics
    neighbor9_feature = feature[neighbors, :][0]  # [1, D]
    exp_feature = jnp.exp(feature)  # [N, D]
    exp_neighbor = jnp.sum(jnp.exp(neighbor9_feature), axis=0)  # [D]
    alpha = exp_feature / exp_neighbor  # [N, D]
    gamma = jnp.max(alpha * beta, axis=1)  # [N]
    score = gamma / jnp.linalg.norm(gamma)
    return score


def reference(coords, features, len_batch):
    # Mirrors Detection.forward: loop over batch, concatenate per-item scores
    scores = []
    for i in range(coords.shape[0]):
        scores.append(_detection_score(coords[i], features[i]))
    out = jnp.concatenate(scores, axis=0)
    return out + 0.0 * jnp.asarray(len_batch, dtype=out.dtype)

if __name__ == "__main__":
    import jax
    _d = setup_inputs()
    print(jax.jit(kernel)(*tuple(_d.values())))

</pallas_src>

<mosaic_0001>
#map = affine_map<(d0, d1) -> (0)>
module attributes {stable_mosaic.version = 14 : i64} {
  func.func @_sc_body(%arg0: i32, %arg1: i32, %arg2: memref<262144xf32, #tpu.memory_space<hbm>>, %arg3: memref<8192xf32, #tpu.memory_space<hbm>>, %arg4: memref<8192xf32, #tpu.memory_space<vmem>>, %arg5: memref<32xf32, #tpu.memory_space<vmem>>, %arg6: memref<32xf32, #tpu.memory_space<vmem>>, %arg7: memref<256xf32, #tpu.memory_space<vmem>>, %arg8: memref<16xf32, #tpu.memory_space<vmem>>, %arg9: memref<256xf32, #tpu.memory_space<vmem>>, %arg10: memref<256xf32, #tpu.memory_space<vmem_shared>>, %arg11: memref<!tpu.dma_semaphore, #tpu.memory_space<semaphore_mem>>, %arg12: memref<64xf32, #tpu.memory_space<vmem>>, %arg13: memref<64xf32, #tpu.memory_space<vmem>>, %arg14: memref<64xf32, #tpu.memory_space<vmem>>, %arg15: memref<64xf32, #tpu.memory_space<vmem>>, %arg16: memref<64xf32, #tpu.memory_space<vmem>>, %arg17: memref<64xf32, #tpu.memory_space<vmem>>, %arg18: memref<64xf32, #tpu.memory_space<vmem>>, %arg19: memref<64xf32, #tpu.memory_space<vmem>>, %arg20: memref<64xf32, #tpu.memory_space<vmem>>, %arg21: memref<64xf32, #tpu.memory_space<vmem>>, %arg22: memref<64xf32, #tpu.memory_space<vmem>>, %arg23: memref<64xf32, #tpu.memory_space<vmem>>, %arg24: memref<64xf32, #tpu.memory_space<vmem>>, %arg25: memref<64xf32, #tpu.memory_space<vmem>>, %arg26: memref<64xf32, #tpu.memory_space<vmem>>, %arg27: memref<64xf32, #tpu.memory_space<vmem>>) attributes {dimension_semantics = [#tpu.dimension_semantics<core_parallel>, #tpu.dimension_semantics<subcore_parallel>], iteration_bounds = array<i64: 2, 16>, scalar_prefetch = 0 : i64, scratch_operands = 24 : i64, tpu.core_type = #tpu.core_type<sc_vector_subcore>, window_params = [{transform_indices = #map}, {transform_indices = #map}]} {
    %mul3A = arith.constant 256 : i32
    %mul3A_0 = arith.muli %arg1, %mul3A : i32
    %mul3A_1 = arith.constant 4096 : i32
    %mul3A_2 = arith.muli %arg0, %mul3A_1 : i32
    %add3A = arith.addi %mul3A_2, %mul3A_0 : i32
    %mul3A_3 = arith.constant 32 : i32
    %mul3A_4 = arith.muli %add3A, %mul3A_3 : i32
    %dma_start3A = tpu.memref_slice %arg2[%mul3A_4] : memref<262144xf32, #tpu.memory_space<hbm>> -> memref<8192xf32, #tpu.memory_space<hbm>>
    %dma_start3A_5 = tpu.memref_slice %arg2[%mul3A_4] : memref<262144xf32, #tpu.memory_space<hbm>> -> memref<8192xf32, #tpu.memory_space<hbm>>
    tpu.enqueue_dma source(%dma_start3A_5 : memref<8192xf32, #tpu.memory_space<hbm>>) target(%arg4 : memref<8192xf32, #tpu.memory_space<vmem>>) target_semaphore(%arg11 : memref<!tpu.dma_semaphore, #tpu.memory_space<semaphore_mem>>)
    %mul3A_6 = arith.constant 4096 : i32
    %mul3A_7 = arith.muli %arg0, %mul3A_6 : i32
    %mul3A_8 = arith.constant 32 : i32
    %mul3A_9 = arith.muli %mul3A_7, %mul3A_8 : i32
    "tpu.region"() ({
      %run_scoped3A = tpu.sem_alloc : memref<!tpu.dma_semaphore, #tpu.memory_space<semaphore_mem>>
      %dma_start3A_544 = tpu.memref_slice %arg2[%mul3A_9] : memref<262144xf32, #tpu.memory_space<hbm>> -> memref<32xf32, #tpu.memory_space<hbm>>
      %dma_start3A_545 = tpu.memref_slice %arg2[%mul3A_9] : memref<262144xf32, #tpu.memory_space<hbm>> -> memref<32xf32, #tpu.memory_space<hbm>>
      tpu.enqueue_dma source(%dma_start3A_545 : memref<32xf32, #tpu.memory_space<hbm>>) target(%arg5 : memref<32xf32, #tpu.memory_space<vmem>>) target_semaphore(%run_scoped3A : memref<!tpu.dma_semaphore, #tpu.memory_space<semaphore_mem>>)
      %dma_wait3A_546 = tpu.memref_slice %arg2[%mul3A_9] : memref<262144xf32, #tpu.memory_space<hbm>> -> memref<32xf32, #tpu.memory_space<hbm>>
      %dma_wait3A_547 = tpu.memref_slice %arg2[%mul3A_9] : memref<262144xf32, #tpu.memory_space<hbm>> -> memref<32xf32, #tpu.memory_space<hbm>>
      tpu.wait_dma2 semaphore(%run_scoped3A : memref<!tpu.dma_semaphore, #tpu.memory_space<semaphore_mem>>) src(%dma_wait3A_547 : memref<32xf32, #tpu.memory_space<hbm>>) dst(%arg5 : memref<32xf32, #tpu.memory_space<vmem>>)
      tpu.yield
    }) : () -> ()
    %get3A = arith.constant 0 : index
    %get3A_10 = tpu.vector_load %arg5[%get3A] {strides = array<i32>} : memref<32xf32, #tpu.memory_space<vmem>>, vector<16xf32>,
    %get3A_11 = vector.shape_cast %get3A_10 : vector<16xf32> to vector<16xf32>
    %max3A = arith.constant 0.000000e+00 : f32
    %max3A_12 = vector.broadcast %max3A : f32 to vector<16xf32>
    %max3A_13 = arith.maximumf %get3A_11, %max3A_12 : vector<16xf32>
    %swap3A = arith.constant 0 : index
    %swap3A_14 = tpu.vector_load %arg6[%swap3A] {strides = array<i32>} : memref<32xf32, #tpu.memory_space<vmem>>, vector<16xf32>,
    %swap3A_15 = vector.shape_cast %swap3A_14 : vector<16xf32> to vector<16xf32>
    %swap3A_16 = vector.shape_cast %max3A_13 : vector<16xf32> to vector<16xf32>
    tpu.vector_store %arg6[%swap3A], %swap3A_16 {strides = array<i32>} : memref<32xf32, #tpu.memory_space<vmem>>, vector<16xf32>,
    %get3A_17 = arith.constant 16 : index
    %get3A_18 = tpu.vector_load %arg5[%get3A_17] {strides = array<i32>} : memref<32xf32, #tpu.memory_space<vmem>>, vector<16xf32>,
    %get3A_19 = vector.shape_cast %get3A_18 : vector<16xf32> to vector<16xf32>
    %max3A_20 = arith.constant 0.000000e+00 : f32
    %max3A_21 = vector.broadcast %max3A_20 : f32 to vector<16xf32>
    %max3A_22 = arith.maximumf %get3A_19, %max3A_21 : vector<16xf32>
    %swap3A_23 = arith.constant 16 : index
    %swap3A_24 = tpu.vector_load %arg6[%swap3A_23] {strides = array<i32>} : memref<32xf32, #tpu.memory_space<vmem>>, vector<16xf32>,
    %swap3A_25 = vector.shape_cast %swap3A_24 : vector<16xf32> to vector<16xf32>
    %swap3A_26 = vector.shape_cast %max3A_22 : vector<16xf32> to vector<16xf32>
    tpu.vector_store %arg6[%swap3A_23], %swap3A_26 {strides = array<i32>} : memref<32xf32, #tpu.memory_space<vmem>>, vector<16xf32>,
    %iota3A = tpu.iota {dimensions = array<i32: 0>} : vector<16xi32>
    %get3A_27 = arith.constant 0 : index
    %get3A_28 = tpu.vector_load %arg6[%get3A_27] {strides = array<i32>} : memref<32xf32, #tpu.memory_space<vmem>>, vector<16xf32>,
    %get3A_29 = vector.shape_cast %get3A_28 : vector<16xf32> to vector<16xf32>
    %get3A_30 = arith.constant 16 : index
    %get3A_31 = tpu.vector_load %arg6[%get3A_30] {strides = array<i32>} : memref<32xf32, #tpu.memory_space<vmem>>, vector<16xf32>,
    %get3A_32 = vector.shape_cast %get3A_31 : vector<16xf32> to vector<16xf32>
    %broadcast_in_dim3A = arith.constant 0.000000e+00 : f32
    %broadcast_in_dim3A_33 = vector.broadcast %broadcast_in_dim3A : f32 to vector<16xf32>
    %swap3A_34 = arith.constant 16 : index
    %swap3A_35 = tpu.vector_load %arg12[%swap3A_34] {strides = array<i32>} : memref<64xf32, #tpu.memory_space<vmem>>, vector<16xf32>,
    %swap3A_36 = vector.shape_cast %swap3A_35 : vector<16xf32> to vector<16xf32>
    %swap3A_37 = vector.shape_cast %broadcast_in_dim3A_33 : vector<16xf32> to vector<16xf32>
    tpu.vector_store %arg12[%swap3A_34], %swap3A_37 {strides = array<i32>} : memref<64xf32, #tpu.memory_space<vmem>>, vector<16xf32>,
    %swap3A_38 = arith.constant 48 : index
    %swap3A_39 = tpu.vector_load %arg12[%swap3A_38] {strides = array<i32>} : memref<64xf32, #tpu.memory_space<vmem>>, vector<16xf32>,
    %swap3A_40 = vector.shape_cast %swap3A_39 : vector<16xf32> to vector<16xf32>
    %swap3A_41 = vector.shape_cast %broadcast_in_dim3A_33 : vector<16xf32> to vector<16xf32>
    tpu.vector_store %arg12[%swap3A_38], %swap3A_41 {strides = array<i32>} : memref<64xf32, #tpu.memory_space<vmem>>, vector<16xf32>,
    %swap3A_42 = arith.constant 16 : index
    %swap3A_43 = tpu.vector_load %arg13[%swap3A_42] {strides = array<i32>} : memref<64xf32, #tpu.memory_space<vmem>>, vector<16xf32>,
    %swap3A_44 = vector.shape_cast %swap3A_43 : vector<16xf32> to vector<16xf32>
    %swap3A_45 = vector.shape_cast %broadcast_in_dim3A_33 : vector<16xf32> to vector<16xf32>
    tpu.vector_store %arg13[%swap3A_42], %swap3A_45 {strides = array<i32>} : memref<64xf32, #tpu.memory_space<vmem>>, vector<16xf32>,
    %swap3A_46 = arith.constant 48 : index
    %swap3A_47 = tpu.vector_load %arg13[%swap3A_46] {strides = array<i32>} : memref<64xf32, #tpu.memory_space<vmem>>, vector<16xf32>,
    %swap3A_48 = vector.shape_cast %swap3A_47 : vector<16xf32> to vector<16xf32>
    %swap3A_49 = vector.shape_cast %broadcast_in_dim3A_33 : vector<16xf32> to vector<16xf32>
    tpu.vector_store %arg13[%swap3A_46], %swap3A_49 {strides = array<i32>} : memref<64xf32, #tpu.memory_space<vmem>>, vector<16xf32>,
    %swap3A_50 = arith.constant 16 : index
    %swap3A_51 = tpu.vector_load %arg14[%swap3A_50] {strides = array<i32>} : memref<64xf32, #tpu.memory_space<vmem>>, vector<16xf32>,
    %swap3A_52 = vector.shape_cast %swap3A_51 : vector<16xf32> to vector<16xf32>
    %swap3A_53 = vector.shape_cast %broadcast_in_dim3A_33 : vector<16xf32> to vector<16xf32>
    tpu.vector_store %arg14[%swap3A_50], %swap3A_53 {strides = array<i32>} : memref<64xf32, #tpu.memory_space<vmem>>, vector<16xf32>,
    %swap3A_54 = arith.constant 48 : index
    %swap3A_55 = tpu.vector_load %arg14[%swap3A_54] {strides = array<i32>} : memref<64xf32, #tpu.memory_space<vmem>>, vector<16xf32>,
    %swap3A_56 = vector.shape_cast %swap3A_55 : vector<16xf32> to vector<16xf32>
    %swap3A_57 = vector.shape_cast %broadcast_in_dim3A_33 : vector<16xf32> to vector<16xf32>
    tpu.vector_store %arg14[%swap3A_54], %swap3A_57 {strides = array<i32>} : memref<64xf32, #tpu.memory_space<vmem>>, vector<16xf32>,
    %swap3A_58 = arith.constant 16 : index
    %swap3A_59 = tpu.vector_load %arg15[%swap3A_58] {strides = array<i32>} : memref<64xf32, #tpu.memory_space<vmem>>, vector<16xf32>,
    %swap3A_60 = vector.shape_cast %swap3A_59 : vector<16xf32> to vector<16xf32>
    %swap3A_61 = vector.shape_cast %broadcast_in_dim3A_33 : vector<16xf32> to vector<16xf32>
    tpu.vector_store %arg15[%swap3A_58], %swap3A_61 {strides = array<i32>} : memref<64xf32, #tpu.memory_space<vmem>>, vector<16xf32>,
    %swap3A_62 = arith.constant 48 : index
    %swap3A_63 = tpu.vector_load %arg15[%swap3A_62] {strides = array<i32>} : memref<64xf32, #tpu.memory_space<vmem>>, vector<16xf32>,
    %swap3A_64 = vector.shape_cast %swap3A_63 : vector<16xf32> to vector<16xf32>
    %swap3A_65 = vector.shape_cast %broadcast_in_dim3A_33 : vector<16xf32> to vector<16xf32>
    tpu.vector_store %arg15[%swap3A_62], %swap3A_65 {strides = array<i32>} : memref<64xf32, #tpu.memory_space<vmem>>, vector<16xf32>,
    %swap3A_66 = arith.constant 16 : index
    %swap3A_67 = tpu.vector_load %arg16[%swap3A_66] {strides = array<i32>} : memref<64xf32, #tpu.memory_space<vmem>>, vector<16xf32>,
    %swap3A_68 = vector.shape_cast %swap3A_67 : vector<16xf32> to vector<16xf32>
    %swap3A_69 = vector.shape_cast %broadcast_in_dim3A_33 : vector<16xf32> to vector<16xf32>
    tpu.vector_store %arg16[%swap3A_66], %swap3A_69 {strides = array<i32>} : memref<64xf32, #tpu.memory_space<vmem>>, vector<16xf32>,
    %swap3A_70 = arith.constant 48 : index
    %swap3A_71 = tpu.vector_load %arg16[%swap3A_70] {strides = array<i32>} : memref<64xf32, #tpu.memory_space<vmem>>, vector<16xf32>,
    %swap3A_72 = vector.shape_cast %swap3A_71 : vector<16xf32> to vector<16xf32>
    %swap3A_73 = vector.shape_cast %broadcast_in_dim3A_33 : vector<16xf32> to vector<16xf32>
    tpu.vector_store %arg16[%swap3A_70], %swap3A_73 {strides = array<i32>} : memref<64xf32, #tpu.memory_space<vmem>>, vector<16xf32>,
    %swap3A_74 = arith.constant 16 : index
    %swap3A_75 = tpu.vector_load %arg17[%swap3A_74] {strides = array<i32>} : memref<64xf32, #tpu.memory_space<vmem>>, vector<16xf32>,
    %swap3A_76 = vector.shape_cast %swap3A_75 : vector<16xf32> to vector<16xf32>
    %swap3A_77 = vector.shape_cast %broadcast_in_dim3A_33 : vector<16xf32> to vector<16xf32>
    tpu.vector_store %arg17[%swap3A_74], %swap3A_77 {strides = array<i32>} : memref<64xf32, #tpu.memory_space<vmem>>, vector<16xf32>,
    %swap3A_78 = arith.constant 48 : index
    %swap3A_79 = tpu.vector_load %arg17[%swap3A_78] {strides = array<i32>} : memref<64xf32, #tpu.memory_space<vmem>>, vector<16xf32>,
    %swap3A_80 = vector.shape_cast %swap3A_79 : vector<16xf32> to vector<16xf32>
    %swap3A_81 = vector.shape_cast %broadcast_in_dim3A_33 : vector<16xf32> to vector<16xf32>
    tpu.vector_store %arg17[%swap3A_78], %swap3A_81 {strides = array<i32>} : memref<64xf32, #tpu.memory_space<vmem>>, vector<16xf32>,
    %swap3A_82 = arith.constant 16 : index
    %swap3A_83 = tpu.vector_load %arg18[%swap3A_82] {strides = array<i32>} : memref<64xf32, #tpu.memory_space<vmem>>, vector<16xf32>,
    %swap3A_84 = vector.shape_cast %swap3A_83 : vector<16xf32> to vector<16xf32>
    %swap3A_85 = vector.shape_cast %broadcast_in_dim3A_33 : vector<16xf32> to vector<16xf32>
    tpu.vector_store %arg18[%swap3A_82], %swap3A_85 {strides = array<i32>} : memref<64xf32, #tpu.memory_space<vmem>>, vector<16xf32>,
    %swap3A_86 = arith.constant 48 : index
    %swap3A_87 = tpu.vector_load %arg18[%swap3A_86] {strides = array<i32>} : memref<64xf32, #tpu.memory_space<vmem>>, vector<16xf32>,
    %swap3A_88 = vector.shape_cast %swap3A_87 : vector<16xf32> to vector<16xf32>
    %swap3A_89 = vector.shape_cast %broadcast_in_dim3A_33 : vector<16xf32> to vector<16xf32>
    tpu.vector_store %arg18[%swap3A_86], %swap3A_89 {strides = array<i32>} : memref<64xf32, #tpu.memory_space<vmem>>, vector<16xf32>,
    %swap3A_90 = arith.constant 16 : index
    %swap3A_91 = tpu.vector_load %arg19[%swap3A_90] {strides = array<i32>} : memref<64xf32, #tpu.memory_space<vmem>>, vector<16xf32>,
    %swap3A_92 = vector.shape_cast %swap3A_91 : vector<16xf32> to vector<16xf32>
    %swap3A_93 = vector.shape_cast %broadcast_in_dim3A_33 : vector<16xf32> to vector<16xf32>
    tpu.vector_store %arg19[%swap3A_90], %swap3A_93 {strides = array<i32>} : memref<64xf32, #tpu.memory_space<vmem>>, vector<16xf32>,
    %swap3A_94 = arith.constant 48 : index
    %swap3A_95 = tpu.vector_load %arg19[%swap3A_94] {strides = array<i32>} : memref<64xf32, #tpu.memory_space<vmem>>, vector<16xf32>,
    %swap3A_96 = vector.shape_cast %swap3A_95 : vector<16xf32> to vector<16xf32>
    %swap3A_97 = vector.shape_cast %broadcast_in_dim3A_33 : vector<16xf32> to vector<16xf32>
    tpu.vector_store %arg19[%swap3A_94], %swap3A_97 {strides = array<i32>} : memref<64xf32, #tpu.memory_space<vmem>>, vector<16xf32>,
    %swap3A_98 = arith.constant 16 : index
    %swap3A_99 = tpu.vector_load %arg20[%swap3A_98] {strides = array<i32>} : memref<64xf32, #tpu.memory_space<vmem>>, vector<16xf32>,
    %swap3A_100 = vector.shape_cast %swap3A_99 : vector<16xf32> to vector<16xf32>
    %swap3A_101 = vector.shape_cast %broadcast_in_dim3A_33 : vector<16xf32> to vector<16xf32>
    tpu.vector_store %arg20[%swap3A_98], %swap3A_101 {strides = array<i32>} : memref<64xf32, #tpu.memory_space<vmem>>, vector<16xf32>,
    %swap3A_102 = arith.constant 48 : index
    %swap3A_103 = tpu.vector_load %arg20[%swap3A_102] {strides = array<i32>} : memref<64xf32, #tpu.memory_space<vmem>>, vector<16xf32>,
    %swap3A_104 = vector.shape_cast %swap3A_103 : vector<16xf32> to vector<16xf32>
    %swap3A_105 = vector.shape_cast %broadcast_in_dim3A_33 : vector<16xf32> to vector<16xf32>
    tpu.vector_store %arg20[%swap3A_102], %swap3A_105 {strides = array<i32>} : memref<64xf32, #tpu.memory_space<vmem>>, vector<16xf32>,
    %swap3A_106 = arith.constant 16 : index
    %swap3A_107 = tpu.vector_load %arg21[%swap3A_106] {strides = array<i32>} : memref<64xf32, #tpu.memory_space<vmem>>, vector<16xf32>,
    %swap3A_108 = vector.shape_cast %swap3A_107 : vector<16xf32> to vector<16xf32>
    %swap3A_109 = vector.shape_cast %broadcast_in_dim3A_33 : vector<16xf32> to vector<16xf32>
    tpu.vector_store %arg21[%swap3A_106], %swap3A_109 {strides = array<i32>} : memref<64xf32, #tpu.memory_space<vmem>>, vector<16xf32>,
    %swap3A_110 = arith.constant 48 : index
    %swap3A_111 = tpu.vector_load %arg21[%swap3A_110] {strides = array<i32>} : memref<64xf32, #tpu.memory_space<vmem>>, vector<16xf32>,
    %swap3A_112 = vector.shape_cast %swap3A_111 : vector<16xf32> to vector<16xf32>
    %swap3A_113 = vector.shape_cast %broadcast_in_dim3A_33 : vector<16xf32> to vector<16xf32>
    tpu.vector_store %arg21[%swap3A_110], %swap3A_113 {strides = array<i32>} : memref<64xf32, #tpu.memory_space<vmem>>, vector<16xf32>,
    %swap3A_114 = arith.constant 16 : index
    %swap3A_115 = tpu.vector_load %arg22[%swap3A_114] {strides = array<i32>} : memref<64xf32, #tpu.memory_space<vmem>>, vector<16xf32>,
    %swap3A_116 = vector.shape_cast %swap3A_115 : vector<16xf32> to vector<16xf32>
    %swap3A_117 = vector.shape_cast %broadcast_in_dim3A_33 : vector<16xf32> to vector<16xf32>
    tpu.vector_store %arg22[%swap3A_114], %swap3A_117 {strides = array<i32>} : memref<64xf32, #tpu.memory_space<vmem>>, vector<16xf32>,
    %swap3A_118 = arith.constant 48 : index
    %swap3A_119 = tpu.vector_load %arg22[%swap3A_118] {strides = array<i32>} : memref<64xf32, #tpu.memory_space<vmem>>, vector<16xf32>,
    %swap3A_120 = vector.shape_cast %swap3A_119 : vector<16xf32> to vector<16xf32>
    %swap3A_121 = vector.shape_cast %broadcast_in_dim3A_33 : vector<16xf32> to vector<16xf32>
    tpu.vector_store %arg22[%swap3A_118], %swap3A_121 {strides = array<i32>} : memref<64xf32, #tpu.memory_space<vmem>>, vector<16xf32>,
    %swap3A_122 = arith.constant 16 : index
    %swap3A_123 = tpu.vector_load %arg23[%swap3A_122] {strides = array<i32>} : memref<64xf32, #tpu.memory_space<vmem>>, vector<16xf32>,
    %swap3A_124 = vector.shape_cast %swap3A_123 : vector<16xf32> to vector<16xf32>
    %swap3A_125 = vector.shape_cast %broadcast_in_dim3A_33 : vector<16xf32> to vector<16xf32>
    tpu.vector_store %arg23[%swap3A_122], %swap3A_125 {strides = array<i32>} : memref<64xf32, #tpu.memory_space<vmem>>, vector<16xf32>,
    %swap3A_126 = arith.constant 48 : index
    %swap3A_127 = tpu.vector_load %arg23[%swap3A_126] {strides = array<i32>} : memref<64xf32, #tpu.memory_space<vmem>>, vector<16xf32>,
    %swap3A_128 = vector.shape_cast %swap3A_127 : vector<16xf32> to vector<16xf32>
    %swap3A_129 = vector.shape_cast %broadcast_in_dim3A_33 : vector<16xf32> to vector<16xf32>
    tpu.vector_store %arg23[%swap3A_126], %swap3A_129 {strides = array<i32>} : memref<64xf32, #tpu.memory_space<vmem>>, vector<16xf32>,
    %swap3A_130 = arith.constant 16 : index
    %swap3A_131 = tpu.vector_load %arg24[%swap3A_130] {strides = array<i32>} : memref<64xf32, #tpu.memory_space<vmem>>, vector<16xf32>,
    %swap3A_132 = vector.shape_cast %swap3A_131 : vector<16xf32> to vector<16xf32>
    %swap3A_133 = vector.shape_cast %broadcast_in_dim3A_33 : vector<16xf32> to vector<16xf32>
    tpu.vector_store %arg24[%swap3A_130], %swap3A_133 {strides = array<i32>} : memref<64xf32, #tpu.memory_space<vmem>>, vector<16xf32>,
    %swap3A_134 = arith.constant 48 : index
    %swap3A_135 = tpu.vector_load %arg24[%swap3A_134] {strides = array<i32>} : memref<64xf32, #tpu.memory_space<vmem>>, vector<16xf32>,
    %swap3A_136 = vector.shape_cast %swap3A_135 : vector<16xf32> to vector<16xf32>
    %swap3A_137 = vector.shape_cast %broadcast_in_dim3A_33 : vector<16xf32> to vector<16xf32>
    tpu.vector_store %arg24[%swap3A_134], %swap3A_137 {strides = array<i32>} : memref<64xf32, #tpu.memory_space<vmem>>, vector<16xf32>,
    %swap3A_138 = arith.constant 16 : index
    %swap3A_139 = tpu.vector_load %arg25[%swap3A_138] {strides = array<i32>} : memref<64xf32, #tpu.memory_space<vmem>>, vector<16xf32>,
    %swap3A_140 = vector.shape_cast %swap3A_139 : vector<16xf32> to vector<16xf32>
    %swap3A_141 = vector.shape_cast %broadcast_in_dim3A_33 : vector<16xf32> to vector<16xf32>
    tpu.vector_store %arg25[%swap3A_138], %swap3A_141 {strides = array<i32>} : memref<64xf32, #tpu.memory_space<vmem>>, vector<16xf32>,
    %swap3A_142 = arith.constant 48 : index
    %swap3A_143 = tpu.vector_load %arg25[%swap3A_142] {strides = array<i32>} : memref<64xf32, #tpu.memory_space<vmem>>, vector<16xf32>,
    %swap3A_144 = vector.shape_cast %swap3A_143 : vector<16xf32> to vector<16xf32>
    %swap3A_145 = vector.shape_cast %broadcast_in_dim3A_33 : vector<16xf32> to vector<16xf32>
    tpu.vector_store %arg25[%swap3A_142], %swap3A_145 {strides = array<i32>} : memref<64xf32, #tpu.memory_space<vmem>>, vector<16xf32>,
    %swap3A_146 = arith.constant 16 : index
    %swap3A_147 = tpu.vector_load %arg26[%swap3A_146] {strides = array<i32>} : memref<64xf32, #tpu.memory_space<vmem>>, vector<16xf32>,
    %swap3A_148 = vector.shape_cast %swap3A_147 : vector<16xf32> to vector<16xf32>
    %swap3A_149 = vector.shape_cast %broadcast_in_dim3A_33 : vector<16xf32> to vector<16xf32>
    tpu.vector_store %arg26[%swap3A_146], %swap3A_149 {strides = array<i32>} : memref<64xf32, #tpu.memory_space<vmem>>, vector<16xf32>,
    %swap3A_150 = arith.constant 48 : index
    %swap3A_151 = tpu.vector_load %arg26[%swap3A_150] {strides = array<i32>} : memref<64xf32, #tpu.memory_space<vmem>>, vector<16xf32>,
    %swap3A_152 = vector.shape_cast %swap3A_151 : vector<16xf32> to vector<16xf32>
    %swap3A_153 = vector.shape_cast %broadcast_in_dim3A_33 : vector<16xf32> to vector<16xf32>
    tpu.vector_store %arg26[%swap3A_150], %swap3A_153 {strides = array<i32>} : memref<64xf32, #tpu.memory_space<vmem>>, vector<16xf32>,
    %swap3A_154 = arith.constant 16 : index
    %swap3A_155 = tpu.vector_load %arg27[%swap3A_154] {strides = array<i32>} : memref<64xf32, #tpu.memory_space<vmem>>, vector<16xf32>,
    %swap3A_156 = vector.shape_cast %swap3A_155 : vector<16xf32> to vector<16xf32>
    %swap3A_157 = vector.shape_cast %broadcast_in_dim3A_33 : vector<16xf32> to vector<16xf32>
    tpu.vector_store %arg27[%swap3A_154], %swap3A_157 {strides = array<i32>} : memref<64xf32, #tpu.memory_space<vmem>>, vector<16xf32>,
    %swap3A_158 = arith.constant 48 : index
    %swap3A_159 = tpu.vector_load %arg27[%swap3A_158] {strides = array<i32>} : memref<64xf32, #tpu.memory_space<vmem>>, vector<16xf32>,
    %swap3A_160 = vector.shape_cast %swap3A_159 : vector<16xf32> to vector<16xf32>
    %swap3A_161 = vector.shape_cast %broadcast_in_dim3A_33 : vector<16xf32> to vector<16xf32>
    tpu.vector_store %arg27[%swap3A_158], %swap3A_161 {strides = array<i32>} : memref<64xf32, #tpu.memory_space<vmem>>, vector<16xf32>,
    %dma_wait3A = tpu.memref_slice %arg2[%mul3A_4] : memref<262144xf32, #tpu.memory_space<hbm>> -> memref<8192xf32, #tpu.memory_space<hbm>>
    %dma_wait3A_162 = tpu.memref_slice %arg2[%mul3A_4] : memref<262144xf32, #tpu.memory_space<hbm>> -> memref<8192xf32, #tpu.memory_space<hbm>>
    tpu.wait_dma2 semaphore(%arg11 : memref<!tpu.dma_semaphore, #tpu.memory_space<semaphore_mem>>) src(%dma_wait3A_162 : memref<8192xf32, #tpu.memory_space<hbm>>) dst(%arg4 : memref<8192xf32, #tpu.memory_space<vmem>>)
    %broadcast_in_dim3A_163 = arith.constant 0.000000e+00 : f32
    %broadcast_in_dim3A_164 = vector.broadcast %broadcast_in_dim3A_163 : f32 to vector<16xf32>
    %scan3A = arith.constant 0 : i32
    %scan3A_165 = arith.constant 16 : i32
    %scan3A_166 = arith.addi %scan3A, %scan3A_165 : i32
    %scan3A_167 = arith.constant 1 : i32
    %scan3A_168 = scf.for %scan3A_544 = %scan3A to %scan3A_166 step %scan3A_167 iter_args(%scan3A_545 = %broadcast_in_dim3A_164) -> (vector<16xf32>)  : i32 {
      %broadcast_in_dim3A_546 = arith.constant 0.000000e+00 : f32
      %broadcast_in_dim3A_547 = vector.broadcast %broadcast_in_dim3A_546 : f32 to vector<16xf32>
      %broadcast_in_dim3A_548 = arith.constant 0.000000e+00 : f32
      %broadcast_in_dim3A_549 = vector.broadcast %broadcast_in_dim3A_548 : f32 to vector<16xf32>
      %mul3A_550 = arith.constant 512 : i32
      %mul3A_551 = arith.muli %scan3A_544, %mul3A_550 : i32
      %add3A_552 = arith.constant 0 : i32
      %add3A_553 = arith.addi %mul3A_551, %add3A_552 : i32
      %get3A_554 = arith.index_cast %add3A_553 : i32 to index
      %get3A_555 = tpu.vector_load %arg4[%get3A_554] {strides = array<i32>} : memref<8192xf32, #tpu.memory_space<vmem>>, vector<16xf32>,
      %get3A_556 = vector.shape_cast %get3A_555 : vector<16xf32> to vector<16xf32>
      %add3A_557 = arith.constant 16 : i32
      %add3A_558 = arith.addi %add3A_553, %add3A_557 : i32
      %get3A_559 = arith.index_cast %add3A_558 : i32 to index
      %get3A_560 = tpu.vector_load %arg4[%get3A_559] {strides = array<i32>} : memref<8192xf32, #tpu.memory_space<vmem>>, vector<16xf32>,
      %get3A_561 = vector.shape_cast %get3A_560 : vector<16xf32> to vector<16xf32>
      %max3A_562 = arith.constant 0.000000e+00 : f32
      %max3A_563 = vector.broadcast %max3A_562 : f32 to vector<16xf32>
      %max3A_564 = arith.maximumf %get3A_556, %max3A_563 : vector<16xf32>
      %max3A_565 = arith.constant 0.000000e+00 : f32
      %max3A_566 = vector.broadcast %max3A_565 : f32 to vector<16xf32>
      %max3A_567 = arith.maximumf %get3A_561, %max3A_566 : vector<16xf32>
      %sub3A = arith.subf %max3A_564, %get3A_29 : vector<16xf32>
      %exp3A = math.exp %sub3A : vector<16xf32>
      %mul3A_568 = arith.mulf %exp3A, %max3A_564 : vector<16xf32>
      %sub3A_569 = arith.subf %max3A_567, %get3A_32 : vector<16xf32>
      %exp3A_570 = math.exp %sub3A_569 : vector<16xf32>
      %mul3A_571 = arith.mulf %exp3A_570, %max3A_567 : vector<16xf32>
      %max3A_572 = arith.maximumf %max3A_564, %max3A_567 : vector<16xf32>
      %max3A_573 = arith.maximumf %mul3A_568, %mul3A_571 : vector<16xf32>
      %mul3A_574 = arith.constant 512 : i32
      %mul3A_575 = arith.muli %scan3A_544, %mul3A_574 : i32
      %add3A_576 = arith.constant 32 : i32
      %add3A_577 = arith.addi %mul3A_575, %add3A_576 : i32
      %get3A_578 = arith.index_cast %add3A_577 : i32 to index
      %get3A_579 = tpu.vector_load %arg4[%get3A_578] {strides = array<i32>} : memref<8192xf32, #tpu.memory_space<vmem>>, vector<16xf32>,
      %get3A_580 = vector.shape_cast %get3A_579 : vector<16xf32> to vector<16xf32>
      %add3A_581 = arith.constant 16 : i32
      %add3A_582 = arith.addi %add3A_577, %add3A_581 : i32
      %get3A_583 = arith.index_cast %add3A_582 : i32 to index
      %get3A_584 = tpu.vector_load %arg4[%get3A_583] {strides = array<i32>} : memref<8192xf32, #tpu.memory_space<vmem>>, vector<16xf32>,
      %get3A_585 = vector.shape_cast %get3A_584 : vector<16xf32> to vector<16xf32>
      %max3A_586 = arith.constant 0.000000e+00 : f32
      %max3A_587 = vector.broadcast %max3A_586 : f32 to vector<16xf32>
      %max3A_588 = arith.maximumf %get3A_580, %max3A_587 : vector<16xf32>
      %max3A_589 = arith.constant 0.000000e+00 : f32
      %max3A_590 = vector.broadcast %max3A_589 : f32 to vector<16xf32>
      %max3A_591 = arith.maximumf %get3A_585, %max3A_590 : vector<16xf32>
      %sub3A_592 = arith.subf %max3A_588, %get3A_29 : vector<16xf32>
      %exp3A_593 = math.exp %sub3A_592 : vector<16xf32>
      %mul3A_594 = arith.mulf %exp3A_593, %max3A_588 : vector<16xf32>
      %sub3A_595 = arith.subf %max3A_591, %get3A_32 : vector<16xf32>
      %exp3A_596 = math.exp %sub3A_595 : vector<16xf32>
      %mul3A_597 = arith.mulf %exp3A_596, %max3A_591 : vector<16xf32>
      %max3A_598 = arith.maximumf %max3A_588, %max3A_591 : vector<16xf32>
      %max3A_599 = arith.maximumf %mul3A_594, %mul3A_597 : vector<16xf32>
      %mul3A_600 = arith.constant 512 : i32
      %mul3A_601 = arith.muli %scan3A_544, %mul3A_600 : i32
      %add3A_602 = arith.constant 64 : i32
      %add3A_603 = arith.addi %mul3A_601, %add3A_602 : i32
      %get3A_604 = arith.index_cast %add3A_603 : i32 to index
      %get3A_605 = tpu.vector_load %arg4[%get3A_604] {strides = array<i32>} : memref<8192xf32, #tpu.memory_space<vmem>>, vector<16xf32>,
      %get3A_606 = vector.shape_cast %get3A_605 : vector<16xf32> to vector<16xf32>
      %add3A_607 = arith.constant 16 : i32
      %add3A_608 = arith.addi %add3A_603, %add3A_607 : i32
      %get3A_609 = arith.index_cast %add3A_608 : i32 to index
      %get3A_610 = tpu.vector_load %arg4[%get3A_609] {strides = array<i32>} : memref<8192xf32, #tpu.memory_space<vmem>>, vector<16xf32>,
      %get3A_611 = vector.shape_cast %get3A_610 : vector<16xf32> to vector<16xf32>
      %max3A_612 = arith.constant 0.000000e+00 : f32
      %max3A_613 = vector.broadcast %max3A_612 : f32 to vector<16xf32>
      %max3A_614 = arith.maximumf %get3A_606, %max3A_613 : vector<16xf32>
      %max3A_615 = arith.constant 0.000000e+00 : f32
      %max3A_616 = vector.broadcast %max3A_615 : f32 to vector<16xf32>
      %max3A_617 = arith.maximumf %get3A_611, %max3A_616 : vector<16xf32>
      %sub3A_618 = arith.subf %max3A_614, %get3A_29 : vector<16xf32>
      %exp3A_619 = math.exp %sub3A_618 : vector<16xf32>
      %mul3A_620 = arith.mulf %exp3A_619, %max3A_614 : vector<16xf32>
      %sub3A_621 = arith.subf %max3A_617, %get3A_32 : vector<16xf32>
      %exp3A_622 = math.exp %sub3A_621 : vector<16xf32>
      %mul3A_623 = arith.mulf %exp3A_622, %max3A_617 : vector<16xf32>
      %max3A_624 = arith.maximumf %max3A_614, %max3A_617 : vector<16xf32>
      %max3A_625 = arith.maximumf %mul3A_620, %mul3A_623 : vector<16xf32>
      %mul3A_626 = arith.constant 512 : i32
      %mul3A_627 = arith.muli %scan3A_544, %mul3A_626 : i32
      %add3A_628 = arith.constant 96 : i32
      %add3A_629 = arith.addi %mul3A_627, %add3A_628 : i32
      %get3A_630 = arith.index_cast %add3A_629 : i32 to index
      %get3A_631 = tpu.vector_load %arg4[%get3A_630] {strides = array<i32>} : memref<8192xf32, #tpu.memory_space<vmem>>, vector<16xf32>,
      %get3A_632 = vector.shape_cast %get3A_631 : vector<16xf32> to vector<16xf32>
      %add3A_633 = arith.constant 16 : i32
      %add3A_634 = arith.addi %add3A_629, %add3A_633 : i32
      %get3A_635 = arith.index_cast %add3A_634 : i32 to index
      %get3A_636 = tpu.vector_load %arg4[%get3A_635] {strides = array<i32>} : memref<8192xf32, #tpu.memory_space<vmem>>, vector<16xf32>,
      %get3A_637 = vector.shape_cast %get3A_636 : vector<16xf32> to vector<16xf32>
      %max3A_638 = arith.constant 0.000000e+00 : f32
      %max3A_639 = vector.broadcast %max3A_638 : f32 to vector<16xf32>
      %max3A_640 = arith.maximumf %get3A_632, %max3A_639 : vector<16xf32>
      %max3A_641 = arith.constant 0.000000e+00 : f32
      %max3A_642 = vector.broadcast %max3A_641 : f32 to vector<16xf32>
      %max3A_643 = arith.maximumf %get3A_637, %max3A_642 : vector<16xf32>
      %sub3A_644 = arith.subf %max3A_640, %get3A_29 : vector<16xf32>
      %exp3A_645 = math.exp %sub3A_644 : vector<16xf32>
      %mul3A_646 = arith.mulf %exp3A_645, %max3A_640 : vector<16xf32>
      %sub3A_647 = arith.subf %max3A_643, %get3A_32 : vector<16xf32>
      %exp3A_648 = math.exp %sub3A_647 : vector<16xf32>
      %mul3A_649 = arith.mulf %exp3A_648, %max3A_643 : vector<16xf32>
      %max3A_650 = arith.maximumf %max3A_640, %max3A_643 : vector<16xf32>
      %max3A_651 = arith.maximumf %mul3A_646, %mul3A_649 : vector<16xf32>
      %mul3A_652 = arith.constant 512 : i32
      %mul3A_653 = arith.muli %scan3A_544, %mul3A_652 : i32
      %add3A_654 = arith.constant 128 : i32
      %add3A_655 = arith.addi %mul3A_653, %add3A_654 : i32
      %get3A_656 = arith.index_cast %add3A_655 : i32 to index
      %get3A_657 = tpu.vector_load %arg4[%get3A_656] {strides = array<i32>} : memref<8192xf32, #tpu.memory_space<vmem>>, vector<16xf32>,
      %get3A_658 = vector.shape_cast %get3A_657 : vector<16xf32> to vector<16xf32>
      %add3A_659 = arith.constant 16 : i32
      %add3A_660 = arith.addi %add3A_655, %add3A_659 : i32
      %get3A_661 = arith.index_cast %add3A_660 : i32 to index
      %get3A_662 = tpu.vector_load %arg4[%get3A_661] {strides = array<i32>} : memref<8192xf32, #tpu.memory_space<vmem>>, vector<16xf32>,
      %get3A_663 = vector.shape_cast %get3A_662 : vector<16xf32> to vector<16xf32>
      %max3A_664 = arith.constant 0.000000e+00 : f32
      %max3A_665 = vector.broadcast %max3A_664 : f32 to vector<16xf32>
      %max3A_666 = arith.maximumf %get3A_658, %max3A_665 : vector<16xf32>
      %max3A_667 = arith.constant 0.000000e+00 : f32
      %max3A_668 = vector.broadcast %max3A_667 : f32 to vector<16xf32>
      %max3A_669 = arith.maximumf %get3A_663, %max3A_668 : vector<16xf32>
      %sub3A_670 = arith.subf %max3A_666, %get3A_29 : vector<16xf32>
      %exp3A_671 = math.exp %sub3A_670 : vector<16xf32>
      %mul3A_672 = arith.mulf %exp3A_671, %max3A_666 : vector<16xf32>
      %sub3A_673 = arith.subf %max3A_669, %get3A_32 : vector<16xf32>
      %exp3A_674 = math.exp %sub3A_673 : vector<16xf32>
      %mul3A_675 = arith.mulf %exp3A_674, %max3A_669 : vector<16xf32>
      %max3A_676 = arith.maximumf %max3A_666, %max3A_669 : vector<16xf32>
      %max3A_677 = arith.maximumf %mul3A_672, %mul3A_675 : vector<16xf32>
      %mul3A_678 = arith.constant 512 : i32
      %mul3A_679 = arith.muli %scan3A_544, %mul3A_678 : i32
      %add3A_680 = arith.constant 160 : i32
      %add3A_681 = arith.addi %mul3A_679, %add3A_680 : i32
      %get3A_682 = arith.index_cast %add3A_681 : i32 to index
      %get3A_683 = tpu.vector_load %arg4[%get3A_682] {strides = array<i32>} : memref<8192xf32, #tpu.memory_space<vmem>>, vector<16xf32>,
      %get3A_684 = vector.shape_cast %get3A_683 : vector<16xf32> to vector<16xf32>
      %add3A_685 = arith.constant 16 : i32
      %add3A_686 = arith.addi %add3A_681, %add3A_685 : i32
      %get3A_687 = arith.index_cast %add3A_686 : i32 to index
      %get3A_688 = tpu.vector_load %arg4[%get3A_687] {strides = array<i32>} : memref<8192xf32, #tpu.memory_space<vmem>>, vector<16xf32>,
      %get3A_689 = vector.shape_cast %get3A_688 : vector<16xf32> to vector<16xf32>
      %max3A_690 = arith.constant 0.000000e+00 : f32
      %max3A_691 = vector.broadcast %max3A_690 : f32 to vector<16xf32>
      %max3A_692 = arith.maximumf %get3A_684, %max3A_691 : vector<16xf32>
      %max3A_693 = arith.constant 0.000000e+00 : f32
      %max3A_694 = vector.broadcast %max3A_693 : f32 to vector<16xf32>
      %max3A_695 = arith.maximumf %get3A_689, %max3A_694 : vector<16xf32>
      %sub3A_696 = arith.subf %max3A_692, %get3A_29 : vector<16xf32>
      %exp3A_697 = math.exp %sub3A_696 : vector<16xf32>
      %mul3A_698 = arith.mulf %exp3A_697, %max3A_692 : vector<16xf32>
      %sub3A_699 = arith.subf %max3A_695, %get3A_32 : vector<16xf32>
      %exp3A_700 = math.exp %sub3A_699 : vector<16xf32>
      %mul3A_701 = arith.mulf %exp3A_700, %max3A_695 : vector<16xf32>
      %max3A_702 = arith.maximumf %max3A_692, %max3A_695 : vector<16xf32>
      %max3A_703 = arith.maximumf %mul3A_698, %mul3A_701 : vector<16xf32>
      %mul3A_704 = arith.constant 512 : i32
      %mul3A_705 = arith.muli %scan3A_544, %mul3A_704 : i32
      %add3A_706 = arith.constant 192 : i32
      %add3A_707 = arith.addi %mul3A_705, %add3A_706 : i32
      %get3A_708 = arith.index_cast %add3A_707 : i32 to index
      %get3A_709 = tpu.vector_load %arg4[%get3A_708] {strides = array<i32>} : memref<8192xf32, #tpu.memory_space<vmem>>, vector<16xf32>,
      %get3A_710 = vector.shape_cast %get3A_709 : vector<16xf32> to vector<16xf32>
      %add3A_711 = arith.constant 16 : i32
      %add3A_712 = arith.addi %add3A_707, %add3A_711 : i32
      %get3A_713 = arith.index_cast %add3A_712 : i32 to index
      %get3A_714 = tpu.vector_load %arg4[%get3A_713] {strides = array<i32>} : memref<8192xf32, #tpu.memory_space<vmem>>, vector<16xf32>,
      %get3A_715 = vector.shape_cast %get3A_714 : vector<16xf32> to vector<16xf32>
      %max3A_716 = arith.constant 0.000000e+00 : f32
      %max3A_717 = vector.broadcast %max3A_716 : f32 to vector<16xf32>
      %max3A_718 = arith.maximumf %get3A_710, %max3A_717 : vector<16xf32>
      %max3A_719 = arith.constant 0.000000e+00 : f32
      %max3A_720 = vector.broadcast %max3A_719 : f32 to vector<16xf32>
      %max3A_721 = arith.maximumf %get3A_715, %max3A_720 : vector<16xf32>
      %sub3A_722 = arith.subf %max3A_718, %get3A_29 : vector<16xf32>
      %exp3A_723 = math.exp %sub3A_722 : vector<16xf32>
      %mul3A_724 = arith.mulf %exp3A_723, %max3A_718 : vector<16xf32>
      %sub3A_725 = arith.subf %max3A_721, %get3A_32 : vector<16xf32>
      %exp3A_726 = math.exp %sub3A_725 : vector<16xf32>
      %mul3A_727 = arith.mulf %exp3A_726, %max3A_721 : vector<16xf32>
      %max3A_728 = arith.maximumf %max3A_718, %max3A_721 : vector<16xf32>
      %max3A_729 = arith.maximumf %mul3A_724, %mul3A_727 : vector<16xf32>
      %mul3A_730 = arith.constant 512 : i32
      %mul3A_731 = arith.muli %scan3A_544, %mul3A_730 : i32
      %add3A_732 = arith.constant 224 : i32
      %add3A_733 = arith.addi %mul3A_731, %add3A_732 : i32
      %get3A_734 = arith.index_cast %add3A_733 : i32 to index
      %get3A_735 = tpu.vector_load %arg4[%get3A_734] {strides = array<i32>} : memref<8192xf32, #tpu.memory_space<vmem>>, vector<16xf32>,
      %get3A_736 = vector.shape_cast %get3A_735 : vector<16xf32> to vector<16xf32>
      %add3A_737 = arith.constant 16 : i32
      %add3A_738 = arith.addi %add3A_733, %add3A_737 : i32
      %get3A_739 = arith.index_cast %add3A_738 : i32 to index
      %get3A_740 = tpu.vector_load %arg4[%get3A_739] {strides = array<i32>} : memref<8192xf32, #tpu.memory_space<vmem>>, vector<16xf32>,
      %get3A_741 = vector.shape_cast %get3A_740 : vector<16xf32> to vector<16xf32>
      %max3A_742 = arith.constant 0.000000e+00 : f32
      %max3A_743 = vector.broadcast %max3A_742 : f32 to vector<16xf32>
      %max3A_744 = arith.maximumf %get3A_736, %max3A_743 : vector<16xf32>
      %max3A_745 = arith.constant 0.000000e+00 : f32
      %max3A_746 = vector.broadcast %max3A_745 : f32 to vector<16xf32>
      %max3A_747 = arith.maximumf %get3A_741, %max3A_746 : vector<16xf32>
      %sub3A_748 = arith.subf %max3A_744, %get3A_29 : vector<16xf32>
      %exp3A_749 = math.exp %sub3A_748 : vector<16xf32>
      %mul3A_750 = arith.mulf %exp3A_749, %max3A_744 : vector<16xf32>
      %sub3A_751 = arith.subf %max3A_747, %get3A_32 : vector<16xf32>
      %exp3A_752 = math.exp %sub3A_751 : vector<16xf32>
      %mul3A_753 = arith.mulf %exp3A_752, %max3A_747 : vector<16xf32>
      %max3A_754 = arith.maximumf %max3A_744, %max3A_747 : vector<16xf32>
      %max3A_755 = arith.maximumf %mul3A_750, %mul3A_753 : vector<16xf32>
      %swap3A_756 = arith.constant 0 : index
      %swap3A_757 = tpu.vector_load %arg12[%swap3A_756] {strides = array<i32>} : memref<64xf32, #tpu.memory_space<vmem>>, vector<16xf32>,
      %swap3A_758 = vector.shape_cast %swap3A_757 : vector<16xf32> to vector<16xf32>
      %swap3A_759 = vector.shape_cast %max3A_572 : vector<16xf32> to vector<16xf32>
      tpu.vector_store %arg12[%swap3A_756], %swap3A_759 {strides = array<i32>} : memref<64xf32, #tpu.memory_space<vmem>>, vector<16xf32>,
      %swap3A_760 = arith.constant 32 : index
      %swap3A_761 = tpu.vector_load %arg12[%swap3A_760] {strides = array<i32>} : memref<64xf32, #tpu.memory_space<vmem>>, vector<16xf32>,
      %swap3A_762 = vector.shape_cast %swap3A_761 : vector<16xf32> to vector<16xf32>
      %swap3A_763 = vector.shape_cast %max3A_573 : vector<16xf32> to vector<16xf32>
      tpu.vector_store %arg12[%swap3A_760], %swap3A_763 {strides = array<i32>} : memref<64xf32, #tpu.memory_space<vmem>>, vector<16xf32>,
      %swap3A_764 = arith.constant 0 : index
      %swap3A_765 = tpu.vector_load %arg13[%swap3A_764] {strides = array<i32>} : memref<64xf32, #tpu.memory_space<vmem>>, vector<16xf32>,
      %swap3A_766 = vector.shape_cast %swap3A_765 : vector<16xf32> to vector<16xf32>
      %swap3A_767 = vector.shape_cast %max3A_598 : vector<16xf32> to vector<16xf32>
      tpu.vector_store %arg13[%swap3A_764], %swap3A_767 {strides = array<i32>} : memref<64xf32, #tpu.memory_space<vmem>>, vector<16xf32>,
      %swap3A_768 = arith.constant 32 : index
      %swap3A_769 = tpu.vector_load %arg13[%swap3A_768] {strides = array<i32>} : memref<64xf32, #tpu.memory_space<vmem>>, vector<16xf32>,
      %swap3A_770 = vector.shape_cast %swap3A_769 : vector<16xf32> to vector<16xf32>
      %swap3A_771 = vector.shape_cast %max3A_599 : vector<16xf32> to vector<16xf32>
      tpu.vector_store %arg13[%swap3A_768], %swap3A_771 {strides = array<i32>} : memref<64xf32, #tpu.memory_space<vmem>>, vector<16xf32>,
      %swap3A_772 = arith.constant 0 : index
      %swap3A_773 = tpu.vector_load %arg14[%swap3A_772] {strides = array<i32>} : memref<64xf32, #tpu.memory_space<vmem>>, vector<16xf32>,
      %swap3A_774 = vector.shape_cast %swap3A_773 : vector<16xf32> to vector<16xf32>
      %swap3A_775 = vector.shape_cast %max3A_624 : vector<16xf32> to vector<16xf32>
      tpu.vector_store %arg14[%swap3A_772], %swap3A_775 {strides = array<i32>} : memref<64xf32, #tpu.memory_space<vmem>>, vector<16xf32>,
      %swap3A_776 = arith.constant 32 : index
      %swap3A_777 = tpu.vector_load %arg14[%swap3A_776] {strides = array<i32>} : memref<64xf32, #tpu.memory_space<vmem>>, vector<16xf32>,
      %swap3A_778 = vector.shape_cast %swap3A_777 : vector<16xf32> to vector<16xf32>
      %swap3A_779 = vector.shape_cast %max3A_625 : vector<16xf32> to vector<16xf32>
      tpu.vector_store %arg14[%swap3A_776], %swap3A_779 {strides = array<i32>} : memref<64xf32, #tpu.memory_space<vmem>>, vector<16xf32>,
      %swap3A_780 = arith.constant 0 : index
      %swap3A_781 = tpu.vector_load %arg15[%swap3A_780] {strides = array<i32>} : memref<64xf32, #tpu.memory_space<vmem>>, vector<16xf32>,
      %swap3A_782 = vector.shape_cast %swap3A_781 : vector<16xf32> to vector<16xf32>
      %swap3A_783 = vector.shape_cast %max3A_650 : vector<16xf32> to vector<16xf32>
      tpu.vector_store %arg15[%swap3A_780], %swap3A_783 {strides = array<i32>} : memref<64xf32, #tpu.memory_space<vmem>>, vector<16xf32>,
      %swap3A_784 = arith.constant 32 : index
      %swap3A_785 = tpu.vector_load %arg15[%swap3A_784] {strides = array<i32>} : memref<64xf32, #tpu.memory_space<vmem>>, vector<16xf32>,
      %swap3A_786 = vector.shape_cast %swap3A_785 : vector<16xf32> to vector<16xf32>
      %swap3A_787 = vector.shape_cast %max3A_651 : vector<16xf32> to vector<16xf32>
      tpu.vector_store %arg15[%swap3A_784], %swap3A_787 {strides = array<i32>} : memref<64xf32, #tpu.memory_space<vmem>>, vector<16xf32>,
      %swap3A_788 = arith.constant 0 : index
      %swap3A_789 = tpu.vector_load %arg16[%swap3A_788] {strides = array<i32>} : memref<64xf32, #tpu.memory_space<vmem>>, vector<16xf32>,
      %swap3A_790 = vector.shape_cast %swap3A_789 : vector<16xf32> to vector<16xf32>
      %swap3A_791 = vector.shape_cast %max3A_676 : vector<16xf32> to vector<16xf32>
      tpu.vector_store %arg16[%swap3A_788], %swap3A_791 {strides = array<i32>} : memref<64xf32, #tpu.memory_space<vmem>>, vector<16xf32>,
      %swap3A_792 = arith.constant 32 : index
      %swap3A_793 = tpu.vector_load %arg16[%swap3A_792] {strides = array<i32>} : memref<64xf32, #tpu.memory_space<vmem>>, vector<16xf32>,
      %swap3A_794 = vector.shape_cast %swap3A_793 : vector<16xf32> to vector<16xf32>
      %swap3A_795 = vector.shape_cast %max3A_677 : vector<16xf32> to vector<16xf32>
      tpu.vector_store %arg16[%swap3A_792], %swap3A_795 {strides = array<i32>} : memref<64xf32, #tpu.memory_space<vmem>>, vector<16xf32>,
      %swap3A_796 = arith.constant 0 : index
      %swap3A_797 = tpu.vector_load %arg17[%swap3A_796] {strides = array<i32>} : memref<64xf32, #tpu.memory_space<vmem>>, vector<16xf32>,
      %swap3A_798 = vector.shape_cast %swap3A_797 : vector<16xf32> to vector<16xf32>
      %swap3A_799 = vector.shape_cast %max3A_702 : vector<16xf32> to vector<16xf32>
      tpu.vector_store %arg17[%swap3A_796], %swap3A_799 {strides = array<i32>} : memref<64xf32, #tpu.memory_space<vmem>>, vector<16xf32>,
      %swap3A_800 = arith.constant 32 : index
      %swap3A_801 = tpu.vector_load %arg17[%swap3A_800] {strides = array<i32>} : memref<64xf32, #tpu.memory_space<vmem>>, vector<16xf32>,
      %swap3A_802 = vector.shape_cast %swap3A_801 : vector<16xf32> to vector<16xf32>
      %swap3A_803 = vector.shape_cast %max3A_703 : vector<16xf32> to vector<16xf32>
      tpu.vector_store %arg17[%swap3A_800], %swap3A_803 {strides = array<i32>} : memref<64xf32, #tpu.memory_space<vmem>>, vector<16xf32>,
      %swap3A_804 = arith.constant 0 : index
      %swap3A_805 = tpu.vector_load %arg18[%swap3A_804] {strides = array<i32>} : memref<64xf32, #tpu.memory_space<vmem>>, vector<16xf32>,
      %swap3A_806 = vector.shape_cast %swap3A_805 : vector<16xf32> to vector<16xf32>
      %swap3A_807 = vector.shape_cast %max3A_728 : vector<16xf32> to vector<16xf32>
      tpu.vector_store %arg18[%swap3A_804], %swap3A_807 {strides = array<i32>} : memref<64xf32, #tpu.memory_space<vmem>>, vector<16xf32>,
      %swap3A_808 = arith.constant 32 : index
      %swap3A_809 = tpu.vector_load %arg18[%swap3A_808] {strides = array<i32>} : memref<64xf32, #tpu.memory_space<vmem>>, vector<16xf32>,
      %swap3A_810 = vector.shape_cast %swap3A_809 : vector<16xf32> to vector<16xf32>
      %swap3A_811 = vector.shape_cast %max3A_729 : vector<16xf32> to vector<16xf32>
      tpu.vector_store %arg18[%swap3A_808], %swap3A_811 {strides = array<i32>} : memref<64xf32, #tpu.memory_space<vmem>>, vector<16xf32>,
      %swap3A_812 = arith.constant 0 : index
      %swap3A_813 = tpu.vector_load %arg19[%swap3A_812] {strides = array<i32>} : memref<64xf32, #tpu.memory_space<vmem>>, vector<16xf32>,
      %swap3A_814 = vector.shape_cast %swap3A_813 : vector<16xf32> to vector<16xf32>
      %swap3A_815 = vector.shape_cast %max3A_754 : vector<16xf32> to vector<16xf32>
      tpu.vector_store %arg19[%swap3A_812], %swap3A_815 {strides = array<i32>} : memref<64xf32, #tpu.memory_space<vmem>>, vector<16xf32>,
      %swap3A_816 = arith.constant 32 : index
      %swap3A_817 = tpu.vector_load %arg19[%swap3A_816] {strides = array<i32>} : memref<64xf32, #tpu.memory_space<vmem>>, vector<16xf32>,
      %swap3A_818 = vector.shape_cast %swap3A_817 : vector<16xf32> to vector<16xf32>
      %swap3A_819 = vector.shape_cast %max3A_755 : vector<16xf32> to vector<16xf32>
      tpu.vector_store %arg19[%swap3A_816], %swap3A_819 {strides = array<i32>} : memref<64xf32, #tpu.memory_space<vmem>>, vector<16xf32>,
      %get3A_820 = arith.constant 8 : index
      %get3A_821 = tpu.vector_load %arg12[%get3A_820] {strides = array<i32>} : memref<64xf32, #tpu.memory_space<vmem>>, vector<16xf32>,
      %get3A_822 = vector.shape_cast %get3A_821 : vector<16xf32> to vector<16xf32>
      %get3A_823 = arith.constant 40 : index
      %get3A_824 = tpu.vector_load %arg12[%get3A_823] {strides = array<i32>} : memref<64xf32, #tpu.memory_space<vmem>>, vector<16xf32>,
      %get3A_825 = vector.shape_cast %get3A_824 : vector<16xf32> to vector<16xf32>
      %get3A_826 = arith.constant 8 : index
      %get3A_827 = tpu.vector_load %arg13[%get3A_826] {strides = array<i32>} : memref<64xf32, #tpu.memory_space<vmem>>, vector<16xf32>,
      %get3A_828 = vector.shape_cast %get3A_827 : vector<16xf32> to vector<16xf32>
      %get3A_829 = arith.constant 40 : index
      %get3A_830 = tpu.vector_load %arg13[%get3A_829] {strides = array<i32>} : memref<64xf32, #tpu.memory_space<vmem>>, vector<16xf32>,
      %get3A_831 = vector.shape_cast %get3A_830 : vector<16xf32> to vector<16xf32>
      %get3A_832 = arith.constant 8 : index
      %get3A_833 = tpu.vector_load %arg14[%get3A_832] {strides = array<i32>} : memref<64xf32, #tpu.memory_space<vmem>>, vector<16xf32>,
      %get3A_834 = vector.shape_cast %get3A_833 : vector<16xf32> to vector<16xf32>
      %get3A_835 = arith.constant 40 : index
      %get3A_836 = tpu.vector_load %arg14[%get3A_835] {strides = array<i32>} : memref<64xf32, #tpu.memory_space<vmem>>, vector<16xf32>,
      %get3A_837 = vector.shape_cast %get3A_836 : vector<16xf32> to vector<16xf32>
      %get3A_838 = arith.constant 8 : index
      %get3A_839 = tpu.vector_load %arg15[%get3A_838] {strides = array<i32>} : memref<64xf32, #tpu.memory_space<vmem>>, vector<16xf32>,
      %get3A_840 = vector.shape_cast %get3A_839 : vector<16xf32> to vector<16xf32>
      %get3A_841 = arith.constant 40 : index
      %get3A_842 = tpu.vector_load %arg15[%get3A_841] {strides = array<i32>} : memref<64xf32, #tpu.memory_space<vmem>>, vector<16xf32>,
      %get3A_843 = vector.shape_cast %get3A_842 : vector<16xf32> to vector<16xf32>
      %get3A_844 = arith.constant 8 : index
      %get3A_845 = tpu.vector_load %arg16[%get3A_844] {strides = array<i32>} : memref<64xf32, #tpu.memory_space<vmem>>, vector<16xf32>,
      %get3A_846 = vector.shape_cast %get3A_845 : vector<16xf32> to vector<16xf32>
      %get3A_847 = arith.constant 40 : index
      %get3A_848 = tpu.vector_load %arg16[%get3A_847] {strides = array<i32>} : memref<64xf32, #tpu.memory_space<vmem>>, vector<16xf32>,
      %get3A_849 = vector.shape_cast %get3A_848 : vector<16xf32> to vector<16xf32>
      %get3A_850 = arith.constant 8 : index
      %get3A_851 = tpu.vector_load %arg17[%get3A_850] {strides = array<i32>} : memref<64xf32, #tpu.memory_space<vmem>>, vector<16xf32>,
      %get3A_852 = vector.shape_cast %get3A_851 : vector<16xf32> to vector<16xf32>
      %get3A_853 = arith.constant 40 : index
      %get3A_854 = tpu.vector_load %arg17[%get3A_853] {strides = array<i32>} : memref<64xf32, #tpu.memory_space<vmem>>, vector<16xf32>,
      %get3A_855 = vector.shape_cast %get3A_854 : vector<16xf32> to vector<16xf32>
      %get3A_856 = arith.constant 8 : index
      %get3A_857 = tpu.vector_load %arg18[%get3A_856] {strides = array<i32>} : memref<64xf32, #tpu.memory_space<vmem>>, vector<16xf32>,
      %get3A_858 = vector.shape_cast %get3A_857 : vector<16xf32> to vector<16xf32>
      %get3A_859 = arith.constant 40 : index
      %get3A_860 = tpu.vector_load %arg18[%get3A_859] {strides = array<i32>} : memref<64xf32, #tpu.memory_space<vmem>>, vector<16xf32>,
      %get3A_861 = vector.shape_cast %get3A_860 : vector<16xf32> to vector<16xf32>
      %get3A_862 = arith.constant 8 : index
      %get3A_863 = tpu.vector_load %arg19[%get3A_862] {strides = array<i32>} : memref<64xf32, #tpu.memory_space<vmem>>, vector<16xf32>,
      %get3A_864 = vector.shape_cast %get3A_863 : vector<16xf32> to vector<16xf32>
      %get3A_865 = arith.constant 40 : index
      %get3A_866 = tpu.vector_load %arg19[%get3A_865] {strides = array<i32>} : memref<64xf32, #tpu.memory_space<vmem>>, vector<16xf32>,
      %get3A_867 = vector.shape_cast %get3A_866 : vector<16xf32> to vector<16xf32>
      %max3A_868 = arith.maximumf %max3A_572, %get3A_822 : vector<16xf32>
      %max3A_869 = arith.maximumf %max3A_573, %get3A_825 : vector<16xf32>
      %max3A_870 = arith.maximumf %max3A_598, %get3A_828 : vector<16xf32>
      %max3A_871 = arith.maximumf %max3A_599, %get3A_831 : vector<16xf32>
      %max3A_872 = arith.maximumf %max3A_624, %get3A_834 : vector<16xf32>
      %max3A_873 = arith.maximumf %max3A_625, %get3A_837 : vector<16xf32>
      %max3A_874 = arith.maximumf %max3A_650, %get3A_840 : vector<16xf32>
      %max3A_875 = arith.maximumf %max3A_651, %get3A_843 : vector<16xf32>
      %max3A_876 = arith.maximumf %max3A_676, %get3A_846 : vector<16xf32>
      %max3A_877 = arith.maximumf %max3A_677, %get3A_849 : vector<16xf32>
      %max3A_878 = arith.maximumf %max3A_702, %get3A_852 : vector<16xf32>
      %max3A_879 = arith.maximumf %max3A_703, %get3A_855 : vector<16xf32>
      %max3A_880 = arith.maximumf %max3A_728, %get3A_858 : vector<16xf32>
      %max3A_881 = arith.maximumf %max3A_729, %get3A_861 : vector<16xf32>
      %max3A_882 = arith.maximumf %max3A_754, %get3A_864 : vector<16xf32>
      %max3A_883 = arith.maximumf %max3A_755, %get3A_867 : vector<16xf32>
      %swap3A_884 = arith.constant 0 : index
      %swap3A_885 = tpu.vector_load %arg12[%swap3A_884] {strides = array<i32>} : memref<64xf32, #tpu.memory_space<vmem>>, vector<16xf32>,
      %swap3A_886 = vector.shape_cast %swap3A_885 : vector<16xf32> to vector<16xf32>
      %swap3A_887 = vector.shape_cast %max3A_868 : vector<16xf32> to vector<16xf32>
      tpu.vector_store %arg12[%swap3A_884], %swap3A_887 {strides = array<i32>} : memref<64xf32, #tpu.memory_space<vmem>>, vector<16xf32>,
      %swap3A_888 = arith.constant 32 : index
      %swap3A_889 = tpu.vector_load %arg12[%swap3A_888] {strides = array<i32>} : memref<64xf32, #tpu.memory_space<vmem>>, vector<16xf32>,
      %swap3A_890 = vector.shape_cast %swap3A_889 : vector<16xf32> to vector<16xf32>
      %swap3A_891 = vector.shape_cast %max3A_869 : vector<16xf32> to vector<16xf32>
      tpu.vector_store %arg12[%swap3A_888], %swap3A_891 {strides = array<i32>} : memref<64xf32, #tpu.memory_space<vmem>>, vector<16xf32>,
      %swap3A_892 = arith.constant 0 : index
      %swap3A_893 = tpu.vector_load %arg13[%swap3A_892] {strides = array<i32>} : memref<64xf32, #tpu.memory_space<vmem>>, vector<16xf32>,
      %swap3A_894 = vector.shape_cast %swap3A_893 : vector<16xf32> to vector<16xf32>
      %swap3A_895 = vector.shape_cast %max3A_870 : vector<16xf32> to vector<16xf32>
      tpu.vector_store %arg13[%swap3A_892], %swap3A_895 {strides = array<i32>} : memref<64xf32, #tpu.memory_space<vmem>>, vector<16xf32>,
      %swap3A_896 = arith.constant 32 : index
      %swap3A_897 = tpu.vector_load %arg13[%swap3A_896] {strides = array<i32>} : memref<64xf32, #tpu.memory_space<vmem>>, vector<16xf32>,
      %swap3A_898 = vector.shape_cast %swap3A_897 : vector<16xf32> to vector<16xf32>
      %swap3A_899 = vector.shape_cast %max3A_871 : vector<16xf32> to vector<16xf32>
      tpu.vector_store %arg13[%swap3A_896], %swap3A_899 {strides = array<i32>} : memref<64xf32, #tpu.memory_space<vmem>>, vector<16xf32>,
      %swap3A_900 = arith.constant 0 : index
      %swap3A_901 = tpu.vector_load %arg14[%swap3A_900] {strides = array<i32>} : memref<64xf32, #tpu.memory_space<vmem>>, vector<16xf32>,
      %swap3A_902 = vector.shape_cast %swap3A_901 : vector<16xf32> to vector<16xf32>
      %swap3A_903 = vector.shape_cast %max3A_872 : vector<16xf32> to vector<16xf32>
      tpu.vector_store %arg14[%swap3A_900], %swap3A_903 {strides = array<i32>} : memref<64xf32, #tpu.memory_space<vmem>>, vector<16xf32>,
      %swap3A_904 = arith.constant 32 : index
      %swap3A_905 = tpu.vector_load %arg14[%swap3A_904] {strides = array<i32>} : memref<64xf32, #tpu.memory_space<vmem>>, vector<16xf32>,
      %swap3A_906 = vector.shape_cast %swap3A_905 : vector<16xf32> to vector<16xf32>
      %swap3A_907 = vector.shape_cast %max3A_873 : vector<16xf32> to vector<16xf32>
      tpu.vector_store %arg14[%swap3A_904], %swap3A_907 {strides = array<i32>} : memref<64xf32, #tpu.memory_space<vmem>>, vector<16xf32>,
      %swap3A_908 = arith.constant 0 : index
      %swap3A_909 = tpu.vector_load %arg15[%swap3A_908] {strides = array<i32>} : memref<64xf32, #tpu.memory_space<vmem>>, vector<16xf32>,
      %swap3A_910 = vector.shape_cast %swap3A_909 : vector<16xf32> to vector<16xf32>
      %swap3A_911 = vector.shape_cast %max3A_874 : vector<16xf32> to vector<16xf32>
      tpu.vector_store %arg15[%swap3A_908], %swap3A_911 {strides = array<i32>} : memref<64xf32, #tpu.memory_space<vmem>>, vector<16xf32>,
      %swap3A_912 = arith.constant 32 : index
      %swap3A_913 = tpu.vector_load %arg15[%swap3A_912] {strides = array<i32>} : memref<64xf32, #tpu.memory_space<vmem>>, vector<16xf32>,
      %swap3A_914 = vector.shape_cast %swap3A_913 : vector<16xf32> to vector<16xf32>
      %swap3A_915 = vector.shape_cast %max3A_875 : vector<16xf32> to vector<16xf32>
      tpu.vector_store %arg15[%swap3A_912], %swap3A_915 {strides = array<i32>} : memref<64xf32, #tpu.memory_space<vmem>>, vector<16xf32>,
      %swap3A_916 = arith.constant 0 : index
      %swap3A_917 = tpu.vector_load %arg16[%swap3A_916] {strides = array<i32>} : memref<64xf32, #tpu.memory_space<vmem>>, vector<16xf32>,
      %swap3A_918 = vector.shape_cast %swap3A_917 : vector<16xf32> to vector<16xf32>
      %swap3A_919 = vector.shape_cast %max3A_876 : vector<16xf32> to vector<16xf32>
      tpu.vector_store %arg16[%swap3A_916], %swap3A_919 {strides = array<i32>} : memref<64xf32, #tpu.memory_space<vmem>>, vector<16xf32>,
      %swap3A_920 = arith.constant 32 : index
      %swap3A_921 = tpu.vector_load %arg16[%swap3A_920] {strides = array<i32>} : memref<64xf32, #tpu.memory_space<vmem>>, vector<16xf32>,
      %swap3A_922 = vector.shape_cast %swap3A_921 : vector<16xf32> to vector<16xf32>
      %swap3A_923 = vector.shape_cast %max3A_877 : vector<16xf32> to vector<16xf32>
      tpu.vector_store %arg16[%swap3A_920], %swap3A_923 {strides = array<i32>} : memref<64xf32, #tpu.memory_space<vmem>>, vector<16xf32>,
      %swap3A_924 = arith.constant 0 : index
      %swap3A_925 = tpu.vector_load %arg17[%swap3A_924] {strides = array<i32>} : memref<64xf32, #tpu.memory_space<vmem>>, vector<16xf32>,
      %swap3A_926 = vector.shape_cast %swap3A_925 : vector<16xf32> to vector<16xf32>
      %swap3A_927 = vector.shape_cast %max3A_878 : vector<16xf32> to vector<16xf32>
      tpu.vector_store %arg17[%swap3A_924], %swap3A_927 {strides = array<i32>} : memref<64xf32, #tpu.memory_space<vmem>>, vector<16xf32>,
      %swap3A_928 = arith.constant 32 : index
      %swap3A_929 = tpu.vector_load %arg17[%swap3A_928] {strides = array<i32>} : memref<64xf32, #tpu.memory_space<vmem>>, vector<16xf32>,
      %swap3A_930 = vector.shape_cast %swap3A_929 : vector<16xf32> to vector<16xf32>
      %swap3A_931 = vector.shape_cast %max3A_879 : vector<16xf32> to vector<16xf32>
      tpu.vector_store %arg17[%swap3A_928], %swap3A_931 {strides = array<i32>} : memref<64xf32, #tpu.memory_space<vmem>>, vector<16xf32>,
      %swap3A_932 = arith.constant 0 : index
      %swap3A_933 = tpu.vector_load %arg18[%swap3A_932] {strides = array<i32>} : memref<64xf32, #tpu.memory_space<vmem>>, vector<16xf32>,
      %swap3A_934 = vector.shape_cast %swap3A_933 : vector<16xf32> to vector<16xf32>
      %swap3A_935 = vector.shape_cast %max3A_880 : vector<16xf32> to vector<16xf32>
      tpu.vector_store %arg18[%swap3A_932], %swap3A_935 {strides = array<i32>} : memref<64xf32, #tpu.memory_space<vmem>>, vector<16xf32>,
      %swap3A_936 = arith.constant 32 : index
      %swap3A_937 = tpu.vector_load %arg18[%swap3A_936] {strides = array<i32>} : memref<64xf32, #tpu.memory_space<vmem>>, vector<16xf32>,
      %swap3A_938 = vector.shape_cast %swap3A_937 : vector<16xf32> to vector<16xf32>
      %swap3A_939 = vector.shape_cast %max3A_881 : vector<16xf32> to vector<16xf32>
      tpu.vector_store %arg18[%swap3A_936], %swap3A_939 {strides = array<i32>} : memref<64xf32, #tpu.memory_space<vmem>>, vector<16xf32>,
      %swap3A_940 = arith.constant 0 : index
      %swap3A_941 = tpu.vector_load %arg19[%swap3A_940] {strides = array<i32>} : memref<64xf32, #tpu.memory_space<vmem>>, vector<16xf32>,
      %swap3A_942 = vector.shape_cast %swap3A_941 : vector<16xf32> to vector<16xf32>
      %swap3A_943 = vector.shape_cast %max3A_882 : vector<16xf32> to vector<16xf32>
      tpu.vector_store %arg19[%swap3A_940], %swap3A_943 {strides = array<i32>} : memref<64xf32, #tpu.memory_space<vmem>>, vector<16xf32>,
      %swap3A_944 = arith.constant 32 : index
      %swap3A_945 = tpu.vector_load %arg19[%swap3A_944] {strides = array<i32>} : memref<64xf32, #tpu.memory_space<vmem>>, vector<16xf32>,
      %swap3A_946 = vector.shape_cast %swap3A_945 : vector<16xf32> to vector<16xf32>
      %swap3A_947 = vector.shape_cast %max3A_883 : vector<16xf32> to vector<16xf32>
      tpu.vector_store %arg19[%swap3A_944], %swap3A_947 {strides = array<i32>} : memref<64xf32, #tpu.memory_space<vmem>>, vector<16xf32>,
      %get3A_948 = arith.constant 4 : index
      %get3A_949 = tpu.vector_load %arg12[%get3A_948] {strides = array<i32>} : memref<64xf32, #tpu.memory_space<vmem>>, vector<16xf32>,
      %get3A_950 = vector.shape_cast %get3A_949 : vector<16xf32> to vector<16xf32>
      %get3A_951 = arith.constant 36 : index
      %get3A_952 = tpu.vector_load %arg12[%get3A_951] {strides = array<i32>} : memref<64xf32, #tpu.memory_space<vmem>>, vector<16xf32>,
      %get3A_953 = vector.shape_cast %get3A_952 : vector<16xf32> to vector<16xf32>
      %get3A_954 = arith.constant 4 : index
      %get3A_955 = tpu.vector_load %arg13[%get3A_954] {strides = array<i32>} : memref<64xf32, #tpu.memory_space<vmem>>, vector<16xf32>,
      %get3A_956 = vector.shape_cast %get3A_955 : vector<16xf32> to vector<16xf32>
      %get3A_957 = arith.constant 36 : index
      %get3A_958 = tpu.vector_load %arg13[%get3A_957] {strides = array<i32>} : memref<64xf32, #tpu.memory_space<vmem>>, vector<16xf32>,
      %get3A_959 = vector.shape_cast %get3A_958 : vector<16xf32> to vector<16xf32>
      %get3A_960 = arith.constant 4 : index
      %get3A_961 = tpu.vector_load %arg14[%get3A_960] {strides = array<i32>} : memref<64xf32, #tpu.memory_space<vmem>>, vector<16xf32>,
      %get3A_962 = vector.shape_cast %get3A_961 : vector<16xf32> to vector<16xf32>
      %get3A_963 = arith.constant 36 : index
      %get3A_964 = tpu.vector_load %arg14[%get3A_963] {strides = array<i32>} : memref<64xf32, #tpu.memory_space<vmem>>, vector<16xf32>,
      %get3A_965 = vector.shape_cast %get3A_964 : vector<16xf32> to vector<16xf32>
      %get3A_966 = arith.constant 4 : index
      %get3A_967 = tpu.vector_load %arg15[%get3A_966] {strides = array<i32>} : memref<64xf32, #tpu.memory_space<vmem>>, vector<16xf32>,
      %get3A_968 = vector.shape_cast %get3A_967 : vector<16xf32> to vector<16xf32>
      %get3A_969 = arith.constant 36 : index
      %get3A_970 = tpu.vector_load %arg15[%get3A_969] {strides = array<i32>} : memref<64xf32, #tpu.memory_space<vmem>>, vector<16xf32>,
      %get3A_971 = vector.shape_cast %get3A_970 : vector<16xf32> to vector<16xf32>
      %get3A_972 = arith.constant 4 : index
      %get3A_973 = tpu.vector_load %arg16[%get3A_972] {strides = array<i32>} : memref<64xf32, #tpu.memory_space<vmem>>, vector<16xf32>,
      %get3A_974 = vector.shape_cast %get3A_973 : vector<16xf32> to vector<16xf32>
      %get3A_975 = arith.constant 36 : index
      %get3A_976 = tpu.vector_load %arg16[%get3A_975] {strides = array<i32>} : memref<64xf32, #tpu.memory_space<vmem>>, vector<16xf32>,
      %get3A_977 = vector.shape_cast %get3A_976 : vector<16xf32> to vector<16xf32>
      %get3A_978 = arith.constant 4 : index
      %get3A_979 = tpu.vector_load %arg17[%get3A_978] {strides = array<i32>} : memref<64xf32, #tpu.memory_space<vmem>>, vector<16xf32>,
      %get3A_980 = vector.shape_cast %get3A_979 : vector<16xf32> to vector<16xf32>
      %get3A_981 = arith.constant 36 : index
      %get3A_982 = tpu.vector_load %arg17[%get3A_981] {strides = array<i32>} : memref<64xf32, #tpu.memory_space<vmem>>, vector<16xf32>,
      %get3A_983 = vector.shape_cast %get3A_982 : vector<16xf32> to vector<16xf32>
      %get3A_984 = arith.constant 4 : index
      %get3A_985 = tpu.vector_load %arg18[%get3A_984] {strides = array<i32>} : memref<64xf32, #tpu.memory_space<vmem>>, vector<16xf32>,
      %get3A_986 = vector.shape_cast %get3A_985 : vector<16xf32> to vector<16xf32>
      %get3A_987 = arith.constant 36 : index
      %get3A_988 = tpu.vector_load %arg18[%get3A_987] {strides = array<i32>} : memref<64xf32, #tpu.memory_space<vmem>>, vector<16xf32>,
      %get3A_989 = vector.shape_cast %get3A_988 : vector<16xf32> to vector<16xf32>
      %get3A_990 = arith.constant 4 : index
      %get3A_991 = tpu.vector_load %arg19[%get3A_990] {strides = array<i32>} : memref<64xf32, #tpu.memory_space<vmem>>, vector<16xf32>,
      %get3A_992 = vector.shape_cast %get3A_991 : vector<16xf32> to vector<16xf32>
      %get3A_993 = arith.constant 36 : index
      %get3A_994 = tpu.vector_load %arg19[%get3A_993] {strides = array<i32>} : memref<64xf32, #tpu.memory_space<vmem>>, vector<16xf32>,
      %get3A_995 = vector.shape_cast %get3A_994 : vector<16xf32> to vector<16xf32>
      %max3A_996 = arith.maximumf %max3A_868, %get3A_950 : vector<16xf32>
      %max3A_997 = arith.maximumf %max3A_869, %get3A_953 : vector<16xf32>
      %max3A_998 = arith.maximumf %max3A_870, %get3A_956 : vector<16xf32>
      %max3A_999 = arith.maximumf %max3A_871, %get3A_959 : vector<16xf32>
      %max3A_1000 = arith.maximumf %max3A_872, %get3A_962 : vector<16xf32>
      %max3A_1001 = arith.maximumf %max3A_873, %get3A_965 : vector<16xf32>
      %max3A_1002 = arith.maximumf %max3A_874, %get3A_968 : vector<16xf32>
      %max3A_1003 = arith.maximumf %max3A_875, %get3A_971 : vector<16xf32>
      %max3A_1004 = arith.maximumf %max3A_876, %get3A_974 : vector<16xf32>
      %max3A_1005 = arith.maximumf %max3A_877, %get3A_977 : vector<16xf32>
      %max3A_1006 = arith.maximumf %max3A_878, %get3A_980 : vector<16xf32>
      %max3A_1007 = arith.maximumf %max3A_879, %get3A_983 : vector<16xf32>
      %max3A_1008 = arith.maximumf %max3A_880, %get3A_986 : vector<16xf32>
      %max3A_1009 = arith.maximumf %max3A_881, %get3A_989 : vector<16xf32>
      %max3A_1010 = arith.maximumf %max3A_882, %get3A_992 : vector<16xf32>
      %max3A_1011 = arith.maximumf %max3A_883, %get3A_995 : vector<16xf32>
      %swap3A_1012 = arith.constant 0 : index
      %swap3A_1013 = tpu.vector_load %arg12[%swap3A_1012] {strides = array<i32>} : memref<64xf32, #tpu.memory_space<vmem>>, vector<16xf32>,
      %swap3A_1014 = vector.shape_cast %swap3A_1013 : vector<16xf32> to vector<16xf32>
      %swap3A_1015 = vector.shape_cast %max3A_996 : vector<16xf32> to vector<16xf32>
      tpu.vector_store %arg12[%swap3A_1012], %swap3A_1015 {strides = array<i32>} : memref<64xf32, #tpu.memory_space<vmem>>, vector<16xf32>,
      %swap3A_1016 = arith.constant 32 : index
      %swap3A_1017 = tpu.vector_load %arg12[%swap3A_1016] {strides = array<i32>} : memref<64xf32, #tpu.memory_space<vmem>>, vector<16xf32>,
      %swap3A_1018 = vector.shape_cast %swap3A_1017 : vector<16xf32> to vector<16xf32>
      %swap3A_1019 = vector.shape_cast %max3A_997 : vector<16xf32> to vector<16xf32>
      tpu.vector_store %arg12[%swap3A_1016], %swap3A_1019 {strides = array<i32>} : memref<64xf32, #tpu.memory_space<vmem>>, vector<16xf32>,
      %swap3A_1020 = arith.constant 0 : index
      %swap3A_1021 = tpu.vector_load %arg13[%swap3A_1020] {strides = array<i32>} : memref<64xf32, #tpu.memory_space<vmem>>, vector<16xf32>,
      %swap3A_1022 = vector.shape_cast %swap3A_1021 : vector<16xf32> to vector<16xf32>
      %swap3A_1023 = vector.shape_cast %max3A_998 : vector<16xf32> to vector<16xf32>
      tpu.vector_store %arg13[%swap3A_1020], %swap3A_1023 {strides = array<i32>} : memref<64xf32, #tpu.memory_space<vmem>>, vector<16xf32>,
      %swap3A_1024 = arith.constant 32 : index
      %swap3A_1025 = tpu.vector_load %arg13[%swap3A_1024] {strides = array<i32>} : memref<64xf32, #tpu.memory_space<vmem>>, vector<16xf32>,
      %swap3A_1026 = vector.shape_cast %swap3A_1025 : vector<16xf32> to vector<16xf32>
      %swap3A_1027 = vector.shape_cast %max3A_999 : vector<16xf32> to vector<16xf32>
      tpu.vector_store %arg13[%swap3A_1024], %swap3A_1027 {strides = array<i32>} : memref<64xf32, #tpu.memory_space<vmem>>, vector<16xf32>,
      %swap3A_1028 = arith.constant 0 : index
      %swap3A_1029 = tpu.vector_load %arg14[%swap3A_1028] {strides = array<i32>} : memref<64xf32, #tpu.memory_space<vmem>>, vector<16xf32>,
      %swap3A_1030 = vector.shape_cast %swap3A_1029 : vector<16xf32> to vector<16xf32>
      %swap3A_1031 = vector.shape_cast %max3A_1000 : vector<16xf32> to vector<16xf32>
      tpu.vector_store %arg14[%swap3A_1028], %swap3A_1031 {strides = array<i32>} : memref<64xf32, #tpu.memory_space<vmem>>, vector<16xf32>,
      %swap3A_1032 = arith.constant 32 : index
      %swap3A_1033 = tpu.vector_load %arg14[%swap3A_1032] {strides = array<i32>} : memref<64xf32, #tpu.memory_space<vmem>>, vector<16xf32>,
      %swap3A_1034 = vector.shape_cast %swap3A_1033 : vector<16xf32> to vector<16xf32>
      %swap3A_1035 = vector.shape_cast %max3A_1001 : vector<16xf32> to vector<16xf32>
      tpu.vector_store %arg14[%swap3A_1032], %swap3A_1035 {strides = array<i32>} : memref<64xf32, #tpu.memory_space<vmem>>, vector<16xf32>,
      %swap3A_1036 = arith.constant 0 : index
      %swap3A_1037 = tpu.vector_load %arg15[%swap3A_1036] {strides = array<i32>} : memref<64xf32, #tpu.memory_space<vmem>>, vector<16xf32>,
      %swap3A_1038 = vector.shape_cast %swap3A_1037 : vector<16xf32> to vector<16xf32>
      %swap3A_1039 = vector.shape_cast %max3A_1002 : vector<16xf32> to vector<16xf32>
      tpu.vector_store %arg15[%swap3A_1036], %swap3A_1039 {strides = array<i32>} : memref<64xf32, #tpu.memory_space<vmem>>, vector<16xf32>,
      %swap3A_1040 = arith.constant 32 : index
      %swap3A_1041 = tpu.vector_load %arg15[%swap3A_1040] {strides = array<i32>} : memref<64xf32, #tpu.memory_space<vmem>>, vector<16xf32>,
      %swap3A_1042 = vector.shape_cast %swap3A_1041 : vector<16xf32> to vector<16xf32>
      %swap3A_1043 = vector.shape_cast %max3A_1003 : vector<16xf32> to vector<16xf32>
      tpu.vector_store %arg15[%swap3A_1040], %swap3A_1043 {strides = array<i32>} : memref<64xf32, #tpu.memory_space<vmem>>, vector<16xf32>,
      %swap3A_1044 = arith.constant 0 : index
      %swap3A_1045 = tpu.vector_load %arg16[%swap3A_1044] {strides = array<i32>} : memref<64xf32, #tpu.memory_space<vmem>>, vector<16xf32>,
      %swap3A_1046 = vector.shape_cast %swap3A_1045 : vector<16xf32> to vector<16xf32>
      %swap3A_1047 = vector.shape_cast %max3A_1004 : vector<16xf32> to vector<16xf32>
      tpu.vector_store %arg16[%swap3A_1044], %swap3A_1047 {strides = array<i32>} : memref<64xf32, #tpu.memory_space<vmem>>, vector<16xf32>,
      %swap3A_1048 = arith.constant 32 : index
      %swap3A_1049 = tpu.vector_load %arg16[%swap3A_1048] {strides = array<i32>} : memref<64xf32, #tpu.memory_space<vmem>>, vector<16xf32>,
      %swap3A_1050 = vector.shape_cast %swap3A_1049 : vector<16xf32> to vector<16xf32>
      %swap3A_1051 = vector.shape_cast %max3A_1005 : vector<16xf32> to vector<16xf32>
      tpu.vector_store %arg16[%swap3A_1048], %swap3A_1051 {strides = array<i32>} : memref<64xf32, #tpu.memory_space<vmem>>, vector<16xf32>,
      %swap3A_1052 = arith.constant 0 : index
      %swap3A_1053 = tpu.vector_load %arg17[%swap3A_1052] {strides = array<i32>} : memref<64xf32, #tpu.memory_space<vmem>>, vector<16xf32>,
      %swap3A_1054 = vector.shape_cast %swap3A_1053 : vector<16xf32> to vector<16xf32>
      %swap3A_1055 = vector.shape_cast %max3A_1006 : vector<16xf32> to vector<16xf32>
      tpu.vector_store %arg17[%swap3A_1052], %swap3A_1055 {strides = array<i32>} : memref<64xf32, #tpu.memory_space<vmem>>, vector<16xf32>,
      %swap3A_1056 = arith.constant 32 : index
      %swap3A_1057 = tpu.vector_load %arg17[%swap3A_1056] {strides = array<i32>} : memref<64xf32, #tpu.memory_space<vmem>>, vector<16xf32>,
      %swap3A_1058 = vector.shape_cast %swap3A_1057 : vector<16xf32> to vector<16xf32>
      %swap3A_1059 = vector.shape_cast %max3A_1007 : vector<16xf32> to vector<16xf32>
      tpu.vector_store %arg17[%swap3A_1056], %swap3A_1059 {strides = array<i32>} : memref<64xf32, #tpu.memory_space<vmem>>, vector<16xf32>,
      %swap3A_1060 = arith.constant 0 : index
      %swap3A_1061 = tpu.vector_load %arg18[%swap3A_1060] {strides = array<i32>} : memref<64xf32, #tpu.memory_space<vmem>>, vector<16xf32>,
      %swap3A_1062 = vector.shape_cast %swap3A_1061 : vector<16xf32> to vector<16xf32>
      %swap3A_1063 = vector.shape_cast %max3A_1008 : vector<16xf32> to vector<16xf32>
      tpu.vector_store %arg18[%swap3A_1060], %swap3A_1063 {strides = array<i32>} : memref<64xf32, #tpu.memory_space<vmem>>, vector<16xf32>,
      %swap3A_1064 = arith.constant 32 : index
      %swap3A_1065 = tpu.vector_load %arg18[%swap3A_1064] {strides = array<i32>} : memref<64xf32, #tpu.memory_space<vmem>>, vector<16xf32>,
      %swap3A_1066 = vector.shape_cast %swap3A_1065 : vector<16xf32> to vector<16xf32>
      %swap3A_1067 = vector.shape_cast %max3A_1009 : vector<16xf32> to vector<16xf32>
      tpu.vector_store %arg18[%swap3A_1064], %swap3A_1067 {strides = array<i32>} : memref<64xf32, #tpu.memory_space<vmem>>, vector<16xf32>,
      %swap3A_1068 = arith.constant 0 : index
      %swap3A_1069 = tpu.vector_load %arg19[%swap3A_1068] {strides = array<i32>} : memref<64xf32, #tpu.memory_space<vmem>>, vector<16xf32>,
      %swap3A_1070 = vector.shape_cast %swap3A_1069 : vector<16xf32> to vector<16xf32>
      %swap3A_1071 = vector.shape_cast %max3A_1010 : vector<16xf32> to vector<16xf32>
      tpu.vector_store %arg19[%swap3A_1068], %swap3A_1071 {strides = array<i32>} : memref<64xf32, #tpu.memory_space<vmem>>, vector<16xf32>,
      %swap3A_1072 = arith.constant 32 : index
      %swap3A_1073 = tpu.vector_load %arg19[%swap3A_1072] {strides = array<i32>} : memref<64xf32, #tpu.memory_space<vmem>>, vector<16xf32>,
      %swap3A_1074 = vector.shape_cast %swap3A_1073 : vector<16xf32> to vector<16xf32>
      %swap3A_1075 = vector.shape_cast %max3A_1011 : vector<16xf32> to vector<16xf32>
      tpu.vector_store %arg19[%swap3A_1072], %swap3A_1075 {strides = array<i32>} : memref<64xf32, #tpu.memory_space<vmem>>, vector<16xf32>,
      %get3A_1076 = arith.constant 2 : index
      %get3A_1077 = tpu.vector_load %arg12[%get3A_1076] {strides = array<i32>} : memref<64xf32, #tpu.memory_space<vmem>>, vector<16xf32>,
      %get3A_1078 = vector.shape_cast %get3A_1077 : vector<16xf32> to vector<16xf32>
      %get3A_1079 = arith.constant 34 : index
      %get3A_1080 = tpu.vector_load %arg12[%get3A_1079] {strides = array<i32>} : memref<64xf32, #tpu.memory_space<vmem>>, vector<16xf32>,
      %get3A_1081 = vector.shape_cast %get3A_1080 : vector<16xf32> to vector<16xf32>
      %get3A_1082 = arith.constant 2 : index
      %get3A_1083 = tpu.vector_load %arg13[%get3A_1082] {strides = array<i32>} : memref<64xf32, #tpu.memory_space<vmem>>, vector<16xf32>,
      %get3A_1084 = vector.shape_cast %get3A_1083 : vector<16xf32> to vector<16xf32>
      %get3A_1085 = arith.constant 34 : index
      %get3A_1086 = tpu.vector_load %arg13[%get3A_1085] {strides = array<i32>} : memref<64xf32, #tpu.memory_space<vmem>>, vector<16xf32>,
      %get3A_1087 = vector.shape_cast %get3A_1086 : vector<16xf32> to vector<16xf32>
      %get3A_1088 = arith.constant 2 : index
      %get3A_1089 = tpu.vector_load %arg14[%get3A_1088] {strides = array<i32>} : memref<64xf32, #tpu.memory_space<vmem>>, vector<16xf32>,
      %get3A_1090 = vector.shape_cast %get3A_1089 : vector<16xf32> to vector<16xf32>
      %get3A_1091 = arith.constant 34 : index
      %get3A_1092 = tpu.vector_load %arg14[%get3A_1091] {strides = array<i32>} : memref<64xf32, #tpu.memory_space<vmem>>, vector<16xf32>,
      %get3A_1093 = vector.shape_cast %get3A_1092 : vector<16xf32> to vector<16xf32>
      %get3A_1094 = arith.constant 2 : index
      %get3A_1095 = tpu.vector_load %arg15[%get3A_1094] {strides = array<i32>} : memref<64xf32, #tpu.memory_space<vmem>>, vector<16xf32>,
      %get3A_1096 = vector.shape_cast %get3A_1095 : vector<16xf32> to vector<16xf32>
      %get3A_1097 = arith.constant 34 : index
      %get3A_1098 = tpu.vector_load %arg15[%get3A_1097] {strides = array<i32>} : memref<64xf32, #tpu.memory_space<vmem>>, vector<16xf32>,
      %get3A_1099 = vector.shape_cast %get3A_1098 : vector<16xf32> to vector<16xf32>
      %get3A_1100 = arith.constant 2 : index
      %get3A_1101 = tpu.vector_load %arg16[%get3A_1100] {strides = array<i32>} : memref<64xf32, #tpu.memory_space<vmem>>, vector<16xf32>,
      %get3A_1102 = vector.shape_cast %get3A_1101 : vector<16xf32> to vector<16xf32>
      %get3A_1103 = arith.constant 34 : index
      %get3A_1104 = tpu.vector_load %arg16[%get3A_1103] {strides = array<i32>} : memref<64xf32, #tpu.memory_space<vmem>>, vector<16xf32>,
      %get3A_1105 = vector.shape_cast %get3A_1104 : vector<16xf32> to vector<16xf32>
      %get3A_1106 = arith.constant 2 : index
      %get3A_1107 = tpu.vector_load %arg17[%get3A_1106] {strides = array<i32>} : memref<64xf32, #tpu.memory_space<vmem>>, vector<16xf32>,
      %get3A_1108 = vector.shape_cast %get3A_1107 : vector<16xf32> to vector<16xf32>
      %get3A_1109 = arith.constant 34 : index
      %get3A_1110 = tpu.vector_load %arg17[%get3A_1109] {strides = array<i32>} : memref<64xf32, #tpu.memory_space<vmem>>, vector<16xf32>,
      %get3A_1111 = vector.shape_cast %get3A_1110 : vector<16xf32> to vector<16xf32>
      %get3A_1112 = arith.constant 2 : index
      %get3A_1113 = tpu.vector_load %arg18[%get3A_1112] {strides = array<i32>} : memref<64xf32, #tpu.memory_space<vmem>>, vector<16xf32>,
      %get3A_1114 = vector.shape_cast %get3A_1113 : vector<16xf32> to vector<16xf32>
      %get3A_1115 = arith.constant 34 : index
      %get3A_1116 = tpu.vector_load %arg18[%get3A_1115] {strides = array<i32>} : memref<64xf32, #tpu.memory_space<vmem>>, vector<16xf32>,
      %get3A_1117 = vector.shape_cast %get3A_1116 : vector<16xf32> to vector<16xf32>
      %get3A_1118 = arith.constant 2 : index
      %get3A_1119 = tpu.vector_load %arg19[%get3A_1118] {strides = array<i32>} : memref<64xf32, #tpu.memory_space<vmem>>, vector<16xf32>,
      %get3A_1120 = vector.shape_cast %get3A_1119 : vector<16xf32> to vector<16xf32>
      %get3A_1121 = arith.constant 34 : index
      %get3A_1122 = tpu.vector_load %arg19[%get3A_1121] {strides = array<i32>} : memref<64xf32, #tpu.memory_space<vmem>>, vector<16xf32>,
      %get3A_1123 = vector.shape_cast %get3A_1122 : vector<16xf32> to vector<16xf32>
      %max3A_1124 = arith.maximumf %max3A_996, %get3A_1078 : vector<16xf32>
      %max3A_1125 = arith.maximumf %max3A_997, %get3A_1081 : vector<16xf32>
      %max3A_1126 = arith.maximumf %max3A_998, %get3A_1084 : vector<16xf32>
      %max3A_1127 = arith.maximumf %max3A_999, %get3A_1087 : vector<16xf32>
      %max3A_1128 = arith.maximumf %max3A_1000, %get3A_1090 : vector<16xf32>
      %max3A_1129 = arith.maximumf %max3A_1001, %get3A_1093 : vector<16xf32>
      %max3A_1130 = arith.maximumf %max3A_1002, %get3A_1096 : vector<16xf32>
      %max3A_1131 = arith.maximumf %max3A_1003, %get3A_1099 : vector<16xf32>
      %max3A_1132 = arith.maximumf %max3A_1004, %get3A_1102 : vector<16xf32>
      %max3A_1133 = arith.maximumf %max3A_1005, %get3A_1105 : vector<16xf32>
      %max3A_1134 = arith.maximumf %max3A_1006, %get3A_1108 : vector<16xf32>
      %max3A_1135 = arith.maximumf %max3A_1007, %get3A_1111 : vector<16xf32>
      %max3A_1136 = arith.maximumf %max3A_1008, %get3A_1114 : vector<16xf32>
      %max3A_1137 = arith.maximumf %max3A_1009, %get3A_1117 : vector<16xf32>
      %max3A_1138 = arith.maximumf %max3A_1010, %get3A_1120 : vector<16xf32>
      %max3A_1139 = arith.maximumf %max3A_1011, %get3A_1123 : vector<16xf32>
      %swap3A_1140 = arith.constant 0 : index
      %swap3A_1141 = tpu.vector_load %arg12[%swap3A_1140] {strides = array<i32>} : memref<64xf32, #tpu.memory_space<vmem>>, vector<16xf32>,
      %swap3A_1142 = vector.shape_cast %swap3A_1141 : vector<16xf32> to vector<16xf32>
      %swap3A_1143 = vector.shape_cast %max3A_1124 : vector<16xf32> to vector<16xf32>
      tpu.vector_store %arg12[%swap3A_1140], %swap3A_1143 {strides = array<i32>} : memref<64xf32, #tpu.memory_space<vmem>>, vector<16xf32>,
      %swap3A_1144 = arith.constant 32 : index
      %swap3A_1145 = tpu.vector_load %arg12[%swap3A_1144] {strides = array<i32>} : memref<64xf32, #tpu.memory_space<vmem>>, vector<16xf32>,
      %swap3A_1146 = vector.shape_cast %swap3A_1145 : vector<16xf32> to vector<16xf32>
      %swap3A_1147 = vector.shape_cast %max3A_1125 : vector<16xf32> to vector<16xf32>
      tpu.vector_store %arg12[%swap3A_1144], %swap3A_1147 {strides = array<i32>} : memref<64xf32, #tpu.memory_space<vmem>>, vector<16xf32>,
      %swap3A_1148 = arith.constant 0 : index
      %swap3A_1149 = tpu.vector_load %arg13[%swap3A_1148] {strides = array<i32>} : memref<64xf32, #tpu.memory_space<vmem>>, vector<16xf32>,
      %swap3A_1150 = vector.shape_cast %swap3A_1149 : vector<16xf32> to vector<16xf32>
      %swap3A_1151 = vector.shape_cast %max3A_1126 : vector<16xf32> to vector<16xf32>
      tpu.vector_store %arg13[%swap3A_1148], %swap3A_1151 {strides = array<i32>} : memref<64xf32, #tpu.memory_space<vmem>>, vector<16xf32>,
      %swap3A_1152 = arith.constant 32 : index
      %swap3A_1153 = tpu.vector_load %arg13[%swap3A_1152] {strides = array<i32>} : memref<64xf32, #tpu.memory_space<vmem>>, vector<16xf32>,
      %swap3A_1154 = vector.shape_cast %swap3A_1153 : vector<16xf32> to vector<16xf32>
      %swap3A_1155 = vector.shape_cast %max3A_1127 : vector<16xf32> to vector<16xf32>
      tpu.vector_store %arg13[%swap3A_1152], %swap3A_1155 {strides = array<i32>} : memref<64xf32, #tpu.memory_space<vmem>>, vector<16xf32>,
      %swap3A_1156 = arith.constant 0 : index
      %swap3A_1157 = tpu.vector_load %arg14[%swap3A_1156] {strides = array<i32>} : memref<64xf32, #tpu.memory_space<vmem>>, vector<16xf32>,
      %swap3A_1158 = vector.shape_cast %swap3A_1157 : vector<16xf32> to vector<16xf32>
      %swap3A_1159 = vector.shape_cast %max3A_1128 : vector<16xf32> to vector<16xf32>
      tpu.vector_store %arg14[%swap3A_1156], %swap3A_1159 {strides = array<i32>} : memref<64xf32, #tpu.memory_space<vmem>>, vector<16xf32>,
      %swap3A_1160 = arith.constant 32 : index
      %swap3A_1161 = tpu.vector_load %arg14[%swap3A_1160] {strides = array<i32>} : memref<64xf32, #tpu.memory_space<vmem>>, vector<16xf32>,
      %swap3A_1162 = vector.shape_cast %swap3A_1161 : vector<16xf32> to vector<16xf32>
      %swap3A_1163 = vector.shape_cast %max3A_1129 : vector<16xf32> to vector<16xf32>
      tpu.vector_store %arg14[%swap3A_1160], %swap3A_1163 {strides = array<i32>} : memref<64xf32, #tpu.memory_space<vmem>>, vector<16xf32>,
      %swap3A_1164 = arith.constant 0 : index
      %swap3A_1165 = tpu.vector_load %arg15[%swap3A_1164] {strides = array<i32>} : memref<64xf32, #tpu.memory_space<vmem>>, vector<16xf32>,
      %swap3A_1166 = vector.shape_cast %swap3A_1165 : vector<16xf32> to vector<16xf32>
      %swap3A_1167 = vector.shape_cast %max3A_1130 : vector<16xf32> to vector<16xf32>
      tpu.vector_store %arg15[%swap3A_1164], %swap3A_1167 {strides = array<i32>} : memref<64xf32, #tpu.memory_space<vmem>>, vector<16xf32>,
      %swap3A_1168 = arith.constant 32 : index
      %swap3A_1169 = tpu.vector_load %arg15[%swap3A_1168] {strides = array<i32>} : memref<64xf32, #tpu.memory_space<vmem>>, vector<16xf32>,
      %swap3A_1170 = vector.shape_cast %swap3A_1169 : vector<16xf32> to vector<16xf32>
      %swap3A_1171 = vector.shape_cast %max3A_1131 : vector<16xf32> to vector<16xf32>
      tpu.vector_store %arg15[%swap3A_1168], %swap3A_1171 {strides = array<i32>} : memref<64xf32, #tpu.memory_space<vmem>>, vector<16xf32>,
      %swap3A_1172 = arith.constant 0 : index
      %swap3A_1173 = tpu.vector_load %arg16[%swap3A_1172] {strides = array<i32>} : memref<64xf32, #tpu.memory_space<vmem>>, vector<16xf32>,
      %swap3A_1174 = vector.shape_cast %swap3A_1173 : vector<16xf32> to vector<16xf32>
      %swap3A_1175 = vector.shape_cast %max3A_1132 : vector<16xf32> to vector<16xf32>
      tpu.vector_store %arg16[%swap3A_1172], %swap3A_1175 {strides = array<i32>} : memref<64xf32, #tpu.memory_space<vmem>>, vector<16xf32>,
      %swap3A_1176 = arith.constant 32 : index
      %swap3A_1177 = tpu.vector_load %arg16[%swap3A_1176] {strides = array<i32>} : memref<64xf32, #tpu.memory_space<vmem>>, vector<16xf32>,
      %swap3A_1178 = vector.shape_cast %swap3A_1177 : vector<16xf32> to vector<16xf32>
      %swap3A_1179 = vector.shape_cast %max3A_1133 : vector<16xf32> to vector<16xf32>
      tpu.vector_store %arg16[%swap3A_1176], %swap3A_1179 {strides = array<i32>} : memref<64xf32, #tpu.memory_space<vmem>>, vector<16xf32>,
      %swap3A_1180 = arith.constant 0 : index
      %swap3A_1181 = tpu.vector_load %arg17[%swap3A_1180] {strides = array<i32>} : memref<64xf32, #tpu.memory_space<vmem>>, vector<16xf32>,
      %swap3A_1182 = vector.shape_cast %swap3A_1181 : vector<16xf32> to vector<16xf32>
      %swap3A_1183 = vector.shape_cast %max3A_1134 : vector<16xf32> to vector<16xf32>
      tpu.vector_store %arg17[%swap3A_1180], %swap3A_1183 {strides = array<i32>} : memref<64xf32, #tpu.memory_space<vmem>>, vector<16xf32>,
      %swap3A_1184 = arith.constant 32 : index
      %swap3A_1185 = tpu.vector_load %arg17[%swap3A_1184] {strides = array<i32>} : memref<64xf32, #tpu.memory_space<vmem>>, vector<16xf32>,
      %swap3A_1186 = vector.shape_cast %swap3A_1185 : vector<16xf32> to vector<16xf32>
      %swap3A_1187 = vector.shape_cast %max3A_1135 : vector<16xf32> to vector<16xf32>
      tpu.vector_store %arg17[%swap3A_1184], %swap3A_1187 {strides = array<i32>} : memref<64xf32, #tpu.memory_space<vmem>>, vector<16xf32>,
      %swap3A_1188 = arith.constant 0 : index
      %swap3A_1189 = tpu.vector_load %arg18[%swap3A_1188] {strides = array<i32>} : memref<64xf32, #tpu.memory_space<vmem>>, vector<16xf32>,
      %swap3A_1190 = vector.shape_cast %swap3A_1189 : vector<16xf32> to vector<16xf32>
      %swap3A_1191 = vector.shape_cast %max3A_1136 : vector<16xf32> to vector<16xf32>
      tpu.vector_store %arg18[%swap3A_1188], %swap3A_1191 {strides = array<i32>} : memref<64xf32, #tpu.memory_space<vmem>>, vector<16xf32>,
      %swap3A_1192 = arith.constant 32 : index
      %swap3A_1193 = tpu.vector_load %arg18[%swap3A_1192] {strides = array<i32>} : memref<64xf32, #tpu.memory_space<vmem>>, vector<16xf32>,
      %swap3A_1194 = vector.shape_cast %swap3A_1193 : vector<16xf32> to vector<16xf32>
      %swap3A_1195 = vector.shape_cast %max3A_1137 : vector<16xf32> to vector<16xf32>
      tpu.vector_store %arg18[%swap3A_1192], %swap3A_1195 {strides = array<i32>} : memref<64xf32, #tpu.memory_space<vmem>>, vector<16xf32>,
      %swap3A_1196 = arith.constant 0 : index
      %swap3A_1197 = tpu.vector_load %arg19[%swap3A_1196] {strides = array<i32>} : memref<64xf32, #tpu.memory_space<vmem>>, vector<16xf32>,
      %swap3A_1198 = vector.shape_cast %swap3A_1197 : vector<16xf32> to vector<16xf32>
      %swap3A_1199 = vector.shape_cast %max3A_1138 : vector<16xf32> to vector<16xf32>
      tpu.vector_store %arg19[%swap3A_1196], %swap3A_1199 {strides = array<i32>} : memref<64xf32, #tpu.memory_space<vmem>>, vector<16xf32>,
      %swap3A_1200 = arith.constant 32 : index
      %swap3A_1201 = tpu.vector_load %arg19[%swap3A_1200] {strides = array<i32>} : memref<64xf32, #tpu.memory_space<vmem>>, vector<16xf32>,
      %swap3A_1202 = vector.shape_cast %swap3A_1201 : vector<16xf32> to vector<16xf32>
      %swap3A_1203 = vector.shape_cast %max3A_1139 : vector<16xf32> to vector<16xf32>
      tpu.vector_store %arg19[%swap3A_1200], %swap3A_1203 {strides = array<i32>} : memref<64xf32, #tpu.memory_space<vmem>>, vector<16xf32>,
      %get3A_1204 = arith.constant 1 : index
      %get3A_1205 = tpu.vector_load %arg12[%get3A_1204] {strides = array<i32>} : memref<64xf32, #tpu.memory_space<vmem>>, vector<16xf32>,
      %get3A_1206 = vector.shape_cast %get3A_1205 : vector<16xf32> to vector<16xf32>
      %get3A_1207 = arith.constant 33 : index
      %get3A_1208 = tpu.vector_load %arg12[%get3A_1207] {strides = array<i32>} : memref<64xf32, #tpu.memory_space<vmem>>, vector<16xf32>,
      %get3A_1209 = vector.shape_cast %get3A_1208 : vector<16xf32> to vector<16xf32>
      %get3A_1210 = arith.constant 1 : index
      %get3A_1211 = tpu.vector_load %arg13[%get3A_1210] {strides = array<i32>} : memref<64xf32, #tpu.memory_space<vmem>>, vector<16xf32>,
      %get3A_1212 = vector.shape_cast %get3A_1211 : vector<16xf32> to vector<16xf32>
      %get3A_1213 = arith.constant 33 : index
      %get3A_1214 = tpu.vector_load %arg13[%get3A_1213] {strides = array<i32>} : memref<64xf32, #tpu.memory_space<vmem>>, vector<16xf32>,
      %get3A_1215 = vector.shape_cast %get3A_1214 : vector<16xf32> to vector<16xf32>
      %get3A_1216 = arith.constant 1 : index
      %get3A_1217 = tpu.vector_load %arg14[%get3A_1216] {strides = array<i32>} : memref<64xf32, #tpu.memory_space<vmem>>, vector<16xf32>,
      %get3A_1218 = vector.shape_cast %get3A_1217 : vector<16xf32> to vector<16xf32>
      %get3A_1219 = arith.constant 33 : index
      %get3A_1220 = tpu.vector_load %arg14[%get3A_1219] {strides = array<i32>} : memref<64xf32, #tpu.memory_space<vmem>>, vector<16xf32>,
      %get3A_1221 = vector.shape_cast %get3A_1220 : vector<16xf32> to vector<16xf32>
      %get3A_1222 = arith.constant 1 : index
      %get3A_1223 = tpu.vector_load %arg15[%get3A_1222] {strides = array<i32>} : memref<64xf32, #tpu.memory_space<vmem>>, vector<16xf32>,
      %get3A_1224 = vector.shape_cast %get3A_1223 : vector<16xf32> to vector<16xf32>
      %get3A_1225 = arith.constant 33 : index
      %get3A_1226 = tpu.vector_load %arg15[%get3A_1225] {strides = array<i32>} : memref<64xf32, #tpu.memory_space<vmem>>, vector<16xf32>,
      %get3A_1227 = vector.shape_cast %get3A_1226 : vector<16xf32> to vector<16xf32>
      %get3A_1228 = arith.constant 1 : index
      %get3A_1229 = tpu.vector_load %arg16[%get3A_1228] {strides = array<i32>} : memref<64xf32, #tpu.memory_space<vmem>>, vector<16xf32>,
      %get3A_1230 = vector.shape_cast %get3A_1229 : vector<16xf32> to vector<16xf32>
      %get3A_1231 = arith.constant 33 : index
      %get3A_1232 = tpu.vector_load %arg16[%get3A_1231] {strides = array<i32>} : memref<64xf32, #tpu.memory_space<vmem>>, vector<16xf32>,
      %get3A_1233 = vector.shape_cast %get3A_1232 : vector<16xf32> to vector<16xf32>
      %get3A_1234 = arith.constant 1 : index
      %get3A_1235 = tpu.vector_load %arg17[%get3A_1234] {strides = array<i32>} : memref<64xf32, #tpu.memory_space<vmem>>, vector<16xf32>,
      %get3A_1236 = vector.shape_cast %get3A_1235 : vector<16xf32> to vector<16xf32>
      %get3A_1237 = arith.constant 33 : index
      %get3A_1238 = tpu.vector_load %arg17[%get3A_1237] {strides = array<i32>} : memref<64xf32, #tpu.memory_space<vmem>>, vector<16xf32>,
      %get3A_1239 = vector.shape_cast %get3A_1238 : vector<16xf32> to vector<16xf32>
      %get3A_1240 = arith.constant 1 : index
      %get3A_1241 = tpu.vector_load %arg18[%get3A_1240] {strides = array<i32>} : memref<64xf32, #tpu.memory_space<vmem>>, vector<16xf32>,
      %get3A_1242 = vector.shape_cast %get3A_1241 : vector<16xf32> to vector<16xf32>
      %get3A_1243 = arith.constant 33 : index
      %get3A_1244 = tpu.vector_load %arg18[%get3A_1243] {strides = array<i32>} : memref<64xf32, #tpu.memory_space<vmem>>, vector<16xf32>,
      %get3A_1245 = vector.shape_cast %get3A_1244 : vector<16xf32> to vector<16xf32>
      %get3A_1246 = arith.constant 1 : index
      %get3A_1247 = tpu.vector_load %arg19[%get3A_1246] {strides = array<i32>} : memref<64xf32, #tpu.memory_space<vmem>>, vector<16xf32>,
      %get3A_1248 = vector.shape_cast %get3A_1247 : vector<16xf32> to vector<16xf32>
      %get3A_1249 = arith.constant 33 : index
      %get3A_1250 = tpu.vector_load %arg19[%get3A_1249] {strides = array<i32>} : memref<64xf32, #tpu.memory_space<vmem>>, vector<16xf32>,
      %get3A_1251 = vector.shape_cast %get3A_1250 : vector<16xf32> to vector<16xf32>
      %max3A_1252 = arith.maximumf %max3A_1124, %get3A_1206 : vector<16xf32>
      %max3A_1253 = arith.maximumf %max3A_1125, %get3A_1209 : vector<16xf32>
      %max3A_1254 = arith.maximumf %max3A_1126, %get3A_1212 : vector<16xf32>
      %max3A_1255 = arith.maximumf %max3A_1127, %get3A_1215 : vector<16xf32>
      %max3A_1256 = arith.maximumf %max3A_1128, %get3A_1218 : vector<16xf32>
      %max3A_1257 = arith.maximumf %max3A_1129, %get3A_1221 : vector<16xf32>
      %max3A_1258 = arith.maximumf %max3A_1130, %get3A_1224 : vector<16xf32>
      %max3A_1259 = arith.maximumf %max3A_1131, %get3A_1227 : vector<16xf32>
      %max3A_1260 = arith.maximumf %max3A_1132, %get3A_1230 : vector<16xf32>
      %max3A_1261 = arith.maximumf %max3A_1133, %get3A_1233 : vector<16xf32>
      %max3A_1262 = arith.maximumf %max3A_1134, %get3A_1236 : vector<16xf32>
      %max3A_1263 = arith.maximumf %max3A_1135, %get3A_1239 : vector<16xf32>
      %max3A_1264 = arith.maximumf %max3A_1136, %get3A_1242 : vector<16xf32>
      %max3A_1265 = arith.maximumf %max3A_1137, %get3A_1245 : vector<16xf32>
      %max3A_1266 = arith.maximumf %max3A_1138, %get3A_1248 : vector<16xf32>
      %max3A_1267 = arith.maximumf %max3A_1139, %get3A_1251 : vector<16xf32>
      %eq3A = arith.constant 0 : i32
      %eq3A_1268 = vector.broadcast %eq3A : i32 to vector<16xi32>
      %eq3A_1269 = arith.cmpi eq, %iota3A, %eq3A_1268 : vector<16xi32>
      %slice3A_1270 = vector.extract_strided_slice %max3A_1252 {offsets = [0], sizes = [1], strides = [1]} : vector<16xf32> to vector<1xf32>
      %squeeze3A_1271 = vector.extract %slice3A_1270[0] : f32 from vector<1xf32>
      %broadcast_in_dim3A_1272 = vector.broadcast %squeeze3A_1271 : f32 to vector<16xf32>
      %select_n3A = arith.select %eq3A_1269, %broadcast_in_dim3A_1272, %broadcast_in_dim3A_547 : vector<16xi1>, vector<16xf32>
      %eq3A_1273 = arith.constant 0 : i32
      %eq3A_1274 = vector.broadcast %eq3A_1273 : i32 to vector<16xi32>
      %eq3A_1275 = arith.cmpi eq, %iota3A, %eq3A_1274 : vector<16xi32>
      %slice3A_1276 = vector.extract_strided_slice %max3A_1253 {offsets = [0], sizes = [1], strides = [1]} : vector<16xf32> to vector<1xf32>
      %squeeze3A_1277 = vector.extract %slice3A_1276[0] : f32 from vector<1xf32>
      %broadcast_in_dim3A_1278 = vector.broadcast %squeeze3A_1277 : f32 to vector<16xf32>
      %select_n3A_1279 = arith.select %eq3A_1275, %broadcast_in_dim3A_1278, %broadcast_in_dim3A_549 : vector<16xi1>, vector<16xf32>
      %eq3A_1280 = arith.constant 1 : i32
      %eq3A_1281 = vector.broadcast %eq3A_1280 : i32 to vector<16xi32>
      %eq3A_1282 = arith.cmpi eq, %iota3A, %eq3A_1281 : vector<16xi32>
      %slice3A_1283 = vector.extract_strided_slice %max3A_1254 {offsets = [0], sizes = [1], strides = [1]} : vector<16xf32> to vector<1xf32>
      %squeeze3A_1284 = vector.extract %slice3A_1283[0] : f32 from vector<1xf32>
      %broadcast_in_dim3A_1285 = vector.broadcast %squeeze3A_1284 : f32 to vector<16xf32>
      %select_n3A_1286 = arith.select %eq3A_1282, %broadcast_in_dim3A_1285, %select_n3A : vector<16xi1>, vector<16xf32>
      %eq3A_1287 = arith.constant 1 : i32
      %eq3A_1288 = vector.broadcast %eq3A_1287 : i32 to vector<16xi32>
      %eq3A_1289 = arith.cmpi eq, %iota3A, %eq3A_1288 : vector<16xi32>
      %slice3A_1290 = vector.extract_strided_slice %max3A_1255 {offsets = [0], sizes = [1], strides = [1]} : vector<16xf32> to vector<1xf32>
      %squeeze3A_1291 = vector.extract %slice3A_1290[0] : f32 from vector<1xf32>
      %broadcast_in_dim3A_1292 = vector.broadcast %squeeze3A_1291 : f32 to vector<16xf32>
      %select_n3A_1293 = arith.select %eq3A_1289, %broadcast_in_dim3A_1292, %select_n3A_1279 : vector<16xi1>, vector<16xf32>
      %eq3A_1294 = arith.constant 2 : i32
      %eq3A_1295 = vector.broadcast %eq3A_1294 : i32 to vector<16xi32>
      %eq3A_1296 = arith.cmpi eq, %iota3A, %eq3A_1295 : vector<16xi32>
      %slice3A_1297 = vector.extract_strided_slice %max3A_1256 {offsets = [0], sizes = [1], strides = [1]} : vector<16xf32> to vector<1xf32>
      %squeeze3A_1298 = vector.extract %slice3A_1297[0] : f32 from vector<1xf32>
      %broadcast_in_dim3A_1299 = vector.broadcast %squeeze3A_1298 : f32 to vector<16xf32>
      %select_n3A_1300 = arith.select %eq3A_1296, %broadcast_in_dim3A_1299, %select_n3A_1286 : vector<16xi1>, vector<16xf32>
      %eq3A_1301 = arith.constant 2 : i32
      %eq3A_1302 = vector.broadcast %eq3A_1301 : i32 to vector<16xi32>
      %eq3A_1303 = arith.cmpi eq, %iota3A, %eq3A_1302 : vector<16xi32>
      %slice3A_1304 = vector.extract_strided_slice %max3A_1257 {offsets = [0], sizes = [1], strides = [1]} : vector<16xf32> to vector<1xf32>
      %squeeze3A_1305 = vector.extract %slice3A_1304[0] : f32 from vector<1xf32>
      %broadcast_in_dim3A_1306 = vector.broadcast %squeeze3A_1305 : f32 to vector<16xf32>
      %select_n3A_1307 = arith.select %eq3A_1303, %broadcast_in_dim3A_1306, %select_n3A_1293 : vector<16xi1>, vector<16xf32>
      %eq3A_1308 = arith.constant 3 : i32
      %eq3A_1309 = vector.broadcast %eq3A_1308 : i32 to vector<16xi32>
      %eq3A_1310 = arith.cmpi eq, %iota3A, %eq3A_1309 : vector<16xi32>
      %slice3A_1311 = vector.extract_strided_slice %max3A_1258 {offsets = [0], sizes = [1], strides = [1]} : vector<16xf32> to vector<1xf32>
      %squeeze3A_1312 = vector.extract %slice3A_1311[0] : f32 from vector<1xf32>
      %broadcast_in_dim3A_1313 = vector.broadcast %squeeze3A_1312 : f32 to vector<16xf32>
      %select_n3A_1314 = arith.select %eq3A_1310, %broadcast_in_dim3A_1313, %select_n3A_1300 : vector<16xi1>, vector<16xf32>
      %eq3A_1315 = arith.constant 3 : i32
      %eq3A_1316 = vector.broadcast %eq3A_1315 : i32 to vector<16xi32>
      %eq3A_1317 = arith.cmpi eq, %iota3A, %eq3A_1316 : vector<16xi32>
      %slice3A_1318 = vector.extract_strided_slice %max3A_1259 {offsets = [0], sizes = [1], strides = [1]} : vector<16xf32> to vector<1xf32>
      %squeeze3A_1319 = vector.extract %slice3A_1318[0] : f32 from vector<1xf32>
      %broadcast_in_dim3A_1320 = vector.broadcast %squeeze3A_1319 : f32 to vector<16xf32>
      %select_n3A_1321 = arith.select %eq3A_1317, %broadcast_in_dim3A_1320, %select_n3A_1307 : vector<16xi1>, vector<16xf32>
      %eq3A_1322 = arith.constant 4 : i32
      %eq3A_1323 = vector.broadcast %eq3A_1322 : i32 to vector<16xi32>
      %eq3A_1324 = arith.cmpi eq, %iota3A, %eq3A_1323 : vector<16xi32>
      %slice3A_1325 = vector.extract_strided_slice %max3A_1260 {offsets = [0], sizes = [1], strides = [1]} : vector<16xf32> to vector<1xf32>
      %squeeze3A_1326 = vector.extract %slice3A_1325[0] : f32 from vector<1xf32>
      %broadcast_in_dim3A_1327 = vector.broadcast %squeeze3A_1326 : f32 to vector<16xf32>
      %select_n3A_1328 = arith.select %eq3A_1324, %broadcast_in_dim3A_1327, %select_n3A_1314 : vector<16xi1>, vector<16xf32>
      %eq3A_1329 = arith.constant 4 : i32
      %eq3A_1330 = vector.broadcast %eq3A_1329 : i32 to vector<16xi32>
      %eq3A_1331 = arith.cmpi eq, %iota3A, %eq3A_1330 : vector<16xi32>
      %slice3A_1332 = vector.extract_strided_slice %max3A_1261 {offsets = [0], sizes = [1], strides = [1]} : vector<16xf32> to vector<1xf32>
      %squeeze3A_1333 = vector.extract %slice3A_1332[0] : f32 from vector<1xf32>
      %broadcast_in_dim3A_1334 = vector.broadcast %squeeze3A_1333 : f32 to vector<16xf32>
      %select_n3A_1335 = arith.select %eq3A_1331, %broadcast_in_dim3A_1334, %select_n3A_1321 : vector<16xi1>, vector<16xf32>
      %eq3A_1336 = arith.constant 5 : i32
      %eq3A_1337 = vector.broadcast %eq3A_1336 : i32 to vector<16xi32>
      %eq3A_1338 = arith.cmpi eq, %iota3A, %eq3A_1337 : vector<16xi32>
      %slice3A_1339 = vector.extract_strided_slice %max3A_1262 {offsets = [0], sizes = [1], strides = [1]} : vector<16xf32> to vector<1xf32>
      %squeeze3A_1340 = vector.extract %slice3A_1339[0] : f32 from vector<1xf32>
      %broadcast_in_dim3A_1341 = vector.broadcast %squeeze3A_1340 : f32 to vector<16xf32>
      %select_n3A_1342 = arith.select %eq3A_1338, %broadcast_in_dim3A_1341, %select_n3A_1328 : vector<16xi1>, vector<16xf32>
      %eq3A_1343 = arith.constant 5 : i32
      %eq3A_1344 = vector.broadcast %eq3A_1343 : i32 to vector<16xi32>
      %eq3A_1345 = arith.cmpi eq, %iota3A, %eq3A_1344 : vector<16xi32>
      %slice3A_1346 = vector.extract_strided_slice %max3A_1263 {offsets = [0], sizes = [1], strides = [1]} : vector<16xf32> to vector<1xf32>
      %squeeze3A_1347 = vector.extract %slice3A_1346[0] : f32 from vector<1xf32>
      %broadcast_in_dim3A_1348 = vector.broadcast %squeeze3A_1347 : f32 to vector<16xf32>
      %select_n3A_1349 = arith.select %eq3A_1345, %broadcast_in_dim3A_1348, %select_n3A_1335 : vector<16xi1>, vector<16xf32>
      %eq3A_1350 = arith.constant 6 : i32
      %eq3A_1351 = vector.broadcast %eq3A_1350 : i32 to vector<16xi32>
      %eq3A_1352 = arith.cmpi eq, %iota3A, %eq3A_1351 : vector<16xi32>
      %slice3A_1353 = vector.extract_strided_slice %max3A_1264 {offsets = [0], sizes = [1], strides = [1]} : vector<16xf32> to vector<1xf32>
      %squeeze3A_1354 = vector.extract %slice3A_1353[0] : f32 from vector<1xf32>
      %broadcast_in_dim3A_1355 = vector.broadcast %squeeze3A_1354 : f32 to vector<16xf32>
      %select_n3A_1356 = arith.select %eq3A_1352, %broadcast_in_dim3A_1355, %select_n3A_1342 : vector<16xi1>, vector<16xf32>
      %eq3A_1357 = arith.constant 6 : i32
      %eq3A_1358 = vector.broadcast %eq3A_1357 : i32 to vector<16xi32>
      %eq3A_1359 = arith.cmpi eq, %iota3A, %eq3A_1358 : vector<16xi32>
      %slice3A_1360 = vector.extract_strided_slice %max3A_1265 {offsets = [0], sizes = [1], strides = [1]} : vector<16xf32> to vector<1xf32>
      %squeeze3A_1361 = vector.extract %slice3A_1360[0] : f32 from vector<1xf32>
      %broadcast_in_dim3A_1362 = vector.broadcast %squeeze3A_1361 : f32 to vector<16xf32>
      %select_n3A_1363 = arith.select %eq3A_1359, %broadcast_in_dim3A_1362, %select_n3A_1349 : vector<16xi1>, vector<16xf32>
      %eq3A_1364 = arith.constant 7 : i32
      %eq3A_1365 = vector.broadcast %eq3A_1364 : i32 to vector<16xi32>
      %eq3A_1366 = arith.cmpi eq, %iota3A, %eq3A_1365 : vector<16xi32>
      %slice3A_1367 = vector.extract_strided_slice %max3A_1266 {offsets = [0], sizes = [1], strides = [1]} : vector<16xf32> to vector<1xf32>
      %squeeze3A_1368 = vector.extract %slice3A_1367[0] : f32 from vector<1xf32>
      %broadcast_in_dim3A_1369 = vector.broadcast %squeeze3A_1368 : f32 to vector<16xf32>
      %select_n3A_1370 = arith.select %eq3A_1366, %broadcast_in_dim3A_1369, %select_n3A_1356 : vector<16xi1>, vector<16xf32>
      %eq3A_1371 = arith.constant 7 : i32
      %eq3A_1372 = vector.broadcast %eq3A_1371 : i32 to vector<16xi32>
      %eq3A_1373 = arith.cmpi eq, %iota3A, %eq3A_1372 : vector<16xi32>
      %slice3A_1374 = vector.extract_strided_slice %max3A_1267 {offsets = [0], sizes = [1], strides = [1]} : vector<16xf32> to vector<1xf32>
      %squeeze3A_1375 = vector.extract %slice3A_1374[0] : f32 from vector<1xf32>
      %broadcast_in_dim3A_1376 = vector.broadcast %squeeze3A_1375 : f32 to vector<16xf32>
      %select_n3A_1377 = arith.select %eq3A_1373, %broadcast_in_dim3A_1376, %select_n3A_1363 : vector<16xi1>, vector<16xf32>
      %mul3A_1378 = arith.constant 512 : i32
      %mul3A_1379 = arith.muli %scan3A_544, %mul3A_1378 : i32
      %add3A_1380 = arith.constant 256 : i32
      %add3A_1381 = arith.addi %mul3A_1379, %add3A_1380 : i32
      %get3A_1382 = arith.index_cast %add3A_1381 : i32 to index
      %get3A_1383 = tpu.vector_load %arg4[%get3A_1382] {strides = array<i32>} : memref<8192xf32, #tpu.memory_space<vmem>>, vector<16xf32>,
      %get3A_1384 = vector.shape_cast %get3A_1383 : vector<16xf32> to vector<16xf32>
      %add3A_1385 = arith.constant 16 : i32
      %add3A_1386 = arith.addi %add3A_1381, %add3A_1385 : i32
      %get3A_1387 = arith.index_cast %add3A_1386 : i32 to index
      %get3A_1388 = tpu.vector_load %arg4[%get3A_1387] {strides = array<i32>} : memref<8192xf32, #tpu.memory_space<vmem>>, vector<16xf32>,
      %get3A_1389 = vector.shape_cast %get3A_1388 : vector<16xf32> to vector<16xf32>
      %max3A_1390 = arith.constant 0.000000e+00 : f32
      %max3A_1391 = vector.broadcast %max3A_1390 : f32 to vector<16xf32>
      %max3A_1392 = arith.maximumf %get3A_1384, %max3A_1391 : vector<16xf32>
      %max3A_1393 = arith.constant 0.000000e+00 : f32
      %max3A_1394 = vector.broadcast %max3A_1393 : f32 to vector<16xf32>
      %max3A_1395 = arith.maximumf %get3A_1389, %max3A_1394 : vector<16xf32>
      %sub3A_1396 = arith.subf %max3A_1392, %get3A_29 : vector<16xf32>
      %exp3A_1397 = math.exp %sub3A_1396 : vector<16xf32>
      %mul3A_1398 = arith.mulf %exp3A_1397, %max3A_1392 : vector<16xf32>
      %sub3A_1399 = arith.subf %max3A_1395, %get3A_32 : vector<16xf32>
      %exp3A_1400 = math.exp %sub3A_1399 : vector<16xf32>
      %mul3A_1401 = arith.mulf %exp3A_1400, %max3A_1395 : vector<16xf32>
      %max3A_1402 = arith.maximumf %max3A_1392, %max3A_1395 : vector<16xf32>
      %max3A_1403 = arith.maximumf %mul3A_1398, %mul3A_1401 : vector<16xf32>
      %mul3A_1404 = arith.constant 512 : i32
      %mul3A_1405 = arith.muli %scan3A_544, %mul3A_1404 : i32
      %add3A_1406 = arith.constant 288 : i32
      %add3A_1407 = arith.addi %mul3A_1405, %add3A_1406 : i32
      %get3A_1408 = arith.index_cast %add3A_1407 : i32 to index
      %get3A_1409 = tpu.vector_load %arg4[%get3A_1408] {strides = array<i32>} : memref<8192xf32, #tpu.memory_space<vmem>>, vector<16xf32>,
      %get3A_1410 = vector.shape_cast %get3A_1409 : vector<16xf32> to vector<16xf32>
      %add3A_1411 = arith.constant 16 : i32
      %add3A_1412 = arith.addi %add3A_1407, %add3A_1411 : i32
      %get3A_1413 = arith.index_cast %add3A_1412 : i32 to index
      %get3A_1414 = tpu.vector_load %arg4[%get3A_1413] {strides = array<i32>} : memref<8192xf32, #tpu.memory_space<vmem>>, vector<16xf32>,
      %get3A_1415 = vector.shape_cast %get3A_1414 : vector<16xf32> to vector<16xf32>
      %max3A_1416 = arith.constant 0.000000e+00 : f32
      %max3A_1417 = vector.broadcast %max3A_1416 : f32 to vector<16xf32>
      %max3A_1418 = arith.maximumf %get3A_1410, %max3A_1417 : vector<16xf32>
      %max3A_1419 = arith.constant 0.000000e+00 : f32
      %max3A_1420 = vector.broadcast %max3A_1419 : f32 to vector<16xf32>
      %max3A_1421 = arith.maximumf %get3A_1415, %max3A_1420 : vector<16xf32>
      %sub3A_1422 = arith.subf %max3A_1418, %get3A_29 : vector<16xf32>
      %exp3A_1423 = math.exp %sub3A_1422 : vector<16xf32>
      %mul3A_1424 = arith.mulf %exp3A_1423, %max3A_1418 : vector<16xf32>
      %sub3A_1425 = arith.subf %max3A_1421, %get3A_32 : vector<16xf32>
      %exp3A_1426 = math.exp %sub3A_1425 : vector<16xf32>
      %mul3A_1427 = arith.mulf %exp3A_1426, %max3A_1421 : vector<16xf32>
      %max3A_1428 = arith.maximumf %max3A_1418, %max3A_1421 : vector<16xf32>
      %max3A_1429 = arith.maximumf %mul3A_1424, %mul3A_1427 : vector<16xf32>
      %mul3A_1430 = arith.constant 512 : i32
      %mul3A_1431 = arith.muli %scan3A_544, %mul3A_1430 : i32
      %add3A_1432 = arith.constant 320 : i32
      %add3A_1433 = arith.addi %mul3A_1431, %add3A_1432 : i32
      %get3A_1434 = arith.index_cast %add3A_1433 : i32 to index
      %get3A_1435 = tpu.vector_load %arg4[%get3A_1434] {strides = array<i32>} : memref<8192xf32, #tpu.memory_space<vmem>>, vector<16xf32>,
      %get3A_1436 = vector.shape_cast %get3A_1435 : vector<16xf32> to vector<16xf32>
      %add3A_1437 = arith.constant 16 : i32
      %add3A_1438 = arith.addi %add3A_1433, %add3A_1437 : i32
      %get3A_1439 = arith.index_cast %add3A_1438 : i32 to index
      %get3A_1440 = tpu.vector_load %arg4[%get3A_1439] {strides = array<i32>} : memref<8192xf32, #tpu.memory_space<vmem>>, vector<16xf32>,
      %get3A_1441 = vector.shape_cast %get3A_1440 : vector<16xf32> to vector<16xf32>
      %max3A_1442 = arith.constant 0.000000e+00 : f32
      %max3A_1443 = vector.broadcast %max3A_1442 : f32 to vector<16xf32>
      %max3A_1444 = arith.maximumf %get3A_1436, %max3A_1443 : vector<16xf32>
      %max3A_1445 = arith.constant 0.000000e+00 : f32
      %max3A_1446 = vector.broadcast %max3A_1445 : f32 to vector<16xf32>
      %max3A_1447 = arith.maximumf %get3A_1441, %max3A_1446 : vector<16xf32>
      %sub3A_1448 = arith.subf %max3A_1444, %get3A_29 : vector<16xf32>
      %exp3A_1449 = math.exp %sub3A_1448 : vector<16xf32>
      %mul3A_1450 = arith.mulf %exp3A_1449, %max3A_1444 : vector<16xf32>
      %sub3A_1451 = arith.subf %max3A_1447, %get3A_32 : vector<16xf32>
      %exp3A_1452 = math.exp %sub3A_1451 : vector<16xf32>
      %mul3A_1453 = arith.mulf %exp3A_1452, %max3A_1447 : vector<16xf32>
      %max3A_1454 = arith.maximumf %max3A_1444, %max3A_1447 : vector<16xf32>
      %max3A_1455 = arith.maximumf %mul3A_1450, %mul3A_1453 : vector<16xf32>
      %mul3A_1456 = arith.constant 512 : i32
      %mul3A_1457 = arith.muli %scan3A_544, %mul3A_1456 : i32
      %add3A_1458 = arith.constant 352 : i32
      %add3A_1459 = arith.addi %mul3A_1457, %add3A_1458 : i32
      %get3A_1460 = arith.index_cast %add3A_1459 : i32 to index
      %get3A_1461 = tpu.vector_load %arg4[%get3A_1460] {strides = array<i32>} : memref<8192xf32, #tpu.memory_space<vmem>>, vector<16xf32>,
      %get3A_1462 = vector.shape_cast %get3A_1461 : vector<16xf32> to vector<16xf32>
      %add3A_1463 = arith.constant 16 : i32
      %add3A_1464 = arith.addi %add3A_1459, %add3A_1463 : i32
      %get3A_1465 = arith.index_cast %add3A_1464 : i32 to index
      %get3A_1466 = tpu.vector_load %arg4[%get3A_1465] {strides = array<i32>} : memref<8192xf32, #tpu.memory_space<vmem>>, vector<16xf32>,
      %get3A_1467 = vector.shape_cast %get3A_1466 : vector<16xf32> to vector<16xf32>
      %max3A_1468 = arith.constant 0.000000e+00 : f32
      %max3A_1469 = vector.broadcast %max3A_1468 : f32 to vector<16xf32>
      %max3A_1470 = arith.maximumf %get3A_1462, %max3A_1469 : vector<16xf32>
      %max3A_1471 = arith.constant 0.000000e+00 : f32
      %max3A_1472 = vector.broadcast %max3A_1471 : f32 to vector<16xf32>
      %max3A_1473 = arith.maximumf %get3A_1467, %max3A_1472 : vector<16xf32>
      %sub3A_1474 = arith.subf %max3A_1470, %get3A_29 : vector<16xf32>
      %exp3A_1475 = math.exp %sub3A_1474 : vector<16xf32>
      %mul3A_1476 = arith.mulf %exp3A_1475, %max3A_1470 : vector<16xf32>
      %sub3A_1477 = arith.subf %max3A_1473, %get3A_32 : vector<16xf32>
      %exp3A_1478 = math.exp %sub3A_1477 : vector<16xf32>
      %mul3A_1479 = arith.mulf %exp3A_1478, %max3A_1473 : vector<16xf32>
      %max3A_1480 = arith.maximumf %max3A_1470, %max3A_1473 : vector<16xf32>
      %max3A_1481 = arith.maximumf %mul3A_1476, %mul3A_1479 : vector<16xf32>
      %mul3A_1482 = arith.constant 512 : i32
      %mul3A_1483 = arith.muli %scan3A_544, %mul3A_1482 : i32
      %add3A_1484 = arith.constant 384 : i32
      %add3A_1485 = arith.addi %mul3A_1483, %add3A_1484 : i32
      %get3A_1486 = arith.index_cast %add3A_1485 : i32 to index
      %get3A_1487 = tpu.vector_load %arg4[%get3A_1486] {strides = array<i32>} : memref<8192xf32, #tpu.memory_space<vmem>>, vector<16xf32>,
      %get3A_1488 = vector.shape_cast %get3A_1487 : vector<16xf32> to vector<16xf32>
      %add3A_1489 = arith.constant 16 : i32
      %add3A_1490 = arith.addi %add3A_1485, %add3A_1489 : i32
      %get3A_1491 = arith.index_cast %add3A_1490 : i32 to index
      %get3A_1492 = tpu.vector_load %arg4[%get3A_1491] {strides = array<i32>} : memref<8192xf32, #tpu.memory_space<vmem>>, vector<16xf32>,
      %get3A_1493 = vector.shape_cast %get3A_1492 : vector<16xf32> to vector<16xf32>
      %max3A_1494 = arith.constant 0.000000e+00 : f32
      %max3A_1495 = vector.broadcast %max3A_1494 : f32 to vector<16xf32>
      %max3A_1496 = arith.maximumf %get3A_1488, %max3A_1495 : vector<16xf32>
      %max3A_1497 = arith.constant 0.000000e+00 : f32
      %max3A_1498 = vector.broadcast %max3A_1497 : f32 to vector<16xf32>
      %max3A_1499 = arith.maximumf %get3A_1493, %max3A_1498 : vector<16xf32>
      %sub3A_1500 = arith.subf %max3A_1496, %get3A_29 : vector<16xf32>
      %exp3A_1501 = math.exp %sub3A_1500 : vector<16xf32>
      %mul3A_1502 = arith.mulf %exp3A_1501, %max3A_1496 : vector<16xf32>
      %sub3A_1503 = arith.subf %max3A_1499, %get3A_32 : vector<16xf32>
      %exp3A_1504 = math.exp %sub3A_1503 : vector<16xf32>
      %mul3A_1505 = arith.mulf %exp3A_1504, %max3A_1499 : vector<16xf32>
      %max3A_1506 = arith.maximumf %max3A_1496, %max3A_1499 : vector<16xf32>
      %max3A_1507 = arith.maximumf %mul3A_1502, %mul3A_1505 : vector<16xf32>
      %mul3A_1508 = arith.constant 512 : i32
      %mul3A_1509 = arith.muli %scan3A_544, %mul3A_1508 : i32
      %add3A_1510 = arith.constant 416 : i32
      %add3A_1511 = arith.addi %mul3A_1509, %add3A_1510 : i32
      %get3A_1512 = arith.index_cast %add3A_1511 : i32 to index
      %get3A_1513 = tpu.vector_load %arg4[%get3A_1512] {strides = array<i32>} : memref<8192xf32, #tpu.memory_space<vmem>>, vector<16xf32>,
      %get3A_1514 = vector.shape_cast %get3A_1513 : vector<16xf32> to vector<16xf32>
      %add3A_1515 = arith.constant 16 : i32
      %add3A_1516 = arith.addi %add3A_1511, %add3A_1515 : i32
      %get3A_1517 = arith.index_cast %add3A_1516 : i32 to index
      %get3A_1518 = tpu.vector_load %arg4[%get3A_1517] {strides = array<i32>} : memref<8192xf32, #tpu.memory_space<vmem>>, vector<16xf32>,
      %get3A_1519 = vector.shape_cast %get3A_1518 : vector<16xf32> to vector<16xf32>
      %max3A_1520 = arith.constant 0.000000e+00 : f32
      %max3A_1521 = vector.broadcast %max3A_1520 : f32 to vector<16xf32>
      %max3A_1522 = arith.maximumf %get3A_1514, %max3A_1521 : vector<16xf32>
      %max3A_1523 = arith.constant 0.000000e+00 : f32
      %max3A_1524 = vector.broadcast %max3A_1523 : f32 to vector<16xf32>
      %max3A_1525 = arith.maximumf %get3A_1519, %max3A_1524 : vector<16xf32>
      %sub3A_1526 = arith.subf %max3A_1522, %get3A_29 : vector<16xf32>
      %exp3A_1527 = math.exp %sub3A_1526 : vector<16xf32>
      %mul3A_1528 = arith.mulf %exp3A_1527, %max3A_1522 : vector<16xf32>
      %sub3A_1529 = arith.subf %max3A_1525, %get3A_32 : vector<16xf32>
      %exp3A_1530 = math.exp %sub3A_1529 : vector<16xf32>
      %mul3A_1531 = arith.mulf %exp3A_1530, %max3A_1525 : vector<16xf32>
      %max3A_1532 = arith.maximumf %max3A_1522, %max3A_1525 : vector<16xf32>
      %max3A_1533 = arith.maximumf %mul3A_1528, %mul3A_1531 : vector<16xf32>
      %mul3A_1534 = arith.constant 512 : i32
      %mul3A_1535 = arith.muli %scan3A_544, %mul3A_1534 : i32
      %add3A_1536 = arith.constant 448 : i32
      %add3A_1537 = arith.addi %mul3A_1535, %add3A_1536 : i32
      %get3A_1538 = arith.index_cast %add3A_1537 : i32 to index
      %get3A_1539 = tpu.vector_load %arg4[%get3A_1538] {strides = array<i32>} : memref<8192xf32, #tpu.memory_space<vmem>>, vector<16xf32>,
      %get3A_1540 = vector.shape_cast %get3A_1539 : vector<16xf32> to vector<16xf32>
      %add3A_1541 = arith.constant 16 : i32
      %add3A_1542 = arith.addi %add3A_1537, %add3A_1541 : i32
      %get3A_1543 = arith.index_cast %add3A_1542 : i32 to index
      %get3A_1544 = tpu.vector_load %arg4[%get3A_1543] {strides = array<i32>} : memref<8192xf32, #tpu.memory_space<vmem>>, vector<16xf32>,
      %get3A_1545 = vector.shape_cast %get3A_1544 : vector<16xf32> to vector<16xf32>
      %max3A_1546 = arith.constant 0.000000e+00 : f32
      %max3A_1547 = vector.broadcast %max3A_1546 : f32 to vector<16xf32>
      %max3A_1548 = arith.maximumf %get3A_1540, %max3A_1547 : vector<16xf32>
      %max3A_1549 = arith.constant 0.000000e+00 : f32
      %max3A_1550 = vector.broadcast %max3A_1549 : f32 to vector<16xf32>
      %max3A_1551 = arith.maximumf %get3A_1545, %max3A_1550 : vector<16xf32>
      %sub3A_1552 = arith.subf %max3A_1548, %get3A_29 : vector<16xf32>
      %exp3A_1553 = math.exp %sub3A_1552 : vector<16xf32>
      %mul3A_1554 = arith.mulf %exp3A_1553, %max3A_1548 : vector<16xf32>
      %sub3A_1555 = arith.subf %max3A_1551, %get3A_32 : vector<16xf32>
      %exp3A_1556 = math.exp %sub3A_1555 : vector<16xf32>
      %mul3A_1557 = arith.mulf %exp3A_1556, %max3A_1551 : vector<16xf32>
      %max3A_1558 = arith.maximumf %max3A_1548, %max3A_1551 : vector<16xf32>
      %max3A_1559 = arith.maximumf %mul3A_1554, %mul3A_1557 : vector<16xf32>
      %mul3A_1560 = arith.constant 512 : i32
      %mul3A_1561 = arith.muli %scan3A_544, %mul3A_1560 : i32
      %add3A_1562 = arith.constant 480 : i32
      %add3A_1563 = arith.addi %mul3A_1561, %add3A_1562 : i32
      %get3A_1564 = arith.index_cast %add3A_1563 : i32 to index
      %get3A_1565 = tpu.vector_load %arg4[%get3A_1564] {strides = array<i32>} : memref<8192xf32, #tpu.memory_space<vmem>>, vector<16xf32>,
      %get3A_1566 = vector.shape_cast %get3A_1565 : vector<16xf32> to vector<16xf32>
      %add3A_1567 = arith.constant 16 : i32
      %add3A_1568 = arith.addi %add3A_1563, %add3A_1567 : i32
      %get3A_1569 = arith.index_cast %add3A_1568 : i32 to index
      %get3A_1570 = tpu.vector_load %arg4[%get3A_1569] {strides = array<i32>} : memref<8192xf32, #tpu.memory_space<vmem>>, vector<16xf32>,
      %get3A_1571 = vector.shape_cast %get3A_1570 : vector<16xf32> to vector<16xf32>
      %max3A_1572 = arith.constant 0.000000e+00 : f32
      %max3A_1573 = vector.broadcast %max3A_1572 : f32 to vector<16xf32>
      %max3A_1574 = arith.maximumf %get3A_1566, %max3A_1573 : vector<16xf32>
      %max3A_1575 = arith.constant 0.000000e+00 : f32
      %max3A_1576 = vector.broadcast %max3A_1575 : f32 to vector<16xf32>
      %max3A_1577 = arith.maximumf %get3A_1571, %max3A_1576 : vector<16xf32>
      %sub3A_1578 = arith.subf %max3A_1574, %get3A_29 : vector<16xf32>
      %exp3A_1579 = math.exp %sub3A_1578 : vector<16xf32>
      %mul3A_1580 = arith.mulf %exp3A_1579, %max3A_1574 : vector<16xf32>
      %sub3A_1581 = arith.subf %max3A_1577, %get3A_32 : vector<16xf32>
      %exp3A_1582 = math.exp %sub3A_1581 : vector<16xf32>
      %mul3A_1583 = arith.mulf %exp3A_1582, %max3A_1577 : vector<16xf32>
      %max3A_1584 = arith.maximumf %max3A_1574, %max3A_1577 : vector<16xf32>
      %max3A_1585 = arith.maximumf %mul3A_1580, %mul3A_1583 : vector<16xf32>
      %swap3A_1586 = arith.constant 0 : index
      %swap3A_1587 = tpu.vector_load %arg20[%swap3A_1586] {strides = array<i32>} : memref<64xf32, #tpu.memory_space<vmem>>, vector<16xf32>,
      %swap3A_1588 = vector.shape_cast %swap3A_1587 : vector<16xf32> to vector<16xf32>
      %swap3A_1589 = vector.shape_cast %max3A_1402 : vector<16xf32> to vector<16xf32>
      tpu.vector_store %arg20[%swap3A_1586], %swap3A_1589 {strides = array<i32>} : memref<64xf32, #tpu.memory_space<vmem>>, vector<16xf32>,
      %swap3A_1590 = arith.constant 32 : index
      %swap3A_1591 = tpu.vector_load %arg20[%swap3A_1590] {strides = array<i32>} : memref<64xf32, #tpu.memory_space<vmem>>, vector<16xf32>,
      %swap3A_1592 = vector.shape_cast %swap3A_1591 : vector<16xf32> to vector<16xf32>
      %swap3A_1593 = vector.shape_cast %max3A_1403 : vector<16xf32> to vector<16xf32>
      tpu.vector_store %arg20[%swap3A_1590], %swap3A_1593 {strides = array<i32>} : memref<64xf32, #tpu.memory_space<vmem>>, vector<16xf32>,
      %swap3A_1594 = arith.constant 0 : index
      %swap3A_1595 = tpu.vector_load %arg21[%swap3A_1594] {strides = array<i32>} : memref<64xf32, #tpu.memory_space<vmem>>, vector<16xf32>,
      %swap3A_1596 = vector.shape_cast %swap3A_1595 : vector<16xf32> to vector<16xf32>
      %swap3A_1597 = vector.shape_cast %max3A_1428 : vector<16xf32> to vector<16xf32>
      tpu.vector_store %arg21[%swap3A_1594], %swap3A_1597 {strides = array<i32>} : memref<64xf32, #tpu.memory_space<vmem>>, vector<16xf32>,
      %swap3A_1598 = arith.constant 32 : index
      %swap3A_1599 = tpu.vector_load %arg21[%swap3A_1598] {strides = array<i32>} : memref<64xf32, #tpu.memory_space<vmem>>, vector<16xf32>,
      %swap3A_1600 = vector.shape_cast %swap3A_1599 : vector<16xf32> to vector<16xf32>
      %swap3A_1601 = vector.shape_cast %max3A_1429 : vector<16xf32> to vector<16xf32>
      tpu.vector_store %arg21[%swap3A_1598], %swap3A_1601 {strides = array<i32>} : memref<64xf32, #tpu.memory_space<vmem>>, vector<16xf32>,
      %swap3A_1602 = arith.constant 0 : index
      %swap3A_1603 = tpu.vector_load %arg22[%swap3A_1602] {strides = array<i32>} : memref<64xf32, #tpu.memory_space<vmem>>, vector<16xf32>,
      %swap3A_1604 = vector.shape_cast %swap3A_1603 : vector<16xf32> to vector<16xf32>
      %swap3A_1605 = vector.shape_cast %max3A_1454 : vector<16xf32> to vector<16xf32>
      tpu.vector_store %arg22[%swap3A_1602], %swap3A_1605 {strides = array<i32>} : memref<64xf32, #tpu.memory_space<vmem>>, vector<16xf32>,
      %swap3A_1606 = arith.constant 32 : index
      %swap3A_1607 = tpu.vector_load %arg22[%swap3A_1606] {strides = array<i32>} : memref<64xf32, #tpu.memory_space<vmem>>, vector<16xf32>,
      %swap3A_1608 = vector.shape_cast %swap3A_1607 : vector<16xf32> to vector<16xf32>
      %swap3A_1609 = vector.shape_cast %max3A_1455 : vector<16xf32> to vector<16xf32>
      tpu.vector_store %arg22[%swap3A_1606], %swap3A_1609 {strides = array<i32>} : memref<64xf32, #tpu.memory_space<vmem>>, vector<16xf32>,
      %swap3A_1610 = arith.constant 0 : index
      %swap3A_1611 = tpu.vector_load %arg23[%swap3A_1610] {strides = array<i32>} : memref<64xf32, #tpu.memory_space<vmem>>, vector<16xf32>,
      %swap3A_1612 = vector.shape_cast %swap3A_1611 : vector<16xf32> to vector<16xf32>
      %swap3A_1613 = vector.shape_cast %max3A_1480 : vector<16xf32> to vector<16xf32>
      tpu.vector_store %arg23[%swap3A_1610], %swap3A_1613 {strides = array<i32>} : memref<64xf32, #tpu.memory_space<vmem>>, vector<16xf32>,
      %swap3A_1614 = arith.constant 32 : index
      %swap3A_1615 = tpu.vector_load %arg23[%swap3A_1614] {strides = array<i32>} : memref<64xf32, #tpu.memory_space<vmem>>, vector<16xf32>,
      %swap3A_1616 = vector.shape_cast %swap3A_1615 : vector<16xf32> to vector<16xf32>
      %swap3A_1617 = vector.shape_cast %max3A_1481 : vector<16xf32> to vector<16xf32>
      tpu.vector_store %arg23[%swap3A_1614], %swap3A_1617 {strides = array<i32>} : memref<64xf32, #tpu.memory_space<vmem>>, vector<16xf32>,
      %swap3A_1618 = arith.constant 0 : index
      %swap3A_1619 = tpu.vector_load %arg24[%swap3A_1618] {strides = array<i32>} : memref<64xf32, #tpu.memory_space<vmem>>, vector<16xf32>,
      %swap3A_1620 = vector.shape_cast %swap3A_1619 : vector<16xf32> to vector<16xf32>
      %swap3A_1621 = vector.shape_cast %max3A_1506 : vector<16xf32> to vector<16xf32>
      tpu.vector_store %arg24[%swap3A_1618], %swap3A_1621 {strides = array<i32>} : memref<64xf32, #tpu.memory_space<vmem>>, vector<16xf32>,
      %swap3A_1622 = arith.constant 32 : index
      %swap3A_1623 = tpu.vector_load %arg24[%swap3A_1622] {strides = array<i32>} : memref<64xf32, #tpu.memory_space<vmem>>, vector<16xf32>,
      %swap3A_1624 = vector.shape_cast %swap3A_1623 : vector<16xf32> to vector<16xf32>
      %swap3A_1625 = vector.shape_cast %max3A_1507 : vector<16xf32> to vector<16xf32>
      tpu.vector_store %arg24[%swap3A_1622], %swap3A_1625 {strides = array<i32>} : memref<64xf32, #tpu.memory_space<vmem>>, vector<16xf32>,
      %swap3A_1626 = arith.constant 0 : index
      %swap3A_1627 = tpu.vector_load %arg25[%swap3A_1626] {strides = array<i32>} : memref<64xf32, #tpu.memory_space<vmem>>, vector<16xf32>,
      %swap3A_1628 = vector.shape_cast %swap3A_1627 : vector<16xf32> to vector<16xf32>
      %swap3A_1629 = vector.shape_cast %max3A_1532 : vector<16xf32> to vector<16xf32>
      tpu.vector_store %arg25[%swap3A_1626], %swap3A_1629 {strides = array<i32>} : memref<64xf32, #tpu.memory_space<vmem>>, vector<16xf32>,
      %swap3A_1630 = arith.constant 32 : index
      %swap3A_1631 = tpu.vector_load %arg25[%swap3A_1630] {strides = array<i32>} : memref<64xf32, #tpu.memory_space<vmem>>, vector<16xf32>,
      %swap3A_1632 = vector.shape_cast %swap3A_1631 : vector<16xf32> to vector<16xf32>
      %swap3A_1633 = vector.shape_cast %max3A_1533 : vector<16xf32> to vector<16xf32>
      tpu.vector_store %arg25[%swap3A_1630], %swap3A_1633 {strides = array<i32>} : memref<64xf32, #tpu.memory_space<vmem>>, vector<16xf32>,
      %swap3A_1634 = arith.constant 0 : index
      %swap3A_1635 = tpu.vector_load %arg26[%swap3A_1634] {strides = array<i32>} : memref<64xf32, #tpu.memory_space<vmem>>, vector<16xf32>,
      %swap3A_1636 = vector.shape_cast %swap3A_1635 : vector<16xf32> to vector<16xf32>
      %swap3A_1637 = vector.shape_cast %max3A_1558 : vector<16xf32> to vector<16xf32>
      tpu.vector_store %arg26[%swap3A_1634], %swap3A_1637 {strides = array<i32>} : memref<64xf32, #tpu.memory_space<vmem>>, vector<16xf32>,
      %swap3A_1638 = arith.constant 32 : index
      %swap3A_1639 = tpu.vector_load %arg26[%swap3A_1638] {strides = array<i32>} : memref<64xf32, #tpu.memory_space<vmem>>, vector<16xf32>,
      %swap3A_1640 = vector.shape_cast %swap3A_1639 : vector<16xf32> to vector<16xf32>
      %swap3A_1641 = vector.shape_cast %max3A_1559 : vector<16xf32> to vector<16xf32>
      tpu.vector_store %arg26[%swap3A_1638], %swap3A_1641 {strides = array<i32>} : memref<64xf32, #tpu.memory_space<vmem>>, vector<16xf32>,
      %swap3A_1642 = arith.constant 0 : index
      %swap3A_1643 = tpu.vector_load %arg27[%swap3A_1642] {strides = array<i32>} : memref<64xf32, #tpu.memory_space<vmem>>, vector<16xf32>,
      %swap3A_1644 = vector.shape_cast %swap3A_1643 : vector<16xf32> to vector<16xf32>
      %swap3A_1645 = vector.shape_cast %max3A_1584 : vector<16xf32> to vector<16xf32>
      tpu.vector_store %arg27[%swap3A_1642], %swap3A_1645 {strides = array<i32>} : memref<64xf32, #tpu.memory_space<vmem>>, vector<16xf32>,
      %swap3A_1646 = arith.constant 32 : index
      %swap3A_1647 = tpu.vector_load %arg27[%swap3A_1646] {strides = array<i32>} : memref<64xf32, #tpu.memory_space<vmem>>, vector<16xf32>,
      %swap3A_1648 = vector.shape_cast %swap3A_1647 : vector<16xf32> to vector<16xf32>
      %swap3A_1649 = vector.shape_cast %max3A_1585 : vector<16xf32> to vector<16xf32>
      tpu.vector_store %arg27[%swap3A_1646], %swap3A_1649 {strides = array<i32>} : memref<64xf32, #tpu.memory_space<vmem>>, vector<16xf32>,
      %get3A_1650 = arith.constant 8 : index
      %get3A_1651 = tpu.vector_load %arg20[%get3A_1650] {strides = array<i32>} : memref<64xf32, #tpu.memory_space<vmem>>, vector<16xf32>,
      %get3A_1652 = vector.shape_cast %get3A_1651 : vector<16xf32> to vector<16xf32>
      %get3A_1653 = arith.constant 40 : index
      %get3A_1654 = tpu.vector_load %arg20[%get3A_1653] {strides = array<i32>} : memref<64xf32, #tpu.memory_space<vmem>>, vector<16xf32>,
      %get3A_1655 = vector.shape_cast %get3A_1654 : vector<16xf32> to vector<16xf32>
      %get3A_1656 = arith.constant 8 : index
      %get3A_1657 = tpu.vector_load %arg21[%get3A_1656] {strides = array<i32>} : memref<64xf32, #tpu.memory_space<vmem>>, vector<16xf32>,
      %get3A_1658 = vector.shape_cast %get3A_1657 : vector<16xf32> to vector<16xf32>
      %get3A_1659 = arith.constant 40 : index
      %get3A_1660 = tpu.vector_load %arg21[%get3A_1659] {strides = array<i32>} : memref<64xf32, #tpu.memory_space<vmem>>, vector<16xf32>,
      %get3A_1661 = vector.shape_cast %get3A_1660 : vector<16xf32> to vector<16xf32>
      %get3A_1662 = arith.constant 8 : index
      %get3A_1663 = tpu.vector_load %arg22[%get3A_1662] {strides = array<i32>} : memref<64xf32, #tpu.memory_space<vmem>>, vector<16xf32>,
      %get3A_1664 = vector.shape_cast %get3A_1663 : vector<16xf32> to vector<16xf32>
      %get3A_1665 = arith.constant 40 : index
      %get3A_1666 = tpu.vector_load %arg22[%get3A_1665] {strides = array<i32>} : memref<64xf32, #tpu.memory_space<vmem>>, vector<16xf32>,
      %get3A_1667 = vector.shape_cast %get3A_1666 : vector<16xf32> to vector<16xf32>
      %get3A_1668 = arith.constant 8 : index
      %get3A_1669 = tpu.vector_load %arg23[%get3A_1668] {strides = array<i32>} : memref<64xf32, #tpu.memory_space<vmem>>, vector<16xf32>,
      %get3A_1670 = vector.shape_cast %get3A_1669 : vector<16xf32> to vector<16xf32>
      %get3A_1671 = arith.constant 40 : index
      %get3A_1672 = tpu.vector_load %arg23[%get3A_1671] {strides = array<i32>} : memref<64xf32, #tpu.memory_space<vmem>>, vector<16xf32>,
      %get3A_1673 = vector.shape_cast %get3A_1672 : vector<16xf32> to vector<16xf32>
      %get3A_1674 = arith.constant 8 : index
      %get3A_1675 = tpu.vector_load %arg24[%get3A_1674] {strides = array<i32>} : memref<64xf32, #tpu.memory_space<vmem>>, vector<16xf32>,
      %get3A_1676 = vector.shape_cast %get3A_1675 : vector<16xf32> to vector<16xf32>
      %get3A_1677 = arith.constant 40 : index
      %get3A_1678 = tpu.vector_load %arg24[%get3A_1677] {strides = array<i32>} : memref<64xf32, #tpu.memory_space<vmem>>, vector<16xf32>,
      %get3A_1679 = vector.shape_cast %get3A_1678 : vector<16xf32> to vector<16xf32>
      %get3A_1680 = arith.constant 8 : index
      %get3A_1681 = tpu.vector_load %arg25[%get3A_1680] {strides = array<i32>} : memref<64xf32, #tpu.memory_space<vmem>>, vector<16xf32>,
      %get3A_1682 = vector.shape_cast %get3A_1681 : vector<16xf32> to vector<16xf32>
      %get3A_1683 = arith.constant 40 : index
      %get3A_1684 = tpu.vector_load %arg25[%get3A_1683] {strides = array<i32>} : memref<64xf32, #tpu.memory_space<vmem>>, vector<16xf32>,
      %get3A_1685 = vector.shape_cast %get3A_1684 : vector<16xf32> to vector<16xf32>
      %get3A_1686 = arith.constant 8 : index
      %get3A_1687 = tpu.vector_load %arg26[%get3A_1686] {strides = array<i32>} : memref<64xf32, #tpu.memory_space<vmem>>, vector<16xf32>,
      %get3A_1688 = vector.shape_cast %get3A_1687 : vector<16xf32> to vector<16xf32>
      %get3A_1689 = arith.constant 40 : index
      %get3A_1690 = tpu.vector_load %arg26[%get3A_1689] {strides = array<i32>} : memref<64xf32, #tpu.memory_space<vmem>>, vector<16xf32>,
      %get3A_1691 = vector.shape_cast %get3A_1690 : vector<16xf32> to vector<16xf32>
      %get3A_1692 = arith.constant 8 : index
      %get3A_1693 = tpu.vector_load %arg27[%get3A_1692] {strides = array<i32>} : memref<64xf32, #tpu.memory_space<vmem>>, vector<16xf32>,
      %get3A_1694 = vector.shape_cast %get3A_1693 : vector<16xf32> to vector<16xf32>
      %get3A_1695 = arith.constant 40 : index
      %get3A_1696 = tpu.vector_load %arg27[%get3A_1695] {strides = array<i32>} : memref<64xf32, #tpu.memory_space<vmem>>, vector<16xf32>,
      %get3A_1697 = vector.shape_cast %get3A_1696 : vector<16xf32> to vector<16xf32>
      %max3A_1698 = arith.maximumf %max3A_1402, %get3A_1652 : vector<16xf32>
      %max3A_1699 = arith.maximumf %max3A_1403, %get3A_1655 : vector<16xf32>
      %max3A_1700 = arith.maximumf %max3A_1428, %get3A_1658 : vector<16xf32>
      %max3A_1701 = arith.maximumf %max3A_1429, %get3A_1661 : vector<16xf32>
      %max3A_1702 = arith.maximumf %max3A_1454, %get3A_1664 : vector<16xf32>
      %max3A_1703 = arith.maximumf %max3A_1455, %get3A_1667 : vector<16xf32>
      %max3A_1704 = arith.maximumf %max3A_1480, %get3A_1670 : vector<16xf32>
      %max3A_1705 = arith.maximumf %max3A_1481, %get3A_1673 : vector<16xf32>
      %max3A_1706 = arith.maximumf %max3A_1506, %get3A_1676 : vector<16xf32>
      %max3A_1707 = arith.maximumf %max3A_1507, %get3A_1679 : vector<16xf32>
      %max3A_1708 = arith.maximumf %max3A_1532, %get3A_1682 : vector<16xf32>
      %max3A_1709 = arith.maximumf %max3A_1533, %get3A_1685 : vector<16xf32>
      %max3A_1710 = arith.maximumf %max3A_1558, %get3A_1688 : vector<16xf32>
      %max3A_1711 = arith.maximumf %max3A_1559, %get3A_1691 : vector<16xf32>
      %max3A_1712 = arith.maximumf %max3A_1584, %get3A_1694 : vector<16xf32>
      %max3A_1713 = arith.maximumf %max3A_1585, %get3A_1697 : vector<16xf32>
      %swap3A_1714 = arith.constant 0 : index
      %swap3A_1715 = tpu.vector_load %arg20[%swap3A_1714] {strides = array<i32>} : memref<64xf32, #tpu.memory_space<vmem>>, vector<16xf32>,
      %swap3A_1716 = vector.shape_cast %swap3A_1715 : vector<16xf32> to vector<16xf32>
      %swap3A_1717 = vector.shape_cast %max3A_1698 : vector<16xf32> to vector<16xf32>
      tpu.vector_store %arg20[%swap3A_1714], %swap3A_1717 {strides = array<i32>} : memref<64xf32, #tpu.memory_space<vmem>>, vector<16xf32>,
      %swap3A_1718 = arith.constant 32 : index
      %swap3A_1719 = tpu.vector_load %arg20[%swap3A_1718] {strides = array<i32>} : memref<64xf32, #tpu.memory_space<vmem>>, vector<16xf32>,
      %swap3A_1720 = vector.shape_cast %swap3A_1719 : vector<16xf32> to vector<16xf32>
      %swap3A_1721 = vector.shape_cast %max3A_1699 : vector<16xf32> to vector<16xf32>
      tpu.vector_store %arg20[%swap3A_1718], %swap3A_1721 {strides = array<i32>} : memref<64xf32, #tpu.memory_space<vmem>>, vector<16xf32>,
      %swap3A_1722 = arith.constant 0 : index
      %swap3A_1723 = tpu.vector_load %arg21[%swap3A_1722] {strides = array<i32>} : memref<64xf32, #tpu.memory_space<vmem>>, vector<16xf32>,
      %swap3A_1724 = vector.shape_cast %swap3A_1723 : vector<16xf32> to vector<16xf32>
      %swap3A_1725 = vector.shape_cast %max3A_1700 : vector<16xf32> to vector<16xf32>
      tpu.vector_store %arg21[%swap3A_1722], %swap3A_1725 {strides = array<i32>} : memref<64xf32, #tpu.memory_space<vmem>>, vector<16xf32>,
      %swap3A_1726 = arith.constant 32 : index
      %swap3A_1727 = tpu.vector_load %arg21[%swap3A_1726] {strides = array<i32>} : memref<64xf32, #tpu.memory_space<vmem>>, vector<16xf32>,
      %swap3A_1728 = vector.shape_cast %swap3A_1727 : vector<16xf32> to vector<16xf32>
      %swap3A_1729 = vector.shape_cast %max3A_1701 : vector<16xf32> to vector<16xf32>
      tpu.vector_store %arg21[%swap3A_1726], %swap3A_1729 {strides = array<i32>} : memref<64xf32, #tpu.memory_space<vmem>>, vector<16xf32>,
      %swap3A_1730 = arith.constant 0 : index
      %swap3A_1731 = tpu.vector_load %arg22[%swap3A_1730] {strides = array<i32>} : memref<64xf32, #tpu.memory_space<vmem>>, vector<16xf32>,
      %swap3A_1732 = vector.shape_cast %swap3A_1731 : vector<16xf32> to vector<16xf32>
      %swap3A_1733 = vector.shape_cast %max3A_1702 : vector<16xf32> to vector<16xf32>
      tpu.vector_store %arg22[%swap3A_1730], %swap3A_1733 {strides = array<i32>} : memref<64xf32, #tpu.memory_space<vmem>>, vector<16xf32>,
      %swap3A_1734 = arith.constant 32 : index
      %swap3A_1735 = tpu.vector_load %arg22[%swap3A_1734] {strides = array<i32>} : memref<64xf32, #tpu.memory_space<vmem>>, vector<16xf32>,
      %swap3A_1736 = vector.shape_cast %swap3A_1735 : vector<16xf32> to vector<16xf32>
      %swap3A_1737 = vector.shape_cast %max3A_1703 : vector<16xf32> to vector<16xf32>
      tpu.vector_store %arg22[%swap3A_1734], %swap3A_1737 {strides = array<i32>} : memref<64xf32, #tpu.memory_space<vmem>>, vector<16xf32>,
      %swap3A_1738 = arith.constant 0 : index
      %swap3A_1739 = tpu.vector_load %arg23[%swap3A_1738] {strides = array<i32>} : memref<64xf32, #tpu.memory_space<vmem>>, vector<16xf32>,
      %swap3A_1740 = vector.shape_cast %swap3A_1739 : vector<16xf32> to vector<16xf32>
      %swap3A_1741 = vector.shape_cast %max3A_1704 : vector<16xf32> to vector<16xf32>
      tpu.vector_store %arg23[%swap3A_1738], %swap3A_1741 {strides = array<i32>} : memref<64xf32, #tpu.memory_space<vmem>>, vector<16xf32>,
      %swap3A_1742 = arith.constant 32 : index
      %swap3A_1743 = tpu.vector_load %arg23[%swap3A_1742] {strides = array<i32>} : memref<64xf32, #tpu.memory_space<vmem>>, vector<16xf32>,
      %swap3A_1744 = vector.shape_cast %swap3A_1743 : vector<16xf32> to vector<16xf32>
      %swap3A_1745 = vector.shape_cast %max3A_1705 : vector<16xf32> to vector<16xf32>
      tpu.vector_store %arg23[%swap3A_1742], %swap3A_1745 {strides = array<i32>} : memref<64xf32, #tpu.memory_space<vmem>>, vector<16xf32>,
      %swap3A_1746 = arith.constant 0 : index
      %swap3A_1747 = tpu.vector_load %arg24[%swap3A_1746] {strides = array<i32>} : memref<64xf32, #tpu.memory_space<vmem>>, vector<16xf32>,
      %swap3A_1748 = vector.shape_cast %swap3A_1747 : vector<16xf32> to vector<16xf32>
      %swap3A_1749 = vector.shape_cast %max3A_1706 : vector<16xf32> to vector<16xf32>
      tpu.vector_store %arg24[%swap3A_1746], %swap3A_1749 {strides = array<i32>} : memref<64xf32, #tpu.memory_space<vmem>>, vector<16xf32>,
      %swap3A_1750 = arith.constant 32 : index
      %swap3A_1751 = tpu.vector_load %arg24[%swap3A_1750] {strides = array<i32>} : memref<64xf32, #tpu.memory_space<vmem>>, vector<16xf32>,
      %swap3A_1752 = vector.shape_cast %swap3A_1751 : vector<16xf32> to vector<16xf32>
      %swap3A_1753 = vector.shape_cast %max3A_1707 : vector<16xf32> to vector<16xf32>
      tpu.vector_store %arg24[%swap3A_1750], %swap3A_1753 {strides = array<i32>} : memref<64xf32, #tpu.memory_space<vmem>>, vector<16xf32>,
      %swap3A_1754 = arith.constant 0 : index
      %swap3A_1755 = tpu.vector_load %arg25[%swap3A_1754] {strides = array<i32>} : memref<64xf32, #tpu.memory_space<vmem>>, vector<16xf32>,
      %swap3A_1756 = vector.shape_cast %swap3A_1755 : vector<16xf32> to vector<16xf32>
      %swap3A_1757 = vector.shape_cast %max3A_1708 : vector<16xf32> to vector<16xf32>
      tpu.vector_store %arg25[%swap3A_1754], %swap3A_1757 {strides = array<i32>} : memref<64xf32, #tpu.memory_space<vmem>>, vector<16xf32>,
      %swap3A_1758 = arith.constant 32 : index
      %swap3A_1759 = tpu.vector_load %arg25[%swap3A_1758] {strides = array<i32>} : memref<64xf32, #tpu.memory_space<vmem>>, vector<16xf32>,
      %swap3A_1760 = vector.shape_cast %swap3A_1759 : vector<16xf32> to vector<16xf32>
      %swap3A_1761 = vector.shape_cast %max3A_1709 : vector<16xf32> to vector<16xf32>
      tpu.vector_store %arg25[%swap3A_1758], %swap3A_1761 {strides = array<i32>} : memref<64xf32, #tpu.memory_space<vmem>>, vector<16xf32>,
      %swap3A_1762 = arith.constant 0 : index
      %swap3A_1763 = tpu.vector_load %arg26[%swap3A_1762] {strides = array<i32>} : memref<64xf32, #tpu.memory_space<vmem>>, vector<16xf32>,
      %swap3A_1764 = vector.shape_cast %swap3A_1763 : vector<16xf32> to vector<16xf32>
      %swap3A_1765 = vector.shape_cast %max3A_1710 : vector<16xf32> to vector<16xf32>
      tpu.vector_store %arg26[%swap3A_1762], %swap3A_1765 {strides = array<i32>} : memref<64xf32, #tpu.memory_space<vmem>>, vector<16xf32>,
      %swap3A_1766 = arith.constant 32 : index
      %swap3A_1767 = tpu.vector_load %arg26[%swap3A_1766] {strides = array<i32>} : memref<64xf32, #tpu.memory_space<vmem>>, vector<16xf32>,
      %swap3A_1768 = vector.shape_cast %swap3A_1767 : vector<16xf32> to vector<16xf32>
      %swap3A_1769 = vector.shape_cast %max3A_1711 : vector<16xf32> to vector<16xf32>
      tpu.vector_store %arg26[%swap3A_1766], %swap3A_1769 {strides = array<i32>} : memref<64xf32, #tpu.memory_space<vmem>>, vector<16xf32>,
      %swap3A_1770 = arith.constant 0 : index
      %swap3A_1771 = tpu.vector_load %arg27[%swap3A_1770] {strides = array<i32>} : memref<64xf32, #tpu.memory_space<vmem>>, vector<16xf32>,
      %swap3A_1772 = vector.shape_cast %swap3A_1771 : vector<16xf32> to vector<16xf32>
      %swap3A_1773 = vector.shape_cast %max3A_1712 : vector<16xf32> to vector<16xf32>
      tpu.vector_store %arg27[%swap3A_1770], %swap3A_1773 {strides = array<i32>} : memref<64xf32, #tpu.memory_space<vmem>>, vector<16xf32>,
      %swap3A_1774 = arith.constant 32 : index
      %swap3A_1775 = tpu.vector_load %arg27[%swap3A_1774] {strides = array<i32>} : memref<64xf32, #tpu.memory_space<vmem>>, vector<16xf32>,
      %swap3A_1776 = vector.shape_cast %swap3A_1775 : vector<16xf32> to vector<16xf32>
      %swap3A_1777 = vector.shape_cast %max3A_1713 : vector<16xf32> to vector<16xf32>
      tpu.vector_store %arg27[%swap3A_1774], %swap3A_1777 {strides = array<i32>} : memref<64xf32, #tpu.memory_space<vmem>>, vector<16xf32>,
      %get3A_1778 = arith.constant 4 : index
      %get3A_1779 = tpu.vector_load %arg20[%get3A_1778] {strides = array<i32>} : memref<64xf32, #tpu.memory_space<vmem>>, vector<16xf32>,
      %get3A_1780 = vector.shape_cast %get3A_1779 : vector<16xf32> to vector<16xf32>
      %get3A_1781 = arith.constant 36 : index
      %get3A_1782 = tpu.vector_load %arg20[%get3A_1781] {strides = array<i32>} : memref<64xf32, #tpu.memory_space<vmem>>, vector<16xf32>,
      %get3A_1783 = vector.shape_cast %get3A_1782 : vector<16xf32> to vector<16xf32>
      %get3A_1784 = arith.constant 4 : index
      %get3A_1785 = tpu.vector_load %arg21[%get3A_1784] {strides = array<i32>} : memref<64xf32, #tpu.memory_space<vmem>>, vector<16xf32>,
      %get3A_1786 = vector.shape_cast %get3A_1785 : vector<16xf32> to vector<16xf32>
      %get3A_1787 = arith.constant 36 : index
      %get3A_1788 = tpu.vector_load %arg21[%get3A_1787] {strides = array<i32>} : memref<64xf32, #tpu.memory_space<vmem>>, vector<16xf32>,
      %get3A_1789 = vector.shape_cast %get3A_1788 : vector<16xf32> to vector<16xf32>
      %get3A_1790 = arith.constant 4 : index
      %get3A_1791 = tpu.vector_load %arg22[%get3A_1790] {strides = array<i32>} : memref<64xf32, #tpu.memory_space<vmem>>, vector<16xf32>,
      %get3A_1792 = vector.shape_cast %get3A_1791 : vector<16xf32> to vector<16xf32>
      %get3A_1793 = arith.constant 36 : index
      %get3A_1794 = tpu.vector_load %arg22[%get3A_1793] {strides = array<i32>} : memref<64xf32, #tpu.memory_space<vmem>>, vector<16xf32>,
      %get3A_1795 = vector.shape_cast %get3A_1794 : vector<16xf32> to vector<16xf32>
      %get3A_1796 = arith.constant 4 : index
      %get3A_1797 = tpu.vector_load %arg23[%get3A_1796] {strides = array<i32>} : memref<64xf32, #tpu.memory_space<vmem>>, vector<16xf32>,
      %get3A_1798 = vector.shape_cast %get3A_1797 : vector<16xf32> to vector<16xf32>
      %get3A_1799 = arith.constant 36 : index
      %get3A_1800 = tpu.vector_load %arg23[%get3A_1799] {strides = array<i32>} : memref<64xf32, #tpu.memory_space<vmem>>, vector<16xf32>,
      %get3A_1801 = vector.shape_cast %get3A_1800 : vector<16xf32> to vector<16xf32>
      %get3A_1802 = arith.constant 4 : index
      %get3A_1803 = tpu.vector_load %arg24[%get3A_1802] {strides = array<i32>} : memref<64xf32, #tpu.memory_space<vmem>>, vector<16xf32>,
      %get3A_1804 = vector.shape_cast %get3A_1803 : vector<16xf32> to vector<16xf32>
      %get3A_1805 = arith.constant 36 : index
      %get3A_1806 = tpu.vector_load %arg24[%get3A_1805] {strides = array<i32>} : memref<64xf32, #tpu.memory_space<vmem>>, vector<16xf32>,
      %get3A_1807 = vector.shape_cast %get3A_1806 : vector<16xf32> to vector<16xf32>
      %get3A_1808 = arith.constant 4 : index
      %get3A_1809 = tpu.vector_load %arg25[%get3A_1808] {strides = array<i32>} : memref<64xf32, #tpu.memory_space<vmem>>, vector<16xf32>,
      %get3A_1810 = vector.shape_cast %get3A_1809 : vector<16xf32> to vector<16xf32>
      %get3A_1811 = arith.constant 36 : index
      %get3A_1812 = tpu.vector_load %arg25[%get3A_1811] {strides = array<i32>} : memref<64xf32, #tpu.memory_space<vmem>>, vector<16xf32>,
      %get3A_1813 = vector.shape_cast %get3A_1812 : vector<16xf32> to vector<16xf32>
      %get3A_1814 = arith.constant 4 : index
      %get3A_1815 = tpu.vector_load %arg26[%get3A_1814] {strides = array<i32>} : memref<64xf32, #tpu.memory_space<vmem>>, vector<16xf32>,
      %get3A_1816 = vector.shape_cast %get3A_1815 : vector<16xf32> to vector<16xf32>
      %get3A_1817 = arith.constant 36 : index
      %get3A_1818 = tpu.vector_load %arg26[%get3A_1817] {strides = array<i32>} : memref<64xf32, #tpu.memory_space<vmem>>, vector<16xf32>,
      %get3A_1819 = vector.shape_cast %get3A_1818 : vector<16xf32> to vector<16xf32>
      %get3A_1820 = arith.constant 4 : index
      %get3A_1821 = tpu.vector_load %arg27[%get3A_1820] {strides = array<i32>} : memref<64xf32, #tpu.memory_space<vmem>>, vector<16xf32>,
      %get3A_1822 = vector.shape_cast %get3A_1821 : vector<16xf32> to vector<16xf32>
      %get3A_1823 = arith.constant 36 : index
      %get3A_1824 = tpu.vector_load %arg27[%get3A_1823] {strides = array<i32>} : memref<64xf32, #tpu.memory_space<vmem>>, vector<16xf32>,
      %get3A_1825 = vector.shape_cast %get3A_1824 : vector<16xf32> to vector<16xf32>
      %max3A_1826 = arith.maximumf %max3A_1698, %get3A_1780 : vector<16xf32>
      %max3A_1827 = arith.maximumf %max3A_1699, %get3A_1783 : vector<16xf32>
      %max3A_1828 = arith.maximumf %max3A_1700, %get3A_1786 : vector<16xf32>
      %max3A_1829 = arith.maximumf %max3A_1701, %get3A_1789 : vector<16xf32>
      %max3A_1830 = arith.maximumf %max3A_1702, %get3A_1792 : vector<16xf32>
      %max3A_1831 = arith.maximumf %max3A_1703, %get3A_1795 : vector<16xf32>
      %max3A_1832 = arith.maximumf %max3A_1704, %get3A_1798 : vector<16xf32>
      %max3A_1833 = arith.maximumf %max3A_1705, %get3A_1801 : vector<16xf32>
      %max3A_1834 = arith.maximumf %max3A_1706, %get3A_1804 : vector<16xf32>
      %max3A_1835 = arith.maximumf %max3A_1707, %get3A_1807 : vector<16xf32>
      %max3A_1836 = arith.maximumf %max3A_1708, %get3A_1810 : vector<16xf32>
      %max3A_1837 = arith.maximumf %max3A_1709, %get3A_1813 : vector<16xf32>
      %max3A_1838 = arith.maximumf %max3A_1710, %get3A_1816 : vector<16xf32>
      %max3A_1839 = arith.maximumf %max3A_1711, %get3A_1819 : vector<16xf32>
      %max3A_1840 = arith.maximumf %max3A_1712, %get3A_1822 : vector<16xf32>
      %max3A_1841 = arith.maximumf %max3A_1713, %get3A_1825 : vector<16xf32>
      %swap3A_1842 = arith.constant 0 : index
      %swap3A_1843 = tpu.vector_load %arg20[%swap3A_1842] {strides = array<i32>} : memref<64xf32, #tpu.memory_space<vmem>>, vector<16xf32>,
      %swap3A_1844 = vector.shape_cast %swap3A_1843 : vector<16xf32> to vector<16xf32>
      %swap3A_1845 = vector.shape_cast %max3A_1826 : vector<16xf32> to vector<16xf32>
      tpu.vector_store %arg20[%swap3A_1842], %swap3A_1845 {strides = array<i32>} : memref<64xf32, #tpu.memory_space<vmem>>, vector<16xf32>,
      %swap3A_1846 = arith.constant 32 : index
      %swap3A_1847 = tpu.vector_load %arg20[%swap3A_1846] {strides = array<i32>} : memref<64xf32, #tpu.memory_space<vmem>>, vector<16xf32>,
      %swap3A_1848 = vector.shape_cast %swap3A_1847 : vector<16xf32> to vector<16xf32>
      %swap3A_1849 = vector.shape_cast %max3A_1827 : vector<16xf32> to vector<16xf32>
      tpu.vector_store %arg20[%swap3A_1846], %swap3A_1849 {strides = array<i32>} : memref<64xf32, #tpu.memory_space<vmem>>, vector<16xf32>,
      %swap3A_1850 = arith.constant 0 : index
      %swap3A_1851 = tpu.vector_load %arg21[%swap3A_1850] {strides = array<i32>} : memref<64xf32, #tpu.memory_space<vmem>>, vector<16xf32>,
      %swap3A_1852 = vector.shape_cast %swap3A_1851 : vector<16xf32> to vector<16xf32>
      %swap3A_1853 = vector.shape_cast %max3A_1828 : vector<16xf32> to vector<16xf32>
      tpu.vector_store %arg21[%swap3A_1850], %swap3A_1853 {strides = array<i32>} : memref<64xf32, #tpu.memory_space<vmem>>, vector<16xf32>,
      %swap3A_1854 = arith.constant 32 : index
      %swap3A_1855 = tpu.vector_load %arg21[%swap3A_1854] {strides = array<i32>} : memref<64xf32, #tpu.memory_space<vmem>>, vector<16xf32>,
      %swap3A_1856 = vector.shape_cast %swap3A_1855 : vector<16xf32> to vector<16xf32>
      %swap3A_1857 = vector.shape_cast %max3A_1829 : vector<16xf32> to vector<16xf32>
      tpu.vector_store %arg21[%swap3A_1854], %swap3A_1857 {strides = array<i32>} : memref<64xf32, #tpu.memory_space<vmem>>, vector<16xf32>,
      %swap3A_1858 = arith.constant 0 : index
      %swap3A_1859 = tpu.vector_load %arg22[%swap3A_1858] {strides = array<i32>} : memref<64xf32, #tpu.memory_space<vmem>>, vector<16xf32>,
      %swap3A_1860 = vector.shape_cast %swap3A_1859 : vector<16xf32> to vector<16xf32>
      %swap3A_1861 = vector.shape_cast %max3A_1830 : vector<16xf32> to vector<16xf32>
      tpu.vector_store %arg22[%swap3A_1858], %swap3A_1861 {strides = array<i32>} : memref<64xf32, #tpu.memory_space<vmem>>, vector<16xf32>,
      %swap3A_1862 = arith.constant 32 : index
      %swap3A_1863 = tpu.vector_load %arg22[%swap3A_1862] {strides = array<i32>} : memref<64xf32, #tpu.memory_space<vmem>>, vector<16xf32>,
      %swap3A_1864 = vector.shape_cast %swap3A_1863 : vector<16xf32> to vector<16xf32>
      %swap3A_1865 = vector.shape_cast %max3A_1831 : vector<16xf32> to vector<16xf32>
      tpu.vector_store %arg22[%swap3A_1862], %swap3A_1865 {strides = array<i32>} : memref<64xf32, #tpu.memory_space<vmem>>, vector<16xf32>,
      %swap3A_1866 = arith.constant 0 : index
      %swap3A_1867 = tpu.vector_load %arg23[%swap3A_1866] {strides = array<i32>} : memref<64xf32, #tpu.memory_space<vmem>>, vector<16xf32>,
      %swap3A_1868 = vector.shape_cast %swap3A_1867 : vector<16xf32> to vector<16xf32>
      %swap3A_1869 = vector.shape_cast %max3A_1832 : vector<16xf32> to vector<16xf32>
      tpu.vector_store %arg23[%swap3A_1866], %swap3A_1869 {strides = array<i32>} : memref<64xf32, #tpu.memory_space<vmem>>, vector<16xf32>,
      %swap3A_1870 = arith.constant 32 : index
      %swap3A_1871 = tpu.vector_load %arg23[%swap3A_1870] {strides = array<i32>} : memref<64xf32, #tpu.memory_space<vmem>>, vector<16xf32>,
      %swap3A_1872 = vector.shape_cast %swap3A_1871 : vector<16xf32> to vector<16xf32>
      %swap3A_1873 = vector.shape_cast %max3A_1833 : vector<16xf32> to vector<16xf32>
      tpu.vector_store %arg23[%swap3A_1870], %swap3A_1873 {strides = array<i32>} : memref<64xf32, #tpu.memory_space<vmem>>, vector<16xf32>,
      %swap3A_1874 = arith.constant 0 : index
      %swap3A_1875 = tpu.vector_load %arg24[%swap3A_1874] {strides = array<i32>} : memref<64xf32, #tpu.memory_space<vmem>>, vector<16xf32>,
      %swap3A_1876 = vector.shape_cast %swap3A_1875 : vector<16xf32> to vector<16xf32>
      %swap3A_1877 = vector.shape_cast %max3A_1834 : vector<16xf32> to vector<16xf32>
      tpu.vector_store %arg24[%swap3A_1874], %swap3A_1877 {strides = array<i32>} : memref<64xf32, #tpu.memory_space<vmem>>, vector<16xf32>,
      %swap3A_1878 = arith.constant 32 : index
      %swap3A_1879 = tpu.vector_load %arg24[%swap3A_1878] {strides = array<i32>} : memref<64xf32, #tpu.memory_space<vmem>>, vector<16xf32>,
      %swap3A_1880 = vector.shape_cast %swap3A_1879 : vector<16xf32> to vector<16xf32>
      %swap3A_1881 = vector.shape_cast %max3A_1835 : vector<16xf32> to vector<16xf32>
      tpu.vector_store %arg24[%swap3A_1878], %swap3A_1881 {strides = array<i32>} : memref<64xf32, #tpu.memory_space<vmem>>, vector<16xf32>,
      %swap3A_1882 = arith.constant 0 : index
      %swap3A_1883 = tpu.vector_load %arg25[%swap3A_1882] {strides = array<i32>} : memref<64xf32, #tpu.memory_space<vmem>>, vector<16xf32>,
      %swap3A_1884 = vector.shape_cast %swap3A_1883 : vector<16xf32> to vector<16xf32>
      %swap3A_1885 = vector.shape_cast %max3A_1836 : vector<16xf32> to vector<16xf32>
      tpu.vector_store %arg25[%swap3A_1882], %swap3A_1885 {strides = array<i32>} : memref<64xf32, #tpu.memory_space<vmem>>, vector<16xf32>,
      %swap3A_1886 = arith.constant 32 : index
      %swap3A_1887 = tpu.vector_load %arg25[%swap3A_1886] {strides = array<i32>} : memref<64xf32, #tpu.memory_space<vmem>>, vector<16xf32>,
      %swap3A_1888 = vector.shape_cast %swap3A_1887 : vector<16xf32> to vector<16xf32>
      %swap3A_1889 = vector.shape_cast %max3A_1837 : vector<16xf32> to vector<16xf32>
      tpu.vector_store %arg25[%swap3A_1886], %swap3A_1889 {strides = array<i32>} : memref<64xf32, #tpu.memory_space<vmem>>, vector<16xf32>,
      %swap3A_1890 = arith.constant 0 : index
      %swap3A_1891 = tpu.vector_load %arg26[%swap3A_1890] {strides = array<i32>} : memref<64xf32, #tpu.memory_space<vmem>>, vector<16xf32>,
      %swap3A_1892 = vector.shape_cast %swap3A_1891 : vector<16xf32> to vector<16xf32>
      %swap3A_1893 = vector.shape_cast %max3A_1838 : vector<16xf32> to vector<16xf32>
      tpu.vector_store %arg26[%swap3A_1890], %swap3A_1893 {strides = array<i32>} : memref<64xf32, #tpu.memory_space<vmem>>, vector<16xf32>,
      %swap3A_1894 = arith.constant 32 : index
      %swap3A_1895 = tpu.vector_load %arg26[%swap3A_1894] {strides = array<i32>} : memref<64xf32, #tpu.memory_space<vmem>>, vector<16xf32>,
      %swap3A_1896 = vector.shape_cast %swap3A_1895 : vector<16xf32> to vector<16xf32>
      %swap3A_1897 = vector.shape_cast %max3A_1839 : vector<16xf32> to vector<16xf32>
      tpu.vector_store %arg26[%swap3A_1894], %swap3A_1897 {strides = array<i32>} : memref<64xf32, #tpu.memory_space<vmem>>, vector<16xf32>,
      %swap3A_1898 = arith.constant 0 : index
      %swap3A_1899 = tpu.vector_load %arg27[%swap3A_1898] {strides = array<i32>} : memref<64xf32, #tpu.memory_space<vmem>>, vector<16xf32>,
      %swap3A_1900 = vector.shape_cast %swap3A_1899 : vector<16xf32> to vector<16xf32>
      %swap3A_1901 = vector.shape_cast %max3A_1840 : vector<16xf32> to vector<16xf32>
      tpu.vector_store %arg27[%swap3A_1898], %swap3A_1901 {strides = array<i32>} : memref<64xf32, #tpu.memory_space<vmem>>, vector<16xf32>,
      %swap3A_1902 = arith.constant 32 : index
      %swap3A_1903 = tpu.vector_load %arg27[%swap3A_1902] {strides = array<i32>} : memref<64xf32, #tpu.memory_space<vmem>>, vector<16xf32>,
      %swap3A_1904 = vector.shape_cast %swap3A_1903 : vector<16xf32> to vector<16xf32>
      %swap3A_1905 = vector.shape_cast %max3A_1841 : vector<16xf32> to vector<16xf32>
      tpu.vector_store %arg27[%swap3A_1902], %swap3A_1905 {strides = array<i32>} : memref<64xf32, #tpu.memory_space<vmem>>, vector<16xf32>,
      %get3A_1906 = arith.constant 2 : index
      %get3A_1907 = tpu.vector_load %arg20[%get3A_1906] {strides = array<i32>} : memref<64xf32, #tpu.memory_space<vmem>>, vector<16xf32>,
      %get3A_1908 = vector.shape_cast %get3A_1907 : vector<16xf32> to vector<16xf32>
      %get3A_1909 = arith.constant 34 : index
      %get3A_1910 = tpu.vector_load %arg20[%get3A_1909] {strides = array<i32>} : memref<64xf32, #tpu.memory_space<vmem>>, vector<16xf32>,
      %get3A_1911 = vector.shape_cast %get3A_1910 : vector<16xf32> to vector<16xf32>
      %get3A_1912 = arith.constant 2 : index
      %get3A_1913 = tpu.vector_load %arg21[%get3A_1912] {strides = array<i32>} : memref<64xf32, #tpu.memory_space<vmem>>, vector<16xf32>,
      %get3A_1914 = vector.shape_cast %get3A_1913 : vector<16xf32> to vector<16xf32>
      %get3A_1915 = arith.constant 34 : index
      %get3A_1916 = tpu.vector_load %arg21[%get3A_1915] {strides = array<i32>} : memref<64xf32, #tpu.memory_space<vmem>>, vector<16xf32>,
      %get3A_1917 = vector.shape_cast %get3A_1916 : vector<16xf32> to vector<16xf32>
      %get3A_1918 = arith.constant 2 : index
      %get3A_1919 = tpu.vector_load %arg22[%get3A_1918] {strides = array<i32>} : memref<64xf32, #tpu.memory_space<vmem>>, vector<16xf32>,
      %get3A_1920 = vector.shape_cast %get3A_1919 : vector<16xf32> to vector<16xf32>
      %get3A_1921 = arith.constant 34 : index
      %get3A_1922 = tpu.vector_load %arg22[%get3A_1921] {strides = array<i32>} : memref<64xf32, #tpu.memory_space<vmem>>, vector<16xf32>,
      %get3A_1923 = vector.shape_cast %get3A_1922 : vector<16xf32> to vector<16xf32>
      %get3A_1924 = arith.constant 2 : index
      %get3A_1925 = tpu.vector_load %arg23[%get3A_1924] {strides = array<i32>} : memref<64xf32, #tpu.memory_space<vmem>>, vector<16xf32>,
      %get3A_1926 = vector.shape_cast %get3A_1925 : vector<16xf32> to vector<16xf32>
      %get3A_1927 = arith.constant 34 : index
      %get3A_1928 = tpu.vector_load %arg23[%get3A_1927] {strides = array<i32>} : memref<64xf32, #tpu.memory_space<vmem>>, vector<16xf32>,
      %get3A_1929 = vector.shape_cast %get3A_1928 : vector<16xf32> to vector<16xf32>
      %get3A_1930 = arith.constant 2 : index
      %get3A_1931 = tpu.vector_load %arg24[%get3A_1930] {strides = array<i32>} : memref<64xf32, #tpu.memory_space<vmem>>, vector<16xf32>,
      %get3A_1932 = vector.shape_cast %get3A_1931 : vector<16xf32> to vector<16xf32>
      %get3A_1933 = arith.constant 34 : index
      %get3A_1934 = tpu.vector_load %arg24[%get3A_1933] {strides = array<i32>} : memref<64xf32, #tpu.memory_space<vmem>>, vector<16xf32>,
      %get3A_1935 = vector.shape_cast %get3A_1934 : vector<16xf32> to vector<16xf32>
      %get3A_1936 = arith.constant 2 : index
      %get3A_1937 = tpu.vector_load %arg25[%get3A_1936] {strides = array<i32>} : memref<64xf32, #tpu.memory_space<vmem>>, vector<16xf32>,
      %get3A_1938 = vector.shape_cast %get3A_1937 : vector<16xf32> to vector<16xf32>
      %get3A_1939 = arith.constant 34 : index
      %get3A_1940 = tpu.vector_load %arg25[%get3A_1939] {strides = array<i32>} : memref<64xf32, #tpu.memory_space<vmem>>, vector<16xf32>,
      %get3A_1941 = vector.shape_cast %get3A_1940 : vector<16xf32> to vector<16xf32>
      %get3A_1942 = arith.constant 2 : index
      %get3A_1943 = tpu.vector_load %arg26[%get3A_1942] {strides = array<i32>} : memref<64xf32, #tpu.memory_space<vmem>>, vector<16xf32>,
      %get3A_1944 = vector.shape_cast %get3A_1943 : vector<16xf32> to vector<16xf32>
      %get3A_1945 = arith.constant 34 : index
      %get3A_1946 = tpu.vector_load %arg26[%get3A_1945] {strides = array<i32>} : memref<64xf32, #tpu.memory_space<vmem>>, vector<16xf32>,
      %get3A_1947 = vector.shape_cast %get3A_1946 : vector<16xf32> to vector<16xf32>
      %get3A_1948 = arith.constant 2 : index
      %get3A_1949 = tpu.vector_load %arg27[%get3A_1948] {strides = array<i32>} : memref<64xf32, #tpu.memory_space<vmem>>, vector<16xf32>,
      %get3A_1950 = vector.shape_cast %get3A_1949 : vector<16xf32> to vector<16xf32>
      %get3A_1951 = arith.constant 34 : index
      %get3A_1952 = tpu.vector_load %arg27[%get3A_1951] {strides = array<i32>} : memref<64xf32, #tpu.memory_space<vmem>>, vector<16xf32>,
      %get3A_1953 = vector.shape_cast %get3A_1952 : vector<16xf32> to vector<16xf32>
      %max3A_1954 = arith.maximumf %max3A_1826, %get3A_1908 : vector<16xf32>
      %max3A_1955 = arith.maximumf %max3A_1827, %get3A_1911 : vector<16xf32>
      %max3A_1956 = arith.maximumf %max3A_1828, %get3A_1914 : vector<16xf32>
      %max3A_1957 = arith.maximumf %max3A_1829, %get3A_1917 : vector<16xf32>
      %max3A_1958 = arith.maximumf %max3A_1830, %get3A_1920 : vector<16xf32>
      %max3A_1959 = arith.maximumf %max3A_1831, %get3A_1923 : vector<16xf32>
      %max3A_1960 = arith.maximumf %max3A_1832, %get3A_1926 : vector<16xf32>
      %max3A_1961 = arith.maximumf %max3A_1833, %get3A_1929 : vector<16xf32>
      %max3A_1962 = arith.maximumf %max3A_1834, %get3A_1932 : vector<16xf32>
      %max3A_1963 = arith.maximumf %max3A_1835, %get3A_1935 : vector<16xf32>
      %max3A_1964 = arith.maximumf %max3A_1836, %get3A_1938 : vector<16xf32>
      %max3A_1965 = arith.maximumf %max3A_1837, %get3A_1941 : vector<16xf32>
      %max3A_1966 = arith.maximumf %max3A_1838, %get3A_1944 : vector<16xf32>
      %max3A_1967 = arith.maximumf %max3A_1839, %get3A_1947 : vector<16xf32>
      %max3A_1968 = arith.maximumf %max3A_1840, %get3A_1950 : vector<16xf32>
      %max3A_1969 = arith.maximumf %max3A_1841, %get3A_1953 : vector<16xf32>
      %swap3A_1970 = arith.constant 0 : index
      %swap3A_1971 = tpu.vector_load %arg20[%swap3A_1970] {strides = array<i32>} : memref<64xf32, #tpu.memory_space<vmem>>, vector<16xf32>,
      %swap3A_1972 = vector.shape_cast %swap3A_1971 : vector<16xf32> to vector<16xf32>
      %swap3A_1973 = vector.shape_cast %max3A_1954 : vector<16xf32> to vector<16xf32>
      tpu.vector_store %arg20[%swap3A_1970], %swap3A_1973 {strides = array<i32>} : memref<64xf32, #tpu.memory_space<vmem>>, vector<16xf32>,
      %swap3A_1974 = arith.constant 32 : index
      %swap3A_1975 = tpu.vector_load %arg20[%swap3A_1974] {strides = array<i32>} : memref<64xf32, #tpu.memory_space<vmem>>, vector<16xf32>,
      %swap3A_1976 = vector.shape_cast %swap3A_1975 : vector<16xf32> to vector<16xf32>
      %swap3A_1977 = vector.shape_cast %max3A_1955 : vector<16xf32> to vector<16xf32>
      tpu.vector_store %arg20[%swap3A_1974], %swap3A_1977 {strides = array<i32>} : memref<64xf32, #tpu.memory_space<vmem>>, vector<16xf32>,
      %swap3A_1978 = arith.constant 0 : index
      %swap3A_1979 = tpu.vector_load %arg21[%swap3A_1978] {strides = array<i32>} : memref<64xf32, #tpu.memory_space<vmem>>, vector<16xf32>,
      %swap3A_1980 = vector.shape_cast %swap3A_1979 : vector<16xf32> to vector<16xf32>
      %swap3A_1981 = vector.shape_cast %max3A_1956 : vector<16xf32> to vector<16xf32>
      tpu.vector_store %arg21[%swap3A_1978], %swap3A_1981 {strides = array<i32>} : memref<64xf32, #tpu.memory_space<vmem>>, vector<16xf32>,
      %swap3A_1982 = arith.constant 32 : index
      %swap3A_1983 = tpu.vector_load %arg21[%swap3A_1982] {strides = array<i32>} : memref<64xf32, #tpu.memory_space<vmem>>, vector<16xf32>,
      %swap3A_1984 = vector.shape_cast %swap3A_1983 : vector<16xf32> to vector<16xf32>
      %swap3A_1985 = vector.shape_cast %max3A_1957 : vector<16xf32> to vector<16xf32>
      tpu.vector_store %arg21[%swap3A_1982], %swap3A_1985 {strides = array<i32>} : memref<64xf32, #tpu.memory_space<vmem>>, vector<16xf32>,
      %swap3A_1986 = arith.constant 0 : index
      %swap3A_1987 = tpu.vector_load %arg22[%swap3A_1986] {strides = array<i32>} : memref<64xf32, #tpu.memory_space<vmem>>, vector<16xf32>,
      %swap3A_1988 = vector.shape_cast %swap3A_1987 : vector<16xf32> to vector<16xf32>
      %swap3A_1989 = vector.shape_cast %max3A_1958 : vector<16xf32> to vector<16xf32>
      tpu.vector_store %arg22[%swap3A_1986], %swap3A_1989 {strides = array<i32>} : memref<64xf32, #tpu.memory_space<vmem>>, vector<16xf32>,
      %swap3A_1990 = arith.constant 32 : index
      %swap3A_1991 = tpu.vector_load %arg22[%swap3A_1990] {strides = array<i32>} : memref<64xf32, #tpu.memory_space<vmem>>, vector<16xf32>,
      %swap3A_1992 = vector.shape_cast %swap3A_1991 : vector<16xf32> to vector<16xf32>
      %swap3A_1993 = vector.shape_cast %max3A_1959 : vector<16xf32> to vector<16xf32>
      tpu.vector_store %arg22[%swap3A_1990], %swap3A_1993 {strides = array<i32>} : memref<64xf32, #tpu.memory_space<vmem>>, vector<16xf32>,
      %swap3A_1994 = arith.constant 0 : index
      %swap3A_1995 = tpu.vector_load %arg23[%swap3A_1994] {strides = array<i32>} : memref<64xf32, #tpu.memory_space<vmem>>, vector<16xf32>,
      %swap3A_1996 = vector.shape_cast %swap3A_1995 : vector<16xf32> to vector<16xf32>
      %swap3A_1997 = vector.shape_cast %max3A_1960 : vector<16xf32> to vector<16xf32>
      tpu.vector_store %arg23[%swap3A_1994], %swap3A_1997 {strides = array<i32>} : memref<64xf32, #tpu.memory_space<vmem>>, vector<16xf32>,
      %swap3A_1998 = arith.constant 32 : index
      %swap3A_1999 = tpu.vector_load %arg23[%swap3A_1998] {strides = array<i32>} : memref<64xf32, #tpu.memory_space<vmem>>, vector<16xf32>,
      %swap3A_2000 = vector.shape_cast %swap3A_1999 : vector<16xf32> to vector<16xf32>
      %swap3A_2001 = vector.shape_cast %max3A_1961 : vector<16xf32> to vector<16xf32>
      tpu.vector_store %arg23[%swap3A_1998], %swap3A_2001 {strides = array<i32>} : memref<64xf32, #tpu.memory_space<vmem>>, vector<16xf32>,
      %swap3A_2002 = arith.constant 0 : index
      %swap3A_2003 = tpu.vector_load %arg24[%swap3A_2002] {strides = array<i32>} : memref<64xf32, #tpu.memory_space<vmem>>, vector<16xf32>,
      %swap3A_2004 = vector.shape_cast %swap3A_2003 : vector<16xf32> to vector<16xf32>
      %swap3A_2005 = vector.shape_cast %max3A_1962 : vector<16xf32> to vector<16xf32>
      tpu.vector_store %arg24[%swap3A_2002], %swap3A_2005 {strides = array<i32>} : memref<64xf32, #tpu.memory_space<vmem>>, vector<16xf32>,
      %swap3A_2006 = arith.constant 32 : index
      %swap3A_2007 = tpu.vector_load %arg24[%swap3A_2006] {strides = array<i32>} : memref<64xf32, #tpu.memory_space<vmem>>, vector<16xf32>,
      %swap3A_2008 = vector.shape_cast %swap3A_2007 : vector<16xf32> to vector<16xf32>
      %swap3A_2009 = vector.shape_cast %max3A_1963 : vector<16xf32> to vector<16xf32>
      tpu.vector_store %arg24[%swap3A_2006], %swap3A_2009 {strides = array<i32>} : memref<64xf32, #tpu.memory_space<vmem>>, vector<16xf32>,
      %swap3A_2010 = arith.constant 0 : index
      %swap3A_2011 = tpu.vector_load %arg25[%swap3A_2010] {strides = array<i32>} : memref<64xf32, #tpu.memory_space<vmem>>, vector<16xf32>,
      %swap3A_2012 = vector.shape_cast %swap3A_2011 : vector<16xf32> to vector<16xf32>
      %swap3A_2013 = vector.shape_cast %max3A_1964 : vector<16xf32> to vector<16xf32>
      tpu.vector_store %arg25[%swap3A_2010], %swap3A_2013 {strides = array<i32>} : memref<64xf32, #tpu.memory_space<vmem>>, vector<16xf32>,
      %swap3A_2014 = arith.constant 32 : index
      %swap3A_2015 = tpu.vector_load %arg25[%swap3A_2014] {strides = array<i32>} : memref<64xf32, #tpu.memory_space<vmem>>, vector<16xf32>,
      %swap3A_2016 = vector.shape_cast %swap3A_2015 : vector<16xf32> to vector<16xf32>
      %swap3A_2017 = vector.shape_cast %max3A_1965 : vector<16xf32> to vector<16xf32>
      tpu.vector_store %arg25[%swap3A_2014], %swap3A_2017 {strides = array<i32>} : memref<64xf32, #tpu.memory_space<vmem>>, vector<16xf32>,
      %swap3A_2018 = arith.constant 0 : index
      %swap3A_2019 = tpu.vector_load %arg26[%swap3A_2018] {strides = array<i32>} : memref<64xf32, #tpu.memory_space<vmem>>, vector<16xf32>,
      %swap3A_2020 = vector.shape_cast %swap3A_2019 : vector<16xf32> to vector<16xf32>
      %swap3A_2021 = vector.shape_cast %max3A_1966 : vector<16xf32> to vector<16xf32>
      tpu.vector_store %arg26[%swap3A_2018], %swap3A_2021 {strides = array<i32>} : memref<64xf32, #tpu.memory_space<vmem>>, vector<16xf32>,
      %swap3A_2022 = arith.constant 32 : index
      %swap3A_2023 = tpu.vector_load %arg26[%swap3A_2022] {strides = array<i32>} : memref<64xf32, #tpu.memory_space<vmem>>, vector<16xf32>,
      %swap3A_2024 = vector.shape_cast %swap3A_2023 : vector<16xf32> to vector<16xf32>
      %swap3A_2025 = vector.shape_cast %max3A_1967 : vector<16xf32> to vector<16xf32>
      tpu.vector_store %arg26[%swap3A_2022], %swap3A_2025 {strides = array<i32>} : memref<64xf32, #tpu.memory_space<vmem>>, vector<16xf32>,
      %swap3A_2026 = arith.constant 0 : index
      %swap3A_2027 = tpu.vector_load %arg27[%swap3A_2026] {strides = array<i32>} : memref<64xf32, #tpu.memory_space<vmem>>, vector<16xf32>,
      %swap3A_2028 = vector.shape_cast %swap3A_2027 : vector<16xf32> to vector<16xf32>
      %swap3A_2029 = vector.shape_cast %max3A_1968 : vector<16xf32> to vector<16xf32>
      tpu.vector_store %arg27[%swap3A_2026], %swap3A_2029 {strides = array<i32>} : memref<64xf32, #tpu.memory_space<vmem>>, vector<16xf32>,
      %swap3A_2030 = arith.constant 32 : index
      %swap3A_2031 = tpu.vector_load %arg27[%swap3A_2030] {strides = array<i32>} : memref<64xf32, #tpu.memory_space<vmem>>, vector<16xf32>,
      %swap3A_2032 = vector.shape_cast %swap3A_2031 : vector<16xf32> to vector<16xf32>
      %swap3A_2033 = vector.shape_cast %max3A_1969 : vector<16xf32> to vector<16xf32>
      tpu.vector_store %arg27[%swap3A_2030], %swap3A_2033 {strides = array<i32>} : memref<64xf32, #tpu.memory_space<vmem>>, vector<16xf32>,
      %get3A_2034 = arith.constant 1 : index
      %get3A_2035 = tpu.vector_load %arg20[%get3A_2034] {strides = array<i32>} : memref<64xf32, #tpu.memory_space<vmem>>, vector<16xf32>,
      %get3A_2036 = vector.shape_cast %get3A_2035 : vector<16xf32> to vector<16xf32>
      %get3A_2037 = arith.constant 33 : index
      %get3A_2038 = tpu.vector_load %arg20[%get3A_2037] {strides = array<i32>} : memref<64xf32, #tpu.memory_space<vmem>>, vector<16xf32>,
      %get3A_2039 = vector.shape_cast %get3A_2038 : vector<16xf32> to vector<16xf32>
      %get3A_2040 = arith.constant 1 : index
      %get3A_2041 = tpu.vector_load %arg21[%get3A_2040] {strides = array<i32>} : memref<64xf32, #tpu.memory_space<vmem>>, vector<16xf32>,
      %get3A_2042 = vector.shape_cast %get3A_2041 : vector<16xf32> to vector<16xf32>
      %get3A_2043 = arith.constant 33 : index
      %get3A_2044 = tpu.vector_load %arg21[%get3A_2043] {strides = array<i32>} : memref<64xf32, #tpu.memory_space<vmem>>, vector<16xf32>,
      %get3A_2045 = vector.shape_cast %get3A_2044 : vector<16xf32> to vector<16xf32>
      %get3A_2046 = arith.constant 1 : index
      %get3A_2047 = tpu.vector_load %arg22[%get3A_2046] {strides = array<i32>} : memref<64xf32, #tpu.memory_space<vmem>>, vector<16xf32>,
      %get3A_2048 = vector.shape_cast %get3A_2047 : vector<16xf32> to vector<16xf32>
      %get3A_2049 = arith.constant 33 : index
      %get3A_2050 = tpu.vector_load %arg22[%get3A_2049] {strides = array<i32>} : memref<64xf32, #tpu.memory_space<vmem>>, vector<16xf32>,
      %get3A_2051 = vector.shape_cast %get3A_2050 : vector<16xf32> to vector<16xf32>
      %get3A_2052 = arith.constant 1 : index
      %get3A_2053 = tpu.vector_load %arg23[%get3A_2052] {strides = array<i32>} : memref<64xf32, #tpu.memory_space<vmem>>, vector<16xf32>,
      %get3A_2054 = vector.shape_cast %get3A_2053 : vector<16xf32> to vector<16xf32>
      %get3A_2055 = arith.constant 33 : index
      %get3A_2056 = tpu.vector_load %arg23[%get3A_2055] {strides = array<i32>} : memref<64xf32, #tpu.memory_space<vmem>>, vector<16xf32>,
      %get3A_2057 = vector.shape_cast %get3A_2056 : vector<16xf32> to vector<16xf32>
      %get3A_2058 = arith.constant 1 : index
      %get3A_2059 = tpu.vector_load %arg24[%get3A_2058] {strides = array<i32>} : memref<64xf32, #tpu.memory_space<vmem>>, vector<16xf32>,
      %get3A_2060 = vector.shape_cast %get3A_2059 : vector<16xf32> to vector<16xf32>
      %get3A_2061 = arith.constant 33 : index
      %get3A_2062 = tpu.vector_load %arg24[%get3A_2061] {strides = array<i32>} : memref<64xf32, #tpu.memory_space<vmem>>, vector<16xf32>,
      %get3A_2063 = vector.shape_cast %get3A_2062 : vector<16xf32> to vector<16xf32>
      %get3A_2064 = arith.constant 1 : index
      %get3A_2065 = tpu.vector_load %arg25[%get3A_2064] {strides = array<i32>} : memref<64xf32, #tpu.memory_space<vmem>>, vector<16xf32>,
      %get3A_2066 = vector.shape_cast %get3A_2065 : vector<16xf32> to vector<16xf32>
      %get3A_2067 = arith.constant 33 : index
      %get3A_2068 = tpu.vector_load %arg25[%get3A_2067] {strides = array<i32>} : memref<64xf32, #tpu.memory_space<vmem>>, vector<16xf32>,
      %get3A_2069 = vector.shape_cast %get3A_2068 : vector<16xf32> to vector<16xf32>
      %get3A_2070 = arith.constant 1 : index
      %get3A_2071 = tpu.vector_load %arg26[%get3A_2070] {strides = array<i32>} : memref<64xf32, #tpu.memory_space<vmem>>, vector<16xf32>,
      %get3A_2072 = vector.shape_cast %get3A_2071 : vector<16xf32> to vector<16xf32>
      %get3A_2073 = arith.constant 33 : index
      %get3A_2074 = tpu.vector_load %arg26[%get3A_2073] {strides = array<i32>} : memref<64xf32, #tpu.memory_space<vmem>>, vector<16xf32>,
      %get3A_2075 = vector.shape_cast %get3A_2074 : vector<16xf32> to vector<16xf32>
      %get3A_2076 = arith.constant 1 : index
      %get3A_2077 = tpu.vector_load %arg27[%get3A_2076] {strides = array<i32>} : memref<64xf32, #tpu.memory_space<vmem>>, vector<16xf32>,
      %get3A_2078 = vector.shape_cast %get3A_2077 : vector<16xf32> to vector<16xf32>
      %get3A_2079 = arith.constant 33 : index
      %get3A_2080 = tpu.vector_load %arg27[%get3A_2079] {strides = array<i32>} : memref<64xf32, #tpu.memory_space<vmem>>, vector<16xf32>,
      %get3A_2081 = vector.shape_cast %get3A_2080 : vector<16xf32> to vector<16xf32>
      %max3A_2082 = arith.maximumf %max3A_1954, %get3A_2036 : vector<16xf32>
      %max3A_2083 = arith.maximumf %max3A_1955, %get3A_2039 : vector<16xf32>
      %max3A_2084 = arith.maximumf %max3A_1956, %get3A_2042 : vector<16xf32>
      %max3A_2085 = arith.maximumf %max3A_1957, %get3A_2045 : vector<16xf32>
      %max3A_2086 = arith.maximumf %max3A_1958, %get3A_2048 : vector<16xf32>
      %max3A_2087 = arith.maximumf %max3A_1959, %get3A_2051 : vector<16xf32>
      %max3A_2088 = arith.maximumf %max3A_1960, %get3A_2054 : vector<16xf32>
      %max3A_2089 = arith.maximumf %max3A_1961, %get3A_2057 : vector<16xf32>
      %max3A_2090 = arith.maximumf %max3A_1962, %get3A_2060 : vector<16xf32>
      %max3A_2091 = arith.maximumf %max3A_1963, %get3A_2063 : vector<16xf32>
      %max3A_2092 = arith.maximumf %max3A_1964, %get3A_2066 : vector<16xf32>
      %max3A_2093 = arith.maximumf %max3A_1965, %get3A_2069 : vector<16xf32>
      %max3A_2094 = arith.maximumf %max3A_1966, %get3A_2072 : vector<16xf32>
      %max3A_2095 = arith.maximumf %max3A_1967, %get3A_2075 : vector<16xf32>
      %max3A_2096 = arith.maximumf %max3A_1968, %get3A_2078 : vector<16xf32>
      %max3A_2097 = arith.maximumf %max3A_1969, %get3A_2081 : vector<16xf32>
      %eq3A_2098 = arith.constant 8 : i32
      %eq3A_2099 = vector.broadcast %eq3A_2098 : i32 to vector<16xi32>
      %eq3A_2100 = arith.cmpi eq, %iota3A, %eq3A_2099 : vector<16xi32>
      %slice3A_2101 = vector.extract_strided_slice %max3A_2082 {offsets = [0], sizes = [1], strides = [1]} : vector<16xf32> to vector<1xf32>
      %squeeze3A_2102 = vector.extract %slice3A_2101[0] : f32 from vector<1xf32>
      %broadcast_in_dim3A_2103 = vector.broadcast %squeeze3A_2102 : f32 to vector<16xf32>
      %select_n3A_2104 = arith.select %eq3A_2100, %broadcast_in_dim3A_2103, %select_n3A_1370 : vector<16xi1>, vector<16xf32>
      %eq3A_2105 = arith.constant 8 : i32
      %eq3A_2106 = vector.broadcast %eq3A_2105 : i32 to vector<16xi32>
      %eq3A_2107 = arith.cmpi eq, %iota3A, %eq3A_2106 : vector<16xi32>
      %slice3A_2108 = vector.extract_strided_slice %max3A_2083 {offsets = [0], sizes = [1], strides = [1]} : vector<16xf32> to vector<1xf32>
      %squeeze3A_2109 = vector.extract %slice3A_2108[0] : f32 from vector<1xf32>
      %broadcast_in_dim3A_2110 = vector.broadcast %squeeze3A_2109 : f32 to vector<16xf32>
      %select_n3A_2111 = arith.select %eq3A_2107, %broadcast_in_dim3A_2110, %select_n3A_1377 : vector<16xi1>, vector<16xf32>
      %eq3A_2112 = arith.constant 9 : i32
      %eq3A_2113 = vector.broadcast %eq3A_2112 : i32 to vector<16xi32>
      %eq3A_2114 = arith.cmpi eq, %iota3A, %eq3A_2113 : vector<16xi32>
      %slice3A_2115 = vector.extract_strided_slice %max3A_2084 {offsets = [0], sizes = [1], strides = [1]} : vector<16xf32> to vector<1xf32>
      %squeeze3A_2116 = vector.extract %slice3A_2115[0] : f32 from vector<1xf32>
      %broadcast_in_dim3A_2117 = vector.broadcast %squeeze3A_2116 : f32 to vector<16xf32>
      %select_n3A_2118 = arith.select %eq3A_2114, %broadcast_in_dim3A_2117, %select_n3A_2104 : vector<16xi1>, vector<16xf32>
      %eq3A_2119 = arith.constant 9 : i32
      %eq3A_2120 = vector.broadcast %eq3A_2119 : i32 to vector<16xi32>
      %eq3A_2121 = arith.cmpi eq, %iota3A, %eq3A_2120 : vector<16xi32>
      %slice3A_2122 = vector.extract_strided_slice %max3A_2085 {offsets = [0], sizes = [1], strides = [1]} : vector<16xf32> to vector<1xf32>
      %squeeze3A_2123 = vector.extract %slice3A_2122[0] : f32 from vector<1xf32>
      %broadcast_in_dim3A_2124 = vector.broadcast %squeeze3A_2123 : f32 to vector<16xf32>
      %select_n3A_2125 = arith.select %eq3A_2121, %broadcast_in_dim3A_2124, %select_n3A_2111 : vector<16xi1>, vector<16xf32>
      %eq3A_2126 = arith.constant 10 : i32
      %eq3A_2127 = vector.broadcast %eq3A_2126 : i32 to vector<16xi32>
      %eq3A_2128 = arith.cmpi eq, %iota3A, %eq3A_2127 : vector<16xi32>
      %slice3A_2129 = vector.extract_strided_slice %max3A_2086 {offsets = [0], sizes = [1], strides = [1]} : vector<16xf32> to vector<1xf32>
      %squeeze3A_2130 = vector.extract %slice3A_2129[0] : f32 from vector<1xf32>
      %broadcast_in_dim3A_2131 = vector.broadcast %squeeze3A_2130 : f32 to vector<16xf32>
      %select_n3A_2132 = arith.select %eq3A_2128, %broadcast_in_dim3A_2131, %select_n3A_2118 : vector<16xi1>, vector<16xf32>
      %eq3A_2133 = arith.constant 10 : i32
      %eq3A_2134 = vector.broadcast %eq3A_2133 : i32 to vector<16xi32>
      %eq3A_2135 = arith.cmpi eq, %iota3A, %eq3A_2134 : vector<16xi32>
      %slice3A_2136 = vector.extract_strided_slice %max3A_2087 {offsets = [0], sizes = [1], strides = [1]} : vector<16xf32> to vector<1xf32>
      %squeeze3A_2137 = vector.extract %slice3A_2136[0] : f32 from vector<1xf32>
      %broadcast_in_dim3A_2138 = vector.broadcast %squeeze3A_2137 : f32 to vector<16xf32>
      %select_n3A_2139 = arith.select %eq3A_2135, %broadcast_in_dim3A_2138, %select_n3A_2125 : vector<16xi1>, vector<16xf32>
      %eq3A_2140 = arith.constant 11 : i32
      %eq3A_2141 = vector.broadcast %eq3A_2140 : i32 to vector<16xi32>
      %eq3A_2142 = arith.cmpi eq, %iota3A, %eq3A_2141 : vector<16xi32>
      %slice3A_2143 = vector.extract_strided_slice %max3A_2088 {offsets = [0], sizes = [1], strides = [1]} : vector<16xf32> to vector<1xf32>
      %squeeze3A_2144 = vector.extract %slice3A_2143[0] : f32 from vector<1xf32>
      %broadcast_in_dim3A_2145 = vector.broadcast %squeeze3A_2144 : f32 to vector<16xf32>
      %select_n3A_2146 = arith.select %eq3A_2142, %broadcast_in_dim3A_2145, %select_n3A_2132 : vector<16xi1>, vector<16xf32>
      %eq3A_2147 = arith.constant 11 : i32
      %eq3A_2148 = vector.broadcast %eq3A_2147 : i32 to vector<16xi32>
      %eq3A_2149 = arith.cmpi eq, %iota3A, %eq3A_2148 : vector<16xi32>
      %slice3A_2150 = vector.extract_strided_slice %max3A_2089 {offsets = [0], sizes = [1], strides = [1]} : vector<16xf32> to vector<1xf32>
      %squeeze3A_2151 = vector.extract %slice3A_2150[0] : f32 from vector<1xf32>
      %broadcast_in_dim3A_2152 = vector.broadcast %squeeze3A_2151 : f32 to vector<16xf32>
      %select_n3A_2153 = arith.select %eq3A_2149, %broadcast_in_dim3A_2152, %select_n3A_2139 : vector<16xi1>, vector<16xf32>
      %eq3A_2154 = arith.constant 12 : i32
      %eq3A_2155 = vector.broadcast %eq3A_2154 : i32 to vector<16xi32>
      %eq3A_2156 = arith.cmpi eq, %iota3A, %eq3A_2155 : vector<16xi32>
      %slice3A_2157 = vector.extract_strided_slice %max3A_2090 {offsets = [0], sizes = [1], strides = [1]} : vector<16xf32> to vector<1xf32>
      %squeeze3A_2158 = vector.extract %slice3A_2157[0] : f32 from vector<1xf32>
      %broadcast_in_dim3A_2159 = vector.broadcast %squeeze3A_2158 : f32 to vector<16xf32>
      %select_n3A_2160 = arith.select %eq3A_2156, %broadcast_in_dim3A_2159, %select_n3A_2146 : vector<16xi1>, vector<16xf32>
      %eq3A_2161 = arith.constant 12 : i32
      %eq3A_2162 = vector.broadcast %eq3A_2161 : i32 to vector<16xi32>
      %eq3A_2163 = arith.cmpi eq, %iota3A, %eq3A_2162 : vector<16xi32>
      %slice3A_2164 = vector.extract_strided_slice %max3A_2091 {offsets = [0], sizes = [1], strides = [1]} : vector<16xf32> to vector<1xf32>
      %squeeze3A_2165 = vector.extract %slice3A_2164[0] : f32 from vector<1xf32>
      %broadcast_in_dim3A_2166 = vector.broadcast %squeeze3A_2165 : f32 to vector<16xf32>
      %select_n3A_2167 = arith.select %eq3A_2163, %broadcast_in_dim3A_2166, %select_n3A_2153 : vector<16xi1>, vector<16xf32>
      %eq3A_2168 = arith.constant 13 : i32
      %eq3A_2169 = vector.broadcast %eq3A_2168 : i32 to vector<16xi32>
      %eq3A_2170 = arith.cmpi eq, %iota3A, %eq3A_2169 : vector<16xi32>
      %slice3A_2171 = vector.extract_strided_slice %max3A_2092 {offsets = [0], sizes = [1], strides = [1]} : vector<16xf32> to vector<1xf32>
      %squeeze3A_2172 = vector.extract %slice3A_2171[0] : f32 from vector<1xf32>
      %broadcast_in_dim3A_2173 = vector.broadcast %squeeze3A_2172 : f32 to vector<16xf32>
      %select_n3A_2174 = arith.select %eq3A_2170, %broadcast_in_dim3A_2173, %select_n3A_2160 : vector<16xi1>, vector<16xf32>
      %eq3A_2175 = arith.constant 13 : i32
      %eq3A_2176 = vector.broadcast %eq3A_2175 : i32 to vector<16xi32>
      %eq3A_2177 = arith.cmpi eq, %iota3A, %eq3A_2176 : vector<16xi32>
      %slice3A_2178 = vector.extract_strided_slice %max3A_2093 {offsets = [0], sizes = [1], strides = [1]} : vector<16xf32> to vector<1xf32>
      %squeeze3A_2179 = vector.extract %slice3A_2178[0] : f32 from vector<1xf32>
      %broadcast_in_dim3A_2180 = vector.broadcast %squeeze3A_2179 : f32 to vector<16xf32>
      %select_n3A_2181 = arith.select %eq3A_2177, %broadcast_in_dim3A_2180, %select_n3A_2167 : vector<16xi1>, vector<16xf32>
      %eq3A_2182 = arith.constant 14 : i32
      %eq3A_2183 = vector.broadcast %eq3A_2182 : i32 to vector<16xi32>
      %eq3A_2184 = arith.cmpi eq, %iota3A, %eq3A_2183 : vector<16xi32>
      %slice3A_2185 = vector.extract_strided_slice %max3A_2094 {offsets = [0], sizes = [1], strides = [1]} : vector<16xf32> to vector<1xf32>
      %squeeze3A_2186 = vector.extract %slice3A_2185[0] : f32 from vector<1xf32>
      %broadcast_in_dim3A_2187 = vector.broadcast %squeeze3A_2186 : f32 to vector<16xf32>
      %select_n3A_2188 = arith.select %eq3A_2184, %broadcast_in_dim3A_2187, %select_n3A_2174 : vector<16xi1>, vector<16xf32>
      %eq3A_2189 = arith.constant 14 : i32
      %eq3A_2190 = vector.broadcast %eq3A_2189 : i32 to vector<16xi32>
      %eq3A_2191 = arith.cmpi eq, %iota3A, %eq3A_2190 : vector<16xi32>
      %slice3A_2192 = vector.extract_strided_slice %max3A_2095 {offsets = [0], sizes = [1], strides = [1]} : vector<16xf32> to vector<1xf32>
      %squeeze3A_2193 = vector.extract %slice3A_2192[0] : f32 from vector<1xf32>
      %broadcast_in_dim3A_2194 = vector.broadcast %squeeze3A_2193 : f32 to vector<16xf32>
      %select_n3A_2195 = arith.select %eq3A_2191, %broadcast_in_dim3A_2194, %select_n3A_2181 : vector<16xi1>, vector<16xf32>
      %eq3A_2196 = arith.constant 15 : i32
      %eq3A_2197 = vector.broadcast %eq3A_2196 : i32 to vector<16xi32>
      %eq3A_2198 = arith.cmpi eq, %iota3A, %eq3A_2197 : vector<16xi32>
      %slice3A_2199 = vector.extract_strided_slice %max3A_2096 {offsets = [0], sizes = [1], strides = [1]} : vector<16xf32> to vector<1xf32>
      %squeeze3A_2200 = vector.extract %slice3A_2199[0] : f32 from vector<1xf32>
      %broadcast_in_dim3A_2201 = vector.broadcast %squeeze3A_2200 : f32 to vector<16xf32>
      %select_n3A_2202 = arith.select %eq3A_2198, %broadcast_in_dim3A_2201, %select_n3A_2188 : vector<16xi1>, vector<16xf32>
      %eq3A_2203 = arith.constant 15 : i32
      %eq3A_2204 = vector.broadcast %eq3A_2203 : i32 to vector<16xi32>
      %eq3A_2205 = arith.cmpi eq, %iota3A, %eq3A_2204 : vector<16xi32>
      %slice3A_2206 = vector.extract_strided_slice %max3A_2097 {offsets = [0], sizes = [1], strides = [1]} : vector<16xf32> to vector<1xf32>
      %squeeze3A_2207 = vector.extract %slice3A_2206[0] : f32 from vector<1xf32>
      %broadcast_in_dim3A_2208 = vector.broadcast %squeeze3A_2207 : f32 to vector<16xf32>
      %select_n3A_2209 = arith.select %eq3A_2205, %broadcast_in_dim3A_2208, %select_n3A_2195 : vector<16xi1>, vector<16xf32>
      %div3A_2210 = arith.constant 1.000000e+00 : f32
      %div3A_2211 = vector.broadcast %div3A_2210 : f32 to vector<16xf32>
      %div3A_2212 = arith.divf %div3A_2211, %select_n3A_2202 : vector<16xf32>
      %mul3A_2213 = arith.mulf %select_n3A_2209, %div3A_2212 : vector<16xf32>
      %mul3A_2214 = arith.constant 16 : i32
      %mul3A_2215 = arith.muli %scan3A_544, %mul3A_2214 : i32
      %swap3A_2216 = arith.index_cast %mul3A_2215 : i32 to index
      %swap3A_2217 = tpu.vector_load %arg7[%swap3A_2216] {strides = array<i32>} : memref<256xf32, #tpu.memory_space<vmem>>, vector<16xf32>,
      %swap3A_2218 = vector.shape_cast %swap3A_2217 : vector<16xf32> to vector<16xf32>
      %swap3A_2219 = vector.shape_cast %mul3A_2213 : vector<16xf32> to vector<16xf32>
      tpu.vector_store %arg7[%swap3A_2216], %swap3A_2219 {strides = array<i32>} : memref<256xf32, #tpu.memory_space<vmem>>, vector<16xf32>,
      %mul3A_2220 = arith.mulf %mul3A_2213, %mul3A_2213 : vector<16xf32>
      %add3A_2221 = arith.addf %scan3A_545, %mul3A_2220 : vector<16xf32>
      scf.yield %add3A_2221 : vector<16xf32>
    }
    %scan3A_169 = arith.constant 16 : i32
    %swap3A_170 = arith.constant 0 : index
    %swap3A_171 = tpu.vector_load %arg8[%swap3A_170] {strides = array<i32>} : memref<16xf32, #tpu.memory_space<vmem>>, vector<16xf32>,
    %swap3A_172 = vector.shape_cast %swap3A_171 : vector<16xf32> to vector<16xf32>
    %swap3A_173 = vector.shape_cast %scan3A_168 : vector<16xf32> to vector<16xf32>
    tpu.vector_store %arg8[%swap3A_170], %swap3A_173 {strides = array<i32>} : memref<16xf32, #tpu.memory_space<vmem>>, vector<16xf32>,
    %mul3A_174 = arith.constant 16 : i32
    %mul3A_175 = arith.muli %arg1, %mul3A_174 : i32
    "tpu.region"() ({
      %run_scoped3A = tpu.sem_alloc : memref<!tpu.dma_semaphore, #tpu.memory_space<semaphore_mem>>
      %dma_start3A_544 = tpu.memref_slice %arg10[%mul3A_175] : memref<256xf32, #tpu.memory_space<vmem_shared>> -> memref<16xf32, #tpu.memory_space<vmem_shared>>
      %dma_start3A_545 = tpu.memref_slice %arg10[%mul3A_175] : memref<256xf32, #tpu.memory_space<vmem_shared>> -> memref<16xf32, #tpu.memory_space<vmem_shared>>
      tpu.enqueue_dma source(%arg8 : memref<16xf32, #tpu.memory_space<vmem>>) target(%dma_start3A_545 : memref<16xf32, #tpu.memory_space<vmem_shared>>) target_semaphore(%run_scoped3A : memref<!tpu.dma_semaphore, #tpu.memory_space<semaphore_mem>>)
      %dma_wait3A_546 = tpu.memref_slice %arg10[%mul3A_175] : memref<256xf32, #tpu.memory_space<vmem_shared>> -> memref<16xf32, #tpu.memory_space<vmem_shared>>
      %dma_wait3A_547 = tpu.memref_slice %arg10[%mul3A_175] : memref<256xf32, #tpu.memory_space<vmem_shared>> -> memref<16xf32, #tpu.memory_space<vmem_shared>>
      tpu.wait_dma2 semaphore(%run_scoped3A : memref<!tpu.dma_semaphore, #tpu.memory_space<semaphore_mem>>) src(%arg8 : memref<16xf32, #tpu.memory_space<vmem>>) dst(%dma_wait3A_547 : memref<16xf32, #tpu.memory_space<vmem_shared>>)
      tpu.yield
    }) : () -> ()
    %barrier3A = arith.constant 0 : index
    tpu.barrier barrier_id(%barrier3A)
    "tpu.region"() ({
      %run_scoped3A = tpu.sem_alloc : memref<!tpu.dma_semaphore, #tpu.memory_space<semaphore_mem>>
      tpu.enqueue_dma source(%arg10 : memref<256xf32, #tpu.memory_space<vmem_shared>>) target(%arg9 : memref<256xf32, #tpu.memory_space<vmem>>) target_semaphore(%run_scoped3A : memref<!tpu.dma_semaphore, #tpu.memory_space<semaphore_mem>>)
      tpu.wait_dma2 semaphore(%run_scoped3A : memref<!tpu.dma_semaphore, #tpu.memory_space<semaphore_mem>>) src(%arg10 : memref<256xf32, #tpu.memory_space<vmem_shared>>) dst(%arg9 : memref<256xf32, #tpu.memory_space<vmem>>)
      tpu.yield
    }) : () -> ()
    %get3A_176 = arith.constant 0 : index
    %get3A_177 = tpu.vector_load %arg9[%get3A_176] {strides = array<i32>} : memref<256xf32, #tpu.memory_space<vmem>>, vector<16xf32>,
    %get3A_178 = vector.shape_cast %get3A_177 : vector<16xf32> to vector<16xf32>
    %get3A_179 = arith.constant 16 : index
    %get3A_180 = tpu.vector_load %arg9[%get3A_179] {strides = array<i32>} : memref<256xf32, #tpu.memory_space<vmem>>, vector<16xf32>,
    %get3A_181 = vector.shape_cast %get3A_180 : vector<16xf32> to vector<16xf32>
    %add3A_182 = arith.addf %get3A_178, %get3A_181 : vector<16xf32>
    %get3A_183 = arith.constant 32 : index
    %get3A_184 = tpu.vector_load %arg9[%get3A_183] {strides = array<i32>} : memref<256xf32, #tpu.memory_space<vmem>>, vector<16xf32>,
    %get3A_185 = vector.shape_cast %get3A_184 : vector<16xf32> to vector<16xf32>
    %add3A_186 = arith.addf %add3A_182, %get3A_185 : vector<16xf32>
    %get3A_187 = arith.constant 48 : index
    %get3A_188 = tpu.vector_load %arg9[%get3A_187] {strides = array<i32>} : memref<256xf32, #tpu.memory_space<vmem>>, vector<16xf32>,
    %get3A_189 = vector.shape_cast %get3A_188 : vector<16xf32> to vector<16xf32>
    %add3A_190 = arith.addf %add3A_186, %get3A_189 : vector<16xf32>
    %get3A_191 = arith.constant 64 : index
    %get3A_192 = tpu.vector_load %arg9[%get3A_191] {strides = array<i32>} : memref<256xf32, #tpu.memory_space<vmem>>, vector<16xf32>,
    %get3A_193 = vector.shape_cast %get3A_192 : vector<16xf32> to vector<16xf32>
    %add3A_194 = arith.addf %add3A_190, %get3A_193 : vector<16xf32>
    %get3A_195 = arith.constant 80 : index
    %get3A_196 = tpu.vector_load %arg9[%get3A_195] {strides = array<i32>} : memref<256xf32, #tpu.memory_space<vmem>>, vector<16xf32>,
    %get3A_197 = vector.shape_cast %get3A_196 : vector<16xf32> to vector<16xf32>
    %add3A_198 = arith.addf %add3A_194, %get3A_197 : vector<16xf32>
    %get3A_199 = arith.constant 96 : index
    %get3A_200 = tpu.vector_load %arg9[%get3A_199] {strides = array<i32>} : memref<256xf32, #tpu.memory_space<vmem>>, vector<16xf32>,
    %get3A_201 = vector.shape_cast %get3A_200 : vector<16xf32> to vector<16xf32>
    %add3A_202 = arith.addf %add3A_198, %get3A_201 : vector<16xf32>
    %get3A_203 = arith.constant 112 : index
    %get3A_204 = tpu.vector_load %arg9[%get3A_203] {strides = array<i32>} : memref<256xf32, #tpu.memory_space<vmem>>, vector<16xf32>,
    %get3A_205 = vector.shape_cast %get3A_204 : vector<16xf32> to vector<16xf32>
    %add3A_206 = arith.addf %add3A_202, %get3A_205 : vector<16xf32>
    %get3A_207 = arith.constant 128 : index
    %get3A_208 = tpu.vector_load %arg9[%get3A_207] {strides = array<i32>} : memref<256xf32, #tpu.memory_space<vmem>>, vector<16xf32>,
    %get3A_209 = vector.shape_cast %get3A_208 : vector<16xf32> to vector<16xf32>
    %add3A_210 = arith.addf %add3A_206, %get3A_209 : vector<16xf32>
    %get3A_211 = arith.constant 144 : index
    %get3A_212 = tpu.vector_load %arg9[%get3A_211] {strides = array<i32>} : memref<256xf32, #tpu.memory_space<vmem>>, vector<16xf32>,
    %get3A_213 = vector.shape_cast %get3A_212 : vector<16xf32> to vector<16xf32>
    %add3A_214 = arith.addf %add3A_210, %get3A_213 : vector<16xf32>
    %get3A_215 = arith.constant 160 : index
    %get3A_216 = tpu.vector_load %arg9[%get3A_215] {strides = array<i32>} : memref<256xf32, #tpu.memory_space<vmem>>, vector<16xf32>,
    %get3A_217 = vector.shape_cast %get3A_216 : vector<16xf32> to vector<16xf32>
    %add3A_218 = arith.addf %add3A_214, %get3A_217 : vector<16xf32>
    %get3A_219 = arith.constant 176 : index
    %get3A_220 = tpu.vector_load %arg9[%get3A_219] {strides = array<i32>} : memref<256xf32, #tpu.memory_space<vmem>>, vector<16xf32>,
    %get3A_221 = vector.shape_cast %get3A_220 : vector<16xf32> to vector<16xf32>
    %add3A_222 = arith.addf %add3A_218, %get3A_221 : vector<16xf32>
    %get3A_223 = arith.constant 192 : index
    %get3A_224 = tpu.vector_load %arg9[%get3A_223] {strides = array<i32>} : memref<256xf32, #tpu.memory_space<vmem>>, vector<16xf32>,
    %get3A_225 = vector.shape_cast %get3A_224 : vector<16xf32> to vector<16xf32>
    %add3A_226 = arith.addf %add3A_222, %get3A_225 : vector<16xf32>
    %get3A_227 = arith.constant 208 : index
    %get3A_228 = tpu.vector_load %arg9[%get3A_227] {strides = array<i32>} : memref<256xf32, #tpu.memory_space<vmem>>, vector<16xf32>,
    %get3A_229 = vector.shape_cast %get3A_228 : vector<16xf32> to vector<16xf32>
    %add3A_230 = arith.addf %add3A_226, %get3A_229 : vector<16xf32>
    %get3A_231 = arith.constant 224 : index
    %get3A_232 = tpu.vector_load %arg9[%get3A_231] {strides = array<i32>} : memref<256xf32, #tpu.memory_space<vmem>>, vector<16xf32>,
    %get3A_233 = vector.shape_cast %get3A_232 : vector<16xf32> to vector<16xf32>
    %add3A_234 = arith.addf %add3A_230, %get3A_233 : vector<16xf32>
    %get3A_235 = arith.constant 240 : index
    %get3A_236 = tpu.vector_load %arg9[%get3A_235] {strides = array<i32>} : memref<256xf32, #tpu.memory_space<vmem>>, vector<16xf32>,
    %get3A_237 = vector.shape_cast %get3A_236 : vector<16xf32> to vector<16xf32>
    %add3A_238 = arith.addf %add3A_234, %get3A_237 : vector<16xf32>
    %slice3A = vector.extract_strided_slice %add3A_238 {offsets = [0], sizes = [1], strides = [1]} : vector<16xf32> to vector<1xf32>
    %squeeze3A = vector.extract %slice3A[0] : f32 from vector<1xf32>
    %slice3A_239 = vector.extract_strided_slice %add3A_238 {offsets = [1], sizes = [1], strides = [1]} : vector<16xf32> to vector<1xf32>
    %squeeze3A_240 = vector.extract %slice3A_239[0] : f32 from vector<1xf32>
    %add3A_241 = arith.addf %squeeze3A, %squeeze3A_240 : f32
    %slice3A_242 = vector.extract_strided_slice %add3A_238 {offsets = [2], sizes = [1], strides = [1]} : vector<16xf32> to vector<1xf32>
    %squeeze3A_243 = vector.extract %slice3A_242[0] : f32 from vector<1xf32>
    %add3A_244 = arith.addf %add3A_241, %squeeze3A_243 : f32
    %slice3A_245 = vector.extract_strided_slice %add3A_238 {offsets = [3], sizes = [1], strides = [1]} : vector<16xf32> to vector<1xf32>
    %squeeze3A_246 = vector.extract %slice3A_245[0] : f32 from vector<1xf32>
    %add3A_247 = arith.addf %add3A_244, %squeeze3A_246 : f32
    %slice3A_248 = vector.extract_strided_slice %add3A_238 {offsets = [4], sizes = [1], strides = [1]} : vector<16xf32> to vector<1xf32>
    %squeeze3A_249 = vector.extract %slice3A_248[0] : f32 from vector<1xf32>
    %add3A_250 = arith.addf %add3A_247, %squeeze3A_249 : f32
    %slice3A_251 = vector.extract_strided_slice %add3A_238 {offsets = [5], sizes = [1], strides = [1]} : vector<16xf32> to vector<1xf32>
    %squeeze3A_252 = vector.extract %slice3A_251[0] : f32 from vector<1xf32>
    %add3A_253 = arith.addf %add3A_250, %squeeze3A_252 : f32
    %slice3A_254 = vector.extract_strided_slice %add3A_238 {offsets = [6], sizes = [1], strides = [1]} : vector<16xf32> to vector<1xf32>
    %squeeze3A_255 = vector.extract %slice3A_254[0] : f32 from vector<1xf32>
    %add3A_256 = arith.addf %add3A_253, %squeeze3A_255 : f32
    %slice3A_257 = vector.extract_strided_slice %add3A_238 {offsets = [7], sizes = [1], strides = [1]} : vector<16xf32> to vector<1xf32>
    %squeeze3A_258 = vector.extract %slice3A_257[0] : f32 from vector<1xf32>
    %add3A_259 = arith.addf %add3A_256, %squeeze3A_258 : f32
    %slice3A_260 = vector.extract_strided_slice %add3A_238 {offsets = [8], sizes = [1], strides = [1]} : vector<16xf32> to vector<1xf32>
    %squeeze3A_261 = vector.extract %slice3A_260[0] : f32 from vector<1xf32>
    %add3A_262 = arith.addf %add3A_259, %squeeze3A_261 : f32
    %slice3A_263 = vector.extract_strided_slice %add3A_238 {offsets = [9], sizes = [1], strides = [1]} : vector<16xf32> to vector<1xf32>
    %squeeze3A_264 = vector.extract %slice3A_263[0] : f32 from vector<1xf32>
    %add3A_265 = arith.addf %add3A_262, %squeeze3A_264 : f32
    %slice3A_266 = vector.extract_strided_slice %add3A_238 {offsets = [10], sizes = [1], strides = [1]} : vector<16xf32> to vector<1xf32>
    %squeeze3A_267 = vector.extract %slice3A_266[0] : f32 from vector<1xf32>
    %add3A_268 = arith.addf %add3A_265, %squeeze3A_267 : f32
    %slice3A_269 = vector.extract_strided_slice %add3A_238 {offsets = [11], sizes = [1], strides = [1]} : vector<16xf32> to vector<1xf32>
    %squeeze3A_270 = vector.extract %slice3A_269[0] : f32 from vector<1xf32>
    %add3A_271 = arith.addf %add3A_268, %squeeze3A_270 : f32
    %slice3A_272 = vector.extract_strided_slice %add3A_238 {offsets = [12], sizes = [1], strides = [1]} : vector<16xf32> to vector<1xf32>
    %squeeze3A_273 = vector.extract %slice3A_272[0] : f32 from vector<1xf32>
    %add3A_274 = arith.addf %add3A_271, %squeeze3A_273 : f32
    %slice3A_275 = vector.extract_strided_slice %add3A_238 {offsets = [13], sizes = [1], strides = [1]} : vector<16xf32> to vector<1xf32>
    %squeeze3A_276 = vector.extract %slice3A_275[0] : f32 from vector<1xf32>
    %add3A_277 = arith.addf %add3A_274, %squeeze3A_276 : f32
    %slice3A_278 = vector.extract_strided_slice %add3A_238 {offsets = [14], sizes = [1], strides = [1]} : vector<16xf32> to vector<1xf32>
    %squeeze3A_279 = vector.extract %slice3A_278[0] : f32 from vector<1xf32>
    %add3A_280 = arith.addf %add3A_277, %squeeze3A_279 : f32
    %slice3A_281 = vector.extract_strided_slice %add3A_238 {offsets = [15], sizes = [1], strides = [1]} : vector<16xf32> to vector<1xf32>
    %squeeze3A_282 = vector.extract %slice3A_281[0] : f32 from vector<1xf32>
    %add3A_283 = arith.addf %add3A_280, %squeeze3A_282 : f32
    %broadcast_in_dim3A_284 = vector.broadcast %add3A_283 : f32 to vector<16xf32>
    %add3A_285 = arith.constant 1.000000e+00 : f32
    %add3A_286 = vector.broadcast %add3A_285 : f32 to vector<16xf32>
    %add3A_287 = arith.addf %add3A_286, %broadcast_in_dim3A_284 : vector<16xf32>
    %mul3A_288 = arith.constant 5.000000e-01 : f32
    %mul3A_289 = vector.broadcast %mul3A_288 : f32 to vector<16xf32>
    %mul3A_290 = arith.mulf %mul3A_289, %add3A_287 : vector<16xf32>
    %div3A = arith.divf %broadcast_in_dim3A_284, %mul3A_290 : vector<16xf32>
    %add3A_291 = arith.addf %mul3A_290, %div3A : vector<16xf32>
    %mul3A_292 = arith.constant 5.000000e-01 : f32
    %mul3A_293 = vector.broadcast %mul3A_292 : f32 to vector<16xf32>
    %mul3A_294 = arith.mulf %mul3A_293, %add3A_291 : vector<16xf32>
    %div3A_295 = arith.divf %broadcast_in_dim3A_284, %mul3A_294 : vector<16xf32>
    %add3A_296 = arith.addf %mul3A_294, %div3A_295 : vector<16xf32>
    %mul3A_297 = arith.constant 5.000000e-01 : f32
    %mul3A_298 = vector.broadcast %mul3A_297 : f32 to vector<16xf32>
    %mul3A_299 = arith.mulf %mul3A_298, %add3A_296 : vector<16xf32>
    %div3A_300 = arith.divf %broadcast_in_dim3A_284, %mul3A_299 : vector<16xf32>
    %add3A_301 = arith.addf %mul3A_299, %div3A_300 : vector<16xf32>
    %mul3A_302 = arith.constant 5.000000e-01 : f32
    %mul3A_303 = vector.broadcast %mul3A_302 : f32 to vector<16xf32>
    %mul3A_304 = arith.mulf %mul3A_303, %add3A_301 : vector<16xf32>
    %div3A_305 = arith.divf %broadcast_in_dim3A_284, %mul3A_304 : vector<16xf32>
    %add3A_306 = arith.addf %mul3A_304, %div3A_305 : vector<16xf32>
    %mul3A_307 = arith.constant 5.000000e-01 : f32
    %mul3A_308 = vector.broadcast %mul3A_307 : f32 to vector<16xf32>
    %mul3A_309 = arith.mulf %mul3A_308, %add3A_306 : vector<16xf32>
    %div3A_310 = arith.divf %broadcast_in_dim3A_284, %mul3A_309 : vector<16xf32>
    %add3A_311 = arith.addf %mul3A_309, %div3A_310 : vector<16xf32>
    %mul3A_312 = arith.constant 5.000000e-01 : f32
    %mul3A_313 = vector.broadcast %mul3A_312 : f32 to vector<16xf32>
    %mul3A_314 = arith.mulf %mul3A_313, %add3A_311 : vector<16xf32>
    %div3A_315 = arith.divf %broadcast_in_dim3A_284, %mul3A_314 : vector<16xf32>
    %add3A_316 = arith.addf %mul3A_314, %div3A_315 : vector<16xf32>
    %mul3A_317 = arith.constant 5.000000e-01 : f32
    %mul3A_318 = vector.broadcast %mul3A_317 : f32 to vector<16xf32>
    %mul3A_319 = arith.mulf %mul3A_318, %add3A_316 : vector<16xf32>
    %div3A_320 = arith.divf %broadcast_in_dim3A_284, %mul3A_319 : vector<16xf32>
    %add3A_321 = arith.addf %mul3A_319, %div3A_320 : vector<16xf32>
    %mul3A_322 = arith.constant 5.000000e-01 : f32
    %mul3A_323 = vector.broadcast %mul3A_322 : f32 to vector<16xf32>
    %mul3A_324 = arith.mulf %mul3A_323, %add3A_321 : vector<16xf32>
    %div3A_325 = arith.divf %broadcast_in_dim3A_284, %mul3A_324 : vector<16xf32>
    %add3A_326 = arith.addf %mul3A_324, %div3A_325 : vector<16xf32>
    %mul3A_327 = arith.constant 5.000000e-01 : f32
    %mul3A_328 = vector.broadcast %mul3A_327 : f32 to vector<16xf32>
    %mul3A_329 = arith.mulf %mul3A_328, %add3A_326 : vector<16xf32>
    %div3A_330 = arith.divf %broadcast_in_dim3A_284, %mul3A_329 : vector<16xf32>
    %add3A_331 = arith.addf %mul3A_329, %div3A_330 : vector<16xf32>
    %mul3A_332 = arith.constant 5.000000e-01 : f32
    %mul3A_333 = vector.broadcast %mul3A_332 : f32 to vector<16xf32>
    %mul3A_334 = arith.mulf %mul3A_333, %add3A_331 : vector<16xf32>
    %div3A_335 = arith.divf %broadcast_in_dim3A_284, %mul3A_334 : vector<16xf32>
    %add3A_336 = arith.addf %mul3A_334, %div3A_335 : vector<16xf32>
    %mul3A_337 = arith.constant 5.000000e-01 : f32
    %mul3A_338 = vector.broadcast %mul3A_337 : f32 to vector<16xf32>
    %mul3A_339 = arith.mulf %mul3A_338, %add3A_336 : vector<16xf32>
    %div3A_340 = arith.divf %broadcast_in_dim3A_284, %mul3A_339 : vector<16xf32>
    %add3A_341 = arith.addf %mul3A_339, %div3A_340 : vector<16xf32>
    %mul3A_342 = arith.constant 5.000000e-01 : f32
    %mul3A_343 = vector.broadcast %mul3A_342 : f32 to vector<16xf32>
    %mul3A_344 = arith.mulf %mul3A_343, %add3A_341 : vector<16xf32>
    %div3A_345 = arith.divf %broadcast_in_dim3A_284, %mul3A_344 : vector<16xf32>
    %add3A_346 = arith.addf %mul3A_344, %div3A_345 : vector<16xf32>
    %mul3A_347 = arith.constant 5.000000e-01 : f32
    %mul3A_348 = vector.broadcast %mul3A_347 : f32 to vector<16xf32>
    %mul3A_349 = arith.mulf %mul3A_348, %add3A_346 : vector<16xf32>
    %div3A_350 = arith.divf %broadcast_in_dim3A_284, %mul3A_349 : vector<16xf32>
    %add3A_351 = arith.addf %mul3A_349, %div3A_350 : vector<16xf32>
    %mul3A_352 = arith.constant 5.000000e-01 : f32
    %mul3A_353 = vector.broadcast %mul3A_352 : f32 to vector<16xf32>
    %mul3A_354 = arith.mulf %mul3A_353, %add3A_351 : vector<16xf32>
    %div3A_355 = arith.divf %broadcast_in_dim3A_284, %mul3A_354 : vector<16xf32>
    %add3A_356 = arith.addf %mul3A_354, %div3A_355 : vector<16xf32>
    %mul3A_357 = arith.constant 5.000000e-01 : f32
    %mul3A_358 = vector.broadcast %mul3A_357 : f32 to vector<16xf32>
    %mul3A_359 = arith.mulf %mul3A_358, %add3A_356 : vector<16xf32>
    %div3A_360 = arith.divf %broadcast_in_dim3A_284, %mul3A_359 : vector<16xf32>
    %add3A_361 = arith.addf %mul3A_359, %div3A_360 : vector<16xf32>
    %mul3A_362 = arith.constant 5.000000e-01 : f32
    %mul3A_363 = vector.broadcast %mul3A_362 : f32 to vector<16xf32>
    %mul3A_364 = arith.mulf %mul3A_363, %add3A_361 : vector<16xf32>
    %div3A_365 = arith.divf %broadcast_in_dim3A_284, %mul3A_364 : vector<16xf32>
    %add3A_366 = arith.addf %mul3A_364, %div3A_365 : vector<16xf32>
    %mul3A_367 = arith.constant 5.000000e-01 : f32
    %mul3A_368 = vector.broadcast %mul3A_367 : f32 to vector<16xf32>
    %mul3A_369 = arith.mulf %mul3A_368, %add3A_366 : vector<16xf32>
    %div3A_370 = arith.divf %broadcast_in_dim3A_284, %mul3A_369 : vector<16xf32>
    %add3A_371 = arith.addf %mul3A_369, %div3A_370 : vector<16xf32>
    %mul3A_372 = arith.constant 5.000000e-01 : f32
    %mul3A_373 = vector.broadcast %mul3A_372 : f32 to vector<16xf32>
    %mul3A_374 = arith.mulf %mul3A_373, %add3A_371 : vector<16xf32>
    %div3A_375 = arith.divf %broadcast_in_dim3A_284, %mul3A_374 : vector<16xf32>
    %add3A_376 = arith.addf %mul3A_374, %div3A_375 : vector<16xf32>
    %mul3A_377 = arith.constant 5.000000e-01 : f32
    %mul3A_378 = vector.broadcast %mul3A_377 : f32 to vector<16xf32>
    %mul3A_379 = arith.mulf %mul3A_378, %add3A_376 : vector<16xf32>
    %div3A_380 = arith.divf %broadcast_in_dim3A_284, %mul3A_379 : vector<16xf32>
    %add3A_381 = arith.addf %mul3A_379, %div3A_380 : vector<16xf32>
    %mul3A_382 = arith.constant 5.000000e-01 : f32
    %mul3A_383 = vector.broadcast %mul3A_382 : f32 to vector<16xf32>
    %mul3A_384 = arith.mulf %mul3A_383, %add3A_381 : vector<16xf32>
    %div3A_385 = arith.divf %broadcast_in_dim3A_284, %mul3A_384 : vector<16xf32>
    %add3A_386 = arith.addf %mul3A_384, %div3A_385 : vector<16xf32>
    %mul3A_387 = arith.constant 5.000000e-01 : f32
    %mul3A_388 = vector.broadcast %mul3A_387 : f32 to vector<16xf32>
    %mul3A_389 = arith.mulf %mul3A_388, %add3A_386 : vector<16xf32>
    %div3A_390 = arith.divf %broadcast_in_dim3A_284, %mul3A_389 : vector<16xf32>
    %add3A_391 = arith.addf %mul3A_389, %div3A_390 : vector<16xf32>
    %mul3A_392 = arith.constant 5.000000e-01 : f32
    %mul3A_393 = vector.broadcast %mul3A_392 : f32 to vector<16xf32>
    %mul3A_394 = arith.mulf %mul3A_393, %add3A_391 : vector<16xf32>
    %div3A_395 = arith.divf %broadcast_in_dim3A_284, %mul3A_394 : vector<16xf32>
    %add3A_396 = arith.addf %mul3A_394, %div3A_395 : vector<16xf32>
    %mul3A_397 = arith.constant 5.000000e-01 : f32
    %mul3A_398 = vector.broadcast %mul3A_397 : f32 to vector<16xf32>
    %mul3A_399 = arith.mulf %mul3A_398, %add3A_396 : vector<16xf32>
    %div3A_400 = arith.divf %broadcast_in_dim3A_284, %mul3A_399 : vector<16xf32>
    %add3A_401 = arith.addf %mul3A_399, %div3A_400 : vector<16xf32>
    %mul3A_402 = arith.constant 5.000000e-01 : f32
    %mul3A_403 = vector.broadcast %mul3A_402 : f32 to vector<16xf32>
    %mul3A_404 = arith.mulf %mul3A_403, %add3A_401 : vector<16xf32>
    %div3A_405 = arith.divf %broadcast_in_dim3A_284, %mul3A_404 : vector<16xf32>
    %add3A_406 = arith.addf %mul3A_404, %div3A_405 : vector<16xf32>
    %mul3A_407 = arith.constant 5.000000e-01 : f32
    %mul3A_408 = vector.broadcast %mul3A_407 : f32 to vector<16xf32>
    %mul3A_409 = arith.mulf %mul3A_408, %add3A_406 : vector<16xf32>
    %div3A_410 = arith.constant 1.000000e+00 : f32
    %div3A_411 = vector.broadcast %div3A_410 : f32 to vector<16xf32>
    %div3A_412 = arith.divf %div3A_411, %mul3A_409 : vector<16xf32>
    %get3A_413 = arith.constant 0 : index
    %get3A_414 = tpu.vector_load %arg7[%get3A_413] {strides = array<i32>} : memref<256xf32, #tpu.memory_space<vmem>>, vector<16xf32>,
    %get3A_415 = vector.shape_cast %get3A_414 : vector<16xf32> to vector<16xf32>
    %mul3A_416 = arith.mulf %get3A_415, %div3A_412 : vector<16xf32>
    %swap3A_417 = arith.constant 0 : index
    %swap3A_418 = tpu.vector_load %arg7[%swap3A_417] {strides = array<i32>} : memref<256xf32, #tpu.memory_space<vmem>>, vector<16xf32>,
    %swap3A_419 = vector.shape_cast %swap3A_418 : vector<16xf32> to vector<16xf32>
    %swap3A_420 = vector.shape_cast %mul3A_416 : vector<16xf32> to vector<16xf32>
    tpu.vector_store %arg7[%swap3A_417], %swap3A_420 {strides = array<i32>} : memref<256xf32, #tpu.memory_space<vmem>>, vector<16xf32>,
    %get3A_421 = arith.constant 16 : index
    %get3A_422 = tpu.vector_load %arg7[%get3A_421] {strides = array<i32>} : memref<256xf32, #tpu.memory_space<vmem>>, vector<16xf32>,
    %get3A_423 = vector.shape_cast %get3A_422 : vector<16xf32> to vector<16xf32>
    %mul3A_424 = arith.mulf %get3A_423, %div3A_412 : vector<16xf32>
    %swap3A_425 = arith.constant 16 : index
    %swap3A_426 = tpu.vector_load %arg7[%swap3A_425] {strides = array<i32>} : memref<256xf32, #tpu.memory_space<vmem>>, vector<16xf32>,
    %swap3A_427 = vector.shape_cast %swap3A_426 : vector<16xf32> to vector<16xf32>
    %swap3A_428 = vector.shape_cast %mul3A_424 : vector<16xf32> to vector<16xf32>
    tpu.vector_store %arg7[%swap3A_425], %swap3A_428 {strides = array<i32>} : memref<256xf32, #tpu.memory_space<vmem>>, vector<16xf32>,
    %get3A_429 = arith.constant 32 : index
    %get3A_430 = tpu.vector_load %arg7[%get3A_429] {strides = array<i32>} : memref<256xf32, #tpu.memory_space<vmem>>, vector<16xf32>,
    %get3A_431 = vector.shape_cast %get3A_430 : vector<16xf32> to vector<16xf32>
    %mul3A_432 = arith.mulf %get3A_431, %div3A_412 : vector<16xf32>
    %swap3A_433 = arith.constant 32 : index
    %swap3A_434 = tpu.vector_load %arg7[%swap3A_433] {strides = array<i32>} : memref<256xf32, #tpu.memory_space<vmem>>, vector<16xf32>,
    %swap3A_435 = vector.shape_cast %swap3A_434 : vector<16xf32> to vector<16xf32>
    %swap3A_436 = vector.shape_cast %mul3A_432 : vector<16xf32> to vector<16xf32>
    tpu.vector_store %arg7[%swap3A_433], %swap3A_436 {strides = array<i32>} : memref<256xf32, #tpu.memory_space<vmem>>, vector<16xf32>,
    %get3A_437 = arith.constant 48 : index
    %get3A_438 = tpu.vector_load %arg7[%get3A_437] {strides = array<i32>} : memref<256xf32, #tpu.memory_space<vmem>>, vector<16xf32>,
    %get3A_439 = vector.shape_cast %get3A_438 : vector<16xf32> to vector<16xf32>
    %mul3A_440 = arith.mulf %get3A_439, %div3A_412 : vector<16xf32>
    %swap3A_441 = arith.constant 48 : index
    %swap3A_442 = tpu.vector_load %arg7[%swap3A_441] {strides = array<i32>} : memref<256xf32, #tpu.memory_space<vmem>>, vector<16xf32>,
    %swap3A_443 = vector.shape_cast %swap3A_442 : vector<16xf32> to vector<16xf32>
    %swap3A_444 = vector.shape_cast %mul3A_440 : vector<16xf32> to vector<16xf32>
    tpu.vector_store %arg7[%swap3A_441], %swap3A_444 {strides = array<i32>} : memref<256xf32, #tpu.memory_space<vmem>>, vector<16xf32>,
    %get3A_445 = arith.constant 64 : index
    %get3A_446 = tpu.vector_load %arg7[%get3A_445] {strides = array<i32>} : memref<256xf32, #tpu.memory_space<vmem>>, vector<16xf32>,
    %get3A_447 = vector.shape_cast %get3A_446 : vector<16xf32> to vector<16xf32>
    %mul3A_448 = arith.mulf %get3A_447, %div3A_412 : vector<16xf32>
    %swap3A_449 = arith.constant 64 : index
    %swap3A_450 = tpu.vector_load %arg7[%swap3A_449] {strides = array<i32>} : memref<256xf32, #tpu.memory_space<vmem>>, vector<16xf32>,
    %swap3A_451 = vector.shape_cast %swap3A_450 : vector<16xf32> to vector<16xf32>
    %swap3A_452 = vector.shape_cast %mul3A_448 : vector<16xf32> to vector<16xf32>
    tpu.vector_store %arg7[%swap3A_449], %swap3A_452 {strides = array<i32>} : memref<256xf32, #tpu.memory_space<vmem>>, vector<16xf32>,
    %get3A_453 = arith.constant 80 : index
    %get3A_454 = tpu.vector_load %arg7[%get3A_453] {strides = array<i32>} : memref<256xf32, #tpu.memory_space<vmem>>, vector<16xf32>,
    %get3A_455 = vector.shape_cast %get3A_454 : vector<16xf32> to vector<16xf32>
    %mul3A_456 = arith.mulf %get3A_455, %div3A_412 : vector<16xf32>
    %swap3A_457 = arith.constant 80 : index
    %swap3A_458 = tpu.vector_load %arg7[%swap3A_457] {strides = array<i32>} : memref<256xf32, #tpu.memory_space<vmem>>, vector<16xf32>,
    %swap3A_459 = vector.shape_cast %swap3A_458 : vector<16xf32> to vector<16xf32>
    %swap3A_460 = vector.shape_cast %mul3A_456 : vector<16xf32> to vector<16xf32>
    tpu.vector_store %arg7[%swap3A_457], %swap3A_460 {strides = array<i32>} : memref<256xf32, #tpu.memory_space<vmem>>, vector<16xf32>,
    %get3A_461 = arith.constant 96 : index
    %get3A_462 = tpu.vector_load %arg7[%get3A_461] {strides = array<i32>} : memref<256xf32, #tpu.memory_space<vmem>>, vector<16xf32>,
    %get3A_463 = vector.shape_cast %get3A_462 : vector<16xf32> to vector<16xf32>
    %mul3A_464 = arith.mulf %get3A_463, %div3A_412 : vector<16xf32>
    %swap3A_465 = arith.constant 96 : index
    %swap3A_466 = tpu.vector_load %arg7[%swap3A_465] {strides = array<i32>} : memref<256xf32, #tpu.memory_space<vmem>>, vector<16xf32>,
    %swap3A_467 = vector.shape_cast %swap3A_466 : vector<16xf32> to vector<16xf32>
    %swap3A_468 = vector.shape_cast %mul3A_464 : vector<16xf32> to vector<16xf32>
    tpu.vector_store %arg7[%swap3A_465], %swap3A_468 {strides = array<i32>} : memref<256xf32, #tpu.memory_space<vmem>>, vector<16xf32>,
    %get3A_469 = arith.constant 112 : index
    %get3A_470 = tpu.vector_load %arg7[%get3A_469] {strides = array<i32>} : memref<256xf32, #tpu.memory_space<vmem>>, vector<16xf32>,
    %get3A_471 = vector.shape_cast %get3A_470 : vector<16xf32> to vector<16xf32>
    %mul3A_472 = arith.mulf %get3A_471, %div3A_412 : vector<16xf32>
    %swap3A_473 = arith.constant 112 : index
    %swap3A_474 = tpu.vector_load %arg7[%swap3A_473] {strides = array<i32>} : memref<256xf32, #tpu.memory_space<vmem>>, vector<16xf32>,
    %swap3A_475 = vector.shape_cast %swap3A_474 : vector<16xf32> to vector<16xf32>
    %swap3A_476 = vector.shape_cast %mul3A_472 : vector<16xf32> to vector<16xf32>
    tpu.vector_store %arg7[%swap3A_473], %swap3A_476 {strides = array<i32>} : memref<256xf32, #tpu.memory_space<vmem>>, vector<16xf32>,
    %get3A_477 = arith.constant 128 : index
    %get3A_478 = tpu.vector_load %arg7[%get3A_477] {strides = array<i32>} : memref<256xf32, #tpu.memory_space<vmem>>, vector<16xf32>,
    %get3A_479 = vector.shape_cast %get3A_478 : vector<16xf32> to vector<16xf32>
    %mul3A_480 = arith.mulf %get3A_479, %div3A_412 : vector<16xf32>
    %swap3A_481 = arith.constant 128 : index
    %swap3A_482 = tpu.vector_load %arg7[%swap3A_481] {strides = array<i32>} : memref<256xf32, #tpu.memory_space<vmem>>, vector<16xf32>,
    %swap3A_483 = vector.shape_cast %swap3A_482 : vector<16xf32> to vector<16xf32>
    %swap3A_484 = vector.shape_cast %mul3A_480 : vector<16xf32> to vector<16xf32>
    tpu.vector_store %arg7[%swap3A_481], %swap3A_484 {strides = array<i32>} : memref<256xf32, #tpu.memory_space<vmem>>, vector<16xf32>,
    %get3A_485 = arith.constant 144 : index
    %get3A_486 = tpu.vector_load %arg7[%get3A_485] {strides = array<i32>} : memref<256xf32, #tpu.memory_space<vmem>>, vector<16xf32>,
    %get3A_487 = vector.shape_cast %get3A_486 : vector<16xf32> to vector<16xf32>
    %mul3A_488 = arith.mulf %get3A_487, %div3A_412 : vector<16xf32>
    %swap3A_489 = arith.constant 144 : index
    %swap3A_490 = tpu.vector_load %arg7[%swap3A_489] {strides = array<i32>} : memref<256xf32, #tpu.memory_space<vmem>>, vector<16xf32>,
    %swap3A_491 = vector.shape_cast %swap3A_490 : vector<16xf32> to vector<16xf32>
    %swap3A_492 = vector.shape_cast %mul3A_488 : vector<16xf32> to vector<16xf32>
    tpu.vector_store %arg7[%swap3A_489], %swap3A_492 {strides = array<i32>} : memref<256xf32, #tpu.memory_space<vmem>>, vector<16xf32>,
    %get3A_493 = arith.constant 160 : index
    %get3A_494 = tpu.vector_load %arg7[%get3A_493] {strides = array<i32>} : memref<256xf32, #tpu.memory_space<vmem>>, vector<16xf32>,
    %get3A_495 = vector.shape_cast %get3A_494 : vector<16xf32> to vector<16xf32>
    %mul3A_496 = arith.mulf %get3A_495, %div3A_412 : vector<16xf32>
    %swap3A_497 = arith.constant 160 : index
    %swap3A_498 = tpu.vector_load %arg7[%swap3A_497] {strides = array<i32>} : memref<256xf32, #tpu.memory_space<vmem>>, vector<16xf32>,
    %swap3A_499 = vector.shape_cast %swap3A_498 : vector<16xf32> to vector<16xf32>
    %swap3A_500 = vector.shape_cast %mul3A_496 : vector<16xf32> to vector<16xf32>
    tpu.vector_store %arg7[%swap3A_497], %swap3A_500 {strides = array<i32>} : memref<256xf32, #tpu.memory_space<vmem>>, vector<16xf32>,
    %get3A_501 = arith.constant 176 : index
    %get3A_502 = tpu.vector_load %arg7[%get3A_501] {strides = array<i32>} : memref<256xf32, #tpu.memory_space<vmem>>, vector<16xf32>,
    %get3A_503 = vector.shape_cast %get3A_502 : vector<16xf32> to vector<16xf32>
    %mul3A_504 = arith.mulf %get3A_503, %div3A_412 : vector<16xf32>
    %swap3A_505 = arith.constant 176 : index
    %swap3A_506 = tpu.vector_load %arg7[%swap3A_505] {strides = array<i32>} : memref<256xf32, #tpu.memory_space<vmem>>, vector<16xf32>,
    %swap3A_507 = vector.shape_cast %swap3A_506 : vector<16xf32> to vector<16xf32>
    %swap3A_508 = vector.shape_cast %mul3A_504 : vector<16xf32> to vector<16xf32>
    tpu.vector_store %arg7[%swap3A_505], %swap3A_508 {strides = array<i32>} : memref<256xf32, #tpu.memory_space<vmem>>, vector<16xf32>,
    %get3A_509 = arith.constant 192 : index
    %get3A_510 = tpu.vector_load %arg7[%get3A_509] {strides = array<i32>} : memref<256xf32, #tpu.memory_space<vmem>>, vector<16xf32>,
    %get3A_511 = vector.shape_cast %get3A_510 : vector<16xf32> to vector<16xf32>
    %mul3A_512 = arith.mulf %get3A_511, %div3A_412 : vector<16xf32>
    %swap3A_513 = arith.constant 192 : index
    %swap3A_514 = tpu.vector_load %arg7[%swap3A_513] {strides = array<i32>} : memref<256xf32, #tpu.memory_space<vmem>>, vector<16xf32>,
    %swap3A_515 = vector.shape_cast %swap3A_514 : vector<16xf32> to vector<16xf32>
    %swap3A_516 = vector.shape_cast %mul3A_512 : vector<16xf32> to vector<16xf32>
    tpu.vector_store %arg7[%swap3A_513], %swap3A_516 {strides = array<i32>} : memref<256xf32, #tpu.memory_space<vmem>>, vector<16xf32>,
    %get3A_517 = arith.constant 208 : index
    %get3A_518 = tpu.vector_load %arg7[%get3A_517] {strides = array<i32>} : memref<256xf32, #tpu.memory_space<vmem>>, vector<16xf32>,
    %get3A_519 = vector.shape_cast %get3A_518 : vector<16xf32> to vector<16xf32>
    %mul3A_520 = arith.mulf %get3A_519, %div3A_412 : vector<16xf32>
    %swap3A_521 = arith.constant 208 : index
    %swap3A_522 = tpu.vector_load %arg7[%swap3A_521] {strides = array<i32>} : memref<256xf32, #tpu.memory_space<vmem>>, vector<16xf32>,
    %swap3A_523 = vector.shape_cast %swap3A_522 : vector<16xf32> to vector<16xf32>
    %swap3A_524 = vector.shape_cast %mul3A_520 : vector<16xf32> to vector<16xf32>
    tpu.vector_store %arg7[%swap3A_521], %swap3A_524 {strides = array<i32>} : memref<256xf32, #tpu.memory_space<vmem>>, vector<16xf32>,
    %get3A_525 = arith.constant 224 : index
    %get3A_526 = tpu.vector_load %arg7[%get3A_525] {strides = array<i32>} : memref<256xf32, #tpu.memory_space<vmem>>, vector<16xf32>,
    %get3A_527 = vector.shape_cast %get3A_526 : vector<16xf32> to vector<16xf32>
    %mul3A_528 = arith.mulf %get3A_527, %div3A_412 : vector<16xf32>
    %swap3A_529 = arith.constant 224 : index
    %swap3A_530 = tpu.vector_load %arg7[%swap3A_529] {strides = array<i32>} : memref<256xf32, #tpu.memory_space<vmem>>, vector<16xf32>,
    %swap3A_531 = vector.shape_cast %swap3A_530 : vector<16xf32> to vector<16xf32>
    %swap3A_532 = vector.shape_cast %mul3A_528 : vector<16xf32> to vector<16xf32>
    tpu.vector_store %arg7[%swap3A_529], %swap3A_532 {strides = array<i32>} : memref<256xf32, #tpu.memory_space<vmem>>, vector<16xf32>,
    %get3A_533 = arith.constant 240 : index
    %get3A_534 = tpu.vector_load %arg7[%get3A_533] {strides = array<i32>} : memref<256xf32, #tpu.memory_space<vmem>>, vector<16xf32>,
    %get3A_535 = vector.shape_cast %get3A_534 : vector<16xf32> to vector<16xf32>
    %mul3A_536 = arith.mulf %get3A_535, %div3A_412 : vector<16xf32>
    %swap3A_537 = arith.constant 240 : index
    %swap3A_538 = tpu.vector_load %arg7[%swap3A_537] {strides = array<i32>} : memref<256xf32, #tpu.memory_space<vmem>>, vector<16xf32>,
    %swap3A_539 = vector.shape_cast %swap3A_538 : vector<16xf32> to vector<16xf32>
    %swap3A_540 = vector.shape_cast %mul3A_536 : vector<16xf32> to vector<16xf32>
    tpu.vector_store %arg7[%swap3A_537], %swap3A_540 {strides = array<i32>} : memref<256xf32, #tpu.memory_space<vmem>>, vector<16xf32>,
    %mul3A_541 = arith.constant 4096 : i32
    %mul3A_542 = arith.muli %arg0, %mul3A_541 : i32
    %add3A_543 = arith.addi %mul3A_542, %mul3A_0 : i32
    "tpu.region"() ({
      %run_scoped3A = tpu.sem_alloc : memref<!tpu.dma_semaphore, #tpu.memory_space<semaphore_mem>>
      %dma_start3A_544 = tpu.memref_slice %arg3[%add3A_543] : memref<8192xf32, #tpu.memory_space<hbm>> -> memref<256xf32, #tpu.memory_space<hbm>>
      %dma_start3A_545 = tpu.memref_slice %arg3[%add3A_543] : memref<8192xf32, #tpu.memory_space<hbm>> -> memref<256xf32, #tpu.memory_space<hbm>>
      tpu.enqueue_dma source(%arg7 : memref<256xf32, #tpu.memory_space<vmem>>) target(%dma_start3A_545 : memref<256xf32, #tpu.memory_space<hbm>>) target_semaphore(%run_scoped3A : memref<!tpu.dma_semaphore, #tpu.memory_space<semaphore_mem>>)
      %dma_wait3A_546 = tpu.memref_slice %arg3[%add3A_543] : memref<8192xf32, #tpu.memory_space<hbm>> -> memref<256xf32, #tpu.memory_space<hbm>>
      %dma_wait3A_547 = tpu.memref_slice %arg3[%add3A_543] : memref<8192xf32, #tpu.memory_space<hbm>> -> memref<256xf32, #tpu.memory_space<hbm>>
      tpu.wait_dma2 semaphore(%run_scoped3A : memref<!tpu.dma_semaphore, #tpu.memory_space<semaphore_mem>>) src(%arg7 : memref<256xf32, #tpu.memory_space<vmem>>) dst(%dma_wait3A_547 : memref<256xf32, #tpu.memory_space<hbm>>)
      tpu.yield
    }) : () -> ()
    return
  }
}

</mosaic_0001>

<sc_bundles>
// kernel: kernel.3.cloned.1.call-start
scs
__scs_entry_jumppad:
0x0: {  	(pc) =	sbr.rel $0x88, $3  }
0x1: {  	(tag) =	ssettag $0x0;
	lr =	simm.s32 $0x1  }
0x2: {  	[smem:$0x3FA0] =	sst lr;
	_ =	strace $0xD0000000  }
0x3: {  	_ = 	snop  }
0x4: {  	_ = 	snop  }
0x5: {  	_ = 	snop  }
0x6: {  	_ = 	snop  }
0x7: {  	_ = 	snop  }
__scs_overlays_trampoline_lowered:
0x8: {  	[smem:$0x3FAF] =	sst s0  }
0x9: {  	[smem:$0x3FB0] =	sst s1  }
0xa: {  	[smem:$0x3FB1] =	sst s2  }
0xb: {  	[smem:$0x3FB2] =	sst s3  }
0xc: {  	[smem:$0x3FB3] =	sst s4  }
0xd: {  	[smem:$0x3FB4] =	sst s5  }
0xe: {  	[smem:$0x3FB5] =	sst s6  }
0xf: {  	[smem:$0x3FB6] =	sst s7  }
0x10: {  	[smem:$0x3FB7] =	sst s8  }
0x11: {  	[smem:$0x3FB8] =	sst s9;
	s0 =	simm.s32 @!p0 $0x0  }
0x12: {  	s1 =	sld [smem:$0x3F9E];
	s0 =	simm.s32 @p0 $0x1  }
0x13: {  	[smem:$0x3FB9] =	sst s0;
	s0 =	simm.s32 @!p1 $0x0  }
0x14: {  	s2 =	sld [smem:$0x3F9D];
	s0 =	simm.s32 @p1 $0x1  }
0x15: {  	[smem:$0x3FBA] =	sst s0;
	s0 =	simm.s32 @!p2 $0x0  }
0x16: {  	s3 =	sld [smem:$0x3FDB];
	s0 =	simm.s32 @p2 $0x1  }
0x17: {  	s4 =	simm.s32 $0x1BF5;
	[smem:$0x3FBC] =	sst s0  }
0x18: {  	s0 =	sld [smem:$0x3F9F];
	_ =	swait.ge [sflag:s4], $0x0  }
0x19: {  	s7 =	sld [smem:$0x3FA0]  }
0x1a: {  	s8 =	sadd.s32 $0xFFFFE003, lr  }
0x1b: {  	s9 =	sadd.s32 $0xFFFFFEF7, lr;
	s5 =	simm.s32 $0xFFFFFFFF;
	p2 =	slt.u32 s8, $0xFFFFF086  }
0x1c: {  	p1 =	slt.u32 s9, $0xF7A;
	s5 =	simm.s32 @!p2 $0x0  }
0x1d: {  	s5 =	simm.s32 @p1 $0x1;
	p0 =	seq.s32 s7, s2  }
0x1e: {  	s7 =	smul.u32 @!p0 $0xF7A, s2;
	p2 =	seq.s32 @!p0 s5, $0x0  }
0x1f: {  	s9 =	smul.u32 $0xF7A, s1;
	s8 =	simm.s32 @!p0 $0x1BF5;
	p2 =	por !p2, p0  }
0x20: {  	[sflag:s8] =	ssyncset.s32 @!p0 $0xFFFFF086;
	s6 =	sadd.s32 @!p0 s3, s7;
	s7 =	simm.s32 @!p0 $0x108  }
0x21: {  	s3 =	sadd.s32 s3, s9;
	s6 =	sadd.s32 @!p0 $0x88, s6;
	s7 =	simm.s32 @p2 $0x1082  }
0x22: {  	[simem:s7], [sflag:s8] =	dma.local @!p0 [hbm:s6], $0xF7A  }
0x23: {  	s9 =	sor.u32 $0xD0000000, s2;
	s6 =	simm.s32 $0x108;
	_ =	swait.ge @!p0 [sflag:s8], $0x0  }
0x24: {  	s3 =	sadd.s32 $0x88, s3;
	s6 =	simm.s32 @!p1 $0x1082;
	[sflag:s4] =	ssyncset.s32 $0xFFFFF086  }
0x25: {  	[simem:s6], [sflag:s4] =	dma.local [hbm:s3], $0xF7A  }
0x26: {  	[smem:$0x3FA0] =	sst s1;
	(tag) =	ssettag s2;
	_ =	strace s9  }
0x27: {  	s1 =	sld [smem:$0x3FB0]  }
0x28: {  	s2 =	sld [smem:$0x3FB1]  }
0x29: {  	s4 =	sld [smem:$0x3FB3]  }
0x2a: {  	p0 =	seq.s32 s5, $0x0;
	s5 =	sld [smem:$0x3FB4]  }
0x2b: {  	s6 =	sld [smem:$0x3FB5]  }
0x2c: {  	s7 =	sld [smem:$0x3FB6]  }
0x2d: {  	s3 =	simm.s32 $0x108;
	s8 =	sld [smem:$0x3FB7]  }
0x2e: {  	s3 =	simm.s32 @!p0 $0x1082;
	s9 =	sld [smem:$0x3FB8]  }
0x2f: {  	lr =	sadd.s32 s0, s3;
	s0 =	sld [smem:$0x3FAF]  }
0x30: {  	s3 =	sld [smem:$0x3FB2]  }
0x31: {  	[smem:$0x3FBB] =	sst s10  }
0x32: {  	s10 =	sld [smem:$0x3FB9];
	_ =	sdelay $0x3  }
0x33: {  	p0 =	seq.s32 s10, $0x1;
	s10 =	sld [smem:$0x3FBB];
	_ =	sdelay $0x3  }
0x34: {  	[smem:$0x3FBB] =	sst s10  }
0x35: {  	s10 =	sld [smem:$0x3FBA];
	_ =	sdelay $0x3  }
0x36: {  	p1 =	seq.s32 s10, $0x1;
	s10 =	sld [smem:$0x3FBB];
	_ =	sdelay $0x3  }
0x37: {  	[smem:$0x3FBB] =	sst s10  }
0x38: {  	s10 =	sld [smem:$0x3FBC]  }
0x39: {  	_ = 	snop;
	(pc) =	sbr.ind lr, $3  }
0x3a: {  	_ = 	snop  }
0x3b: {  	_ = 	snop  }
0x3c: {  	p2 =	seq.s32 s10, $0x1;
	s10 =	sld [smem:$0x3FBB]  }
0x3d: {  	_ =	shalt  }
0x3e: {  	_ =	shalt  }
0x3f: {  	_ =	shalt  }
0x40: {  	_ =	shalt  }
0x41: {  	_ =	shalt  }
0x42: {  	_ =	shalt  }
0x43: {  	_ =	shalt  }
0x44: {  	_ =	shalt  }
0x45: {  	_ =	shalt  }
0x46: {  	_ =	shalt  }
0x47: {  	_ =	shalt  }
0x48: {  	_ =	shalt  }
0x49: {  	_ =	shalt  }
0x4a: {  	_ =	shalt  }
0x4b: {  	_ =	shalt  }
0x4c: {  	_ =	shalt  }
0x4d: {  	_ =	shalt  }
0x4e: {  	_ =	shalt  }
0x4f: {  	_ =	shalt  }
0x50: {  	_ =	shalt  }
0x51: {  	_ =	shalt  }
0x52: {  	_ =	shalt  }
0x53: {  	_ =	shalt  }
0x54: {  	_ =	shalt  }
0x55: {  	_ =	shalt  }
0x56: {  	_ =	shalt  }
0x57: {  	_ =	shalt  }
0x58: {  	_ =	shalt  }
0x59: {  	_ =	shalt  }
0x5a: {  	_ =	shalt  }
0x5b: {  	_ =	shalt  }
0x5c: {  	_ =	shalt  }
0x5d: {  	_ =	shalt  }
0x5e: {  	_ =	shalt  }
0x5f: {  	_ =	shalt  }
0x60: {  	_ =	shalt  }
0x61: {  	_ =	shalt  }
0x62: {  	_ =	shalt  }
0x63: {  	_ =	shalt  }
0x64: {  	_ =	shalt  }
0x65: {  	_ =	shalt  }
0x66: {  	_ =	shalt  }
0x67: {  	_ =	shalt  }
0x68: {  	_ =	shalt  }
0x69: {  	_ =	shalt  }
0x6a: {  	_ =	shalt  }
0x6b: {  	_ =	shalt  }
0x6c: {  	_ =	shalt  }
0x6d: {  	_ =	shalt  }
0x6e: {  	_ =	shalt  }
0x6f: {  	_ =	shalt  }
0x70: {  	_ =	shalt  }
0x71: {  	_ =	shalt  }
0x72: {  	_ =	shalt  }
0x73: {  	_ =	shalt  }
0x74: {  	_ =	shalt  }
0x75: {  	_ =	shalt  }
0x76: {  	_ =	shalt  }
0x77: {  	_ =	shalt  }
0x78: {  	_ =	shalt  }
0x79: {  	_ =	shalt  }
0x7a: {  	_ =	shalt  }
0x7b: {  	_ =	shalt  }
0x7c: {  	_ =	shalt  }
0x7d: {  	_ =	shalt  }
0x7e: {  	_ =	shalt  }
0x7f: {  	_ =	shalt  }
0x80: {  	_ =	shalt  }
0x81: {  	_ =	shalt  }
0x82: {  	_ =	shalt  }
0x83: {  	_ =	shalt  }
0x84: {  	_ =	shalt  }
0x85: {  	_ =	shalt  }
0x86: {  	_ =	shalt  }
0x87: {  	_ =	shalt  }
.Lfunc_end0:
.L_simem_size_0:
called_computation_lowered:
.L_overlay_start_0:
0x88: {  	s2 =	sld [smem:$0x3FD9]  }
0x89: {  	s3 =	sld [smem:$0x3FFE];
	_ =	sdelay $0x1  }
0x8a: {  	s1 =	srdreg.scid  }
0x8b: {  	s0 =	sand.u32 $0x1, s1  }
0x8c: {  	s17 =	sshll.u32 s0, $0xA;
	s2 =	sadd.s32 s3, s2  }
0x8d: {  	s2 =	sadd.s32 s2, s17  }
0x8e: {  	[smem:$0x3FC7] =	sst s2  }
0x8f: {  	_ = 	snop  }
0x90: {  	s2 =	sld [smem:$0x3FD0];
	(tm) =	ssettm $0x1  }
0x91: {  	s18 =	sld [smem:$0x3FFB];
	_ =	sdelay $0x3  }
0x92: {  	_ =	strace s18  }
0x93: {  	s3 =	sld [smem:$0x3FFC];
	_ =	sdelay $0x3  }
0x94: {  	_ =	strace s3  }
0x95: {  	s3 =	sld [smem:$0x3FFD];
	_ =	sdelay $0x3  }
0x96: {  	_ =	strace s3  }
0x97: {  	_ =	strace $0x8FFFFFFF  }
0x98: {  	s19 =	sld [smem:$0x3FDB];
	_ =	sdelay $0x1  }
0x99: {  	s4 =	simm.s32 $_scs_section_size  }
0x9a: {  	s5 =	simm.s32 $_size__tile_overlayer_lowered;
	s6 =	simm.s32 $_tile_overlayer_lowered  }
0x9b: {  	s22 =	simm.s32 $0x1BFF;
	s21 =	sshll.u32 s6, $0x1;
	s3 =	sadd.s32 s4, s19  }
0x9c: {  	s7 =	simm.s32 $0x0;
	s20 =	sshll.u32 s5, $0x1;
	s5 =	sadd.s32 s21, s3  }
0x9d: {  	[timem:s7], [sflag:s22] =	dma.local [hbm:s5], s20  }
0x9e: {  	_ =	swait.ge [sflag:s22], s20  }
0x9f: {  	s4 =	ssub.s32 $0x0, s20;
	[sflag:s22] =	ssyncset.done $0x0  }
0xa0: {  	[sflag:s22] =	ssyncadd.s32 s4;
	_ =	sdelay $0x1  }
0xa1: {  	s23 =	simm.s32 $0x1B8B  }
0xa2: {  	_ =	swait.ge [sflag:s23], $0x1  }
0xa3: {  	[sflag:s23] =	ssyncset.done $0x0  }
0xa4: {  	s25 =	simm.s32 $0x1B8E;
	s24 =	sld [smem:$0x3FFE];
	[sflag:s23] =	ssyncadd.s32 $0xFFFFFFFF  }
0xa5: {  	s26 =	simm.s32 $execute0_lowered;
	[smem:$0x3FD2] =	sst s25  }
0xa6: {  	s5 =	sshll.u32 s26, $0x1;
	_ =	strace $0x80000046;
	[dreg:$0x1] =	wrdreg $0xFFFFFFFF  }
0xa7: {  	s28 =	simm.s32 $_size_execute0_lowered;
	s3 =	sadd.s32 s3, s5;
	[dreg:$0x0] =	wrdreg $0x0  }
0xa8: {  	s5 =	sshll.u32 s28, $0x1;
	[dreg:$0x2] =	wrdreg s3  }
0xa9: {  	[dreg:$0x3] =	wrdreg s5  }
0xaa: {  	[dreg:$0x4] =	wrdreg $0xC0  }
0xab: {  	_ =	task [dreg:s7], $0x5FFFF  }
0xac: {  	[dreg:$0x1] =	wrdreg $0xFFFFFFFF  }
0xad: {  	[dreg:$0x0] =	wrdreg $0x60  }
0xae: {  	[dreg:$0x2] =	wrdreg s24  }
0xaf: {  	[dreg:$0x3] =	wrdreg s2  }
0xb0: {  	[dreg:$0x4] =	wrdreg $0x23800  }
0xb1: {  	[dreg:$0x5] =	wrdreg $0x9  }
0xb2: {  	_ =	task.clear_ibuf [dreg:s7], $0x6FFFF;
	_ =	strace $0x90000046  }
0xb3: {  	s29 =	simm.s32 $0x9;
	_ =	strace $0x80000048  }
0xb4: {  	_ =	swait.ge [sflag:s29], $0x1  }
0xb5: {  	[sflag:s29] =	ssyncadd.s32 $0xFFFFFFFF  }
0xb6: {  	_ =	strace $0x90000048  }
0xb7: {  	_ =	sfence  }
0xb8: {  	s30 =	sld [smem:$0x0];
	_ =	sdelay $0x2  }
0xb9: {  	s31 =	sshll.u32 s1, $0xD;
	s1 =	sshrl.u32 s1, $0x2  }
0xba: {  	s3 =	sand.u32 $0x4000, s31;
	s1 =	sadd.s32 s1, s30  }
0xbb: {  	s0 =	sor.u32 s3, s0;
	s1 =	sshll.u32 s1, $0x11  }
0xbc: {  	s0 =	sor.u32 s1, s0  }
0xbd: {  	s0 =	sadd.s32 $0x8F2B, s0  }
0xbe: {  	[sflag:s0] =	ssyncadd.remote.s32 $0x1  }
0xbf: {  	_ =	sfence.sel $0xFFFF  }
0xc0: {  	[dreg:$0x0] =	wrdreg $0xFFFFFFFF;
	(pc) =	sbr.abs _section_cstart, $3  }
0xc1: {  	[dreg:$0x1] =	wrdreg $0xFFFFFFFF  }
0xc2: {  	_ =	task.clear_ibuf [dreg:s7], $0x2FFFF;
	_ =	strace $0x9FFFFFFF  }
0xc3: {  	(tm) =	ssettm $0x7FFFFFFF  }
tec
execute0_lowered:
.L_overlay_start_1:
0x0: {  	(tag) =	ssettag $0x1  }
0x1: {  	s4 =	rddreg [dreg:$0x0]  }
0x2: {  	s7 =	rddreg [dreg:$0x1]  }
0x3: {  	s1 =	rddreg [dreg:$0x2]  }
0x4: {  	s0 =	rddreg [dreg:$0x3];
	s3 =	simm.s32 $0x0;
	s5 =	srdreg.scid  }
0x5: {  	s2 =	stileid.u32;
	s11 =	simm.s32 $0x1;
	s12 =	simm.s32 $0x2200  }
0x6: {  	s13 =	simm.s32 $0x2280;
	s14 =	simm.s32 $0x2100;
	s15 =	simm.s32 $0x0  }
0x7: {  	[smem:$0x7FF] =	sst s3;
	s5 =	sand.u32 $0x1, s5;
	s8 =	sshll.u32 s2, $0x8  }
0x8: {  	s29 =	sadd.s32 $0x400, s4;
	s31 =	sshll.u32 s2, $0x4;
	s6 =	ssub.s32 $0x2, s5  }
0x9: {  	vm0 =	vcmask $0x704;
	vm1 =	vmmov $0x3;
	vm2 =	vmmov $0x7;
	s9 =	sshll.u32 s5, $0xC;
	_ =	strace $0x80000047;
	s5 =	sshll.u32 s5, $0xE  }
0xa: {  	vm3 =	vmmov $0xf;
	vm4 =	vmmov $0x1f;
	vm5 =	vmmov $0x3f;
	s10 =	sshrl.u32 s6, $0x1;
	s8 =	sor.u32 s8, s9;
	s5 =	sadd.s32 s29, s5  }
0xb: {  	vm6 =	vmmov $0x7f;
	vm7 =	vmmov $0xff;
	vm8 =	vmmov $0x1ff;
	s9 =	simm.s32 $0x2000;
	s10 =	ssub.s32 s6, s10;
	s30 =	sshll.u32 s8, $0x2  }
0xc: {  	vm9 =	vmmov $0x3ff;
	vm10 =	vmmov $0x7ff;
	vm11 =	vmmov $0xfff;
	s6 =	sadd.s32 s31, s1;
	s8 =	sshrl.u32 s8, $0x3;
	s4 =	sadd.s32 s29, s30  }
0xd: {  	vm12 =	vmmov $0x1fff;
	vm13 =	vmmov $0x3fff;
	vm14 =	vmmov $0x7fff;
	s7 =	sadd.s32 s7, s8;
	s8 =	smax.u32 s10, $0x1;
	s10 =	simm.s32 $0x2  }
.LBB2_1:
0xe: {  	[tilespmem:s3], [sflag:$0x1] =	stream.linear.gather [hbm4b:s4+s3], $0x2000, $0x38;
	[tilespmem:$0x2B90] =	vst v63  }
0xf: {  	_ = 	snop  }
0x10: {  	[tilespmem:s9], [sflag:$0x2] =	stream.linear.gather [hbm4b:s5+s3], $0x20, $0x38;
	[tilespmem:$0x2B90] =	vst v63  }
0x11: {  	_ =	swait.ge [sflag:s10], $0x20  }
0x12: {  	[sflag:s10] =	ssyncset.done $0x0  }
0x13: {  	[sflag:s10] =	ssyncadd.s32 $0xFFFFFFE0  }
0x14: {  	v0 =	vld [tilespmem:$0x2000]  }
0x15: {  	v1 =	vld [tilespmem:$0x2010];
	_ =	sdelay $0x3  }
0x16: {  	v0 =	vmax.f32 v0, $0.0e+00  }
0x17: {  	v2 =	vmax.f32 v1, $0.0e+00;
	[tilespmem:$0x2080] =	vst v0  }
0x18: {  	v1 =	vimm.f32 $0.0e+00;
	[tilespmem:$0x2090] =	vst v2  }
0x19: {  	[tilespmem:$0x23A0] =	vst v1  }
0x1a: {  	[tilespmem:$0x23C0] =	vst v1  }
0x1b: {  	[tilespmem:$0x2420] =	vst v1  }
0x1c: {  	[tilespmem:$0x2440] =	vst v1  }
0x1d: {  	[tilespmem:$0x24A0] =	vst v1  }
0x1e: {  	[tilespmem:$0x24C0] =	vst v1  }
0x1f: {  	[tilespmem:$0x2520] =	vst v1  }
0x20: {  	[tilespmem:$0x2540] =	vst v1  }
0x21: {  	[tilespmem:$0x25A0] =	vst v1  }
0x22: {  	[tilespmem:$0x25C0] =	vst v1  }
0x23: {  	[tilespmem:$0x2620] =	vst v1  }
0x24: {  	[tilespmem:$0x2640] =	vst v1  }
0x25: {  	[tilespmem:$0x26A0] =	vst v1  }
0x26: {  	[tilespmem:$0x26C0] =	vst v1  }
0x27: {  	[tilespmem:$0x2720] =	vst v1  }
0x28: {  	[tilespmem:$0x2740] =	vst v1  }
0x29: {  	[tilespmem:$0x27A0] =	vst v1  }
0x2a: {  	[tilespmem:$0x27C0] =	vst v1  }
0x2b: {  	[tilespmem:$0x2820] =	vst v1  }
0x2c: {  	[tilespmem:$0x2840] =	vst v1  }
0x2d: {  	[tilespmem:$0x28A0] =	vst v1  }
0x2e: {  	[tilespmem:$0x28C0] =	vst v1  }
0x2f: {  	[tilespmem:$0x2920] =	vst v1  }
0x30: {  	[tilespmem:$0x2940] =	vst v1  }
0x31: {  	[tilespmem:$0x29A0] =	vst v1  }
0x32: {  	[tilespmem:$0x29C0] =	vst v1  }
0x33: {  	[tilespmem:$0x2A20] =	vst v1  }
0x34: {  	[tilespmem:$0x2A40] =	vst v1  }
0x35: {  	[tilespmem:$0x2AA0] =	vst v1  }
0x36: {  	[tilespmem:$0x2AC0] =	vst v1  }
0x37: {  	[tilespmem:$0x2B20] =	vst v1  }
0x38: {  	[tilespmem:$0x2B40] =	vst v1  }
0x39: {  	_ =	swait.ge [sflag:s11], $0x2000  }
0x3a: {  	[sflag:s11] =	ssyncset.done $0x0  }
0x3b: {  	s16 =	simm.s32 $0x100;
	s17 =	simm.s32 $0x0;
	[sflag:s11] =	ssyncadd.s32 $0xFFFFE000  }
.LBB2_2:
0x3c: {  	v3 =	vld [tilespmem:s16+$0xFFFFFF00]  }
0x3d: {  	v4 =	vld [tilespmem:s16+$0xFFFFFF10]  }
0x3e: {  	v5 =	vld [tilespmem:s16+$0xFFFFFF20]  }
0x3f: {  	v6 =	vld [tilespmem:s16+$0xFFFFFF30]  }
0x40: {  	v11 =	vld [tilespmem:s16+$0xFFFFFF70]  }
0x41: {  	v14 =	vld [tilespmem:s16+$0xFFFFFF80]  }
0x42: {  	v17 =	vld [tilespmem:s16+$0xFFFFFF90]  }
0x43: {  	v19 =	vld [tilespmem:s16+$0xFFFFFFA0]  }
0x44: {  	v20 =	vld [tilespmem:s16+$0xFFFFFFB0]  }
0x45: {  	v22 =	vld [tilespmem:s16+$0xFFFFFFC0]  }
0x46: {  	v3 =	vmax.f32 v3, $0.0e+00;
	v4 =	vmax.f32 v4, $0.0e+00  }
0x47: {  	v24 =	vld [tilespmem:s16+$0xFFFFFFD0];
	v5 =	vmax.f32 v5, $0.0e+00;
	v6 =	vmax.f32 v6, $0.0e+00;
	v7 =	vsub.f32 v3, v0  }
0x48: {  	v11 =	vmax.f32 v11, $0.0e+00;
	v14 =	vmax.f32 v14, $0.0e+00;
	v17 =	vmax.f32 v17, $0.0e+00  }
0x49: {  	v56 =	vld [tilespmem:s16+$0xFFFFFF40];
	v19 =	vmax.f32 v19, $0.0e+00;
	v8 =	vsub.f32 v4, v2;
	v7 =	vmul.f32 $1.442695020e+00, v7  }
0x4a: {  	v57 =	vld [tilespmem:s16+$0xFFFFFF50];
	v29 =	vmax.f32 v20, $0.0e+00;
	v32 =	vmax.f32 v22, $0.0e+00;
	v9 =	vsub.f32 v5, v0  }
0x4b: {  	v25 =	vld [tilespmem:s16+$0xFFFFFFE0];
	v10 =	vsub.f32 v6, v2;
	v8 =	vmul.f32 $1.442695020e+00, v8;
	(erf) = vpow2.f32 v7  }
0x4c: {  	v58 =	vld [tilespmem:s16+$0xFFFFFF60];
	v33 =	vmax.f32 v24, $0.0e+00;
	v61 =	vsub.f32 v11, v2;
	v54 =	vmul.f32 $1.442695020e+00, v9  }
0x4d: {  	v21 =	vsub.f32 v14, v0;
	v55 =	vmul.f32 $1.442695020e+00, v10;
	(erf) = vpow2.f32 v8  }
0x4e: {  	v23 =	vsub.f32 v17, v2;
	v63 =	vsub.f32 v19, v0;
	(erf) = vpow2.f32 v54  }
0x4f: {  	v31 =	vsub.f32 v29, v2;
	v7 =	vmax.f32 v56, $0.0e+00;
	(erf) = vpow2.f32 v55  }
0x50: {  	v25 =	vmax.f32 v25, $0.0e+00;
	v22 =	vsub.f32 v32, v0;
	v13 =	vsub.f32 v7, v0  }
0x51: {  	v9 =	vmax.f32 v58, $0.0e+00;
	v62 =	vmul.f32 $1.442695020e+00, v21;
	v8 =	vmax.f32 v57, $0.0e+00  }
0x52: {  	v27 =	vmul.f32 $1.442695020e+00, v23;
	v16 =	vsub.f32 v8, v2;
	v13 =	vmul.f32 $1.442695020e+00, v13  }
0x53: {  	v30 =	vmul.f32 $1.442695020e+00, v63;
	v22 =	vmul.f32 $1.442695020e+00, v22;
	v60 =	vsub.f32 v9, v0  }
0x54: {  	v28 =	vld [tilespmem:s16+$0xFFFFFFF0];
	v24 =	vsub.f32 v33, v2;
	v16 =	vmul.f32 $1.442695020e+00, v16;
	v59 =	vpop (erf);
	(erf) = vpow2.f32 v13  }
0x55: {  	v26 =	vsub.f32 v25, v0;
	v13 =	vmul.f32 $1.442695020e+00, v60;
	v10 =	vmul.f32 v59, v3  }
0x56: {  	v12 =	vpop (erf);
	(erf) = vpow2.f32 v16;
	v16 =	vmul.f32 $1.442695020e+00, v61;
	v3 =	vmax.f32 v3, v4  }
0x57: {  	v58 =	vmax.f32 v32, v33;
	v12 =	vmul.f32 v12, v4;
	v15 =	vpop (erf);
	(erf) = vpow2.f32 v13;
	[tilespmem:$0x2390] =	vst v3  }
0x58: {  	[tilespmem:$0x2690] =	vst v58;
	v15 =	vmul.f32 v15, v5;
	v18 =	vpop (erf);
	(erf) = vpow2.f32 v16;
	v5 =	vmax.f32 v5, v6;
	v57 =	vld [tilespmem:$0x2398]  }
0x59: {  	v23 =	vmax.f32 v28, $0.0e+00;
	(erf) = vpow2.f32 v62;
	v10 =	vmax.f32 v10, v12;
	[tilespmem:$0x2410] =	vst v5  }
0x5a: {  	v34 =	vmul.f32 $1.442695020e+00, v24;
	v28 =	vmax.f32 v25, v23;
	v18 =	vmul.f32 v18, v6;
	[tilespmem:$0x23B0] =	vst v10;
	v63 =	vld [tilespmem:$0x2418]  }
0x5b: {  	[tilespmem:$0x2710] =	vst v28;
	v13 =	vmax.f32 v19, v29;
	v16 =	vmul.f32 $1.442695020e+00, v31;
	(erf) = vpow2.f32 v27;
	v60 =	vld [tilespmem:$0x23B8]  }
0x5c: {  	v36 =	vmul.f32 $1.442695020e+00, v26;
	[tilespmem:$0x2610] =	vst v13;
	(erf) = vpow2.f32 v30;
	v41 =	vmax.f32 v15, v18  }
0x5d: {  	v35 =	vsub.f32 v23, v2;
	(erf) = vpow2.f32 v16;
	[tilespmem:$0x2430] =	vst v41;
	v3 =	vmax.f32 v3, v57;
	v37 =	vpop (erf)  }
0x5e: {  	(erf) = vpow2.f32 v22;
	[tilespmem:$0x2390] =	vst v3;
	v39 =	vmul.f32 v37, v7;
	v7 =	vmax.f32 v7, v8  }
0x5f: {  	v38 =	vmul.f32 $1.442695020e+00, v35;
	(erf) = vpow2.f32 v34;
	v40 =	vpop (erf);
	v5 =	vmax.f32 v5, v63;
	[tilespmem:$0x2490] =	vst v7  }
0x60: {  	(erf) = vpow2.f32 v36;
	v36 =	vld [tilespmem:$0x2618];
	v12 =	vmul.f32 v40, v8;
	v42 =	vpop (erf);
	v10 =	vmax.f32 v10, v60;
	[tilespmem:$0x2410] =	vst v5  }
0x61: {  	(erf) = vpow2.f32 v38;
	v38 =	vld [tilespmem:$0x2698];
	v43 =	vpop (erf);
	v44 =	vmul.f32 v42, v9;
	v9 =	vmax.f32 v9, v11;
	[tilespmem:$0x23B0] =	vst v10  }
0x62: {  	v40 =	vld [tilespmem:$0x2718];
	v6 =	vmax.f32 v39, v12;
	v8 =	vmul.f32 v43, v11;
	v45 =	vpop (erf);
	[tilespmem:$0x2510] =	vst v9  }
0x63: {  	[tilespmem:$0x24B0] =	vst v6;
	v47 =	vmul.f32 v45, v14;
	v14 =	vmax.f32 v14, v17  }
0x64: {  	v30 =	vld [tilespmem:$0x2498];
	v8 =	vmax.f32 v44, v8;
	[tilespmem:$0x2590] =	vst v14  }
0x65: {  	v42 =	vld [tilespmem:$0x2394];
	v46 =	vpop (erf);
	v13 =	vmax.f32 v13, v36;
	[tilespmem:$0x2530] =	vst v8  }
0x66: {  	v43 =	vld [tilespmem:$0x23B4];
	v11 =	vmul.f32 v46, v17;
	[tilespmem:$0x2610] =	vst v13;
	v18 =	vmax.f32 v58, v38  }
0x67: {  	v20 =	vmax.f32 v28, v40;
	[tilespmem:$0x2690] =	vst v18  }
0x68: {  	v48 =	vpop (erf);
	v31 =	vld [tilespmem:$0x24B8];
	v11 =	vmax.f32 v47, v11;
	[tilespmem:$0x2710] =	vst v20  }
0x69: {  	v44 =	vld [tilespmem:$0x2414];
	v49 =	vpop (erf);
	v7 =	vmax.f32 v7, v30;
	[tilespmem:$0x25B0] =	vst v11  }
0x6a: {  	v50 =	vmul.f32 v48, v19;
	v51 =	vmul.f32 v49, v29;
	v3 =	vmax.f32 v3, v42;
	[tilespmem:$0x2490] =	vst v7  }
0x6b: {  	v34 =	vld [tilespmem:$0x2598];
	v52 =	vpop (erf);
	v10 =	vmax.f32 v10, v43;
	[tilespmem:$0x2390] =	vst v3  }
0x6c: {  	v29 =	vld [tilespmem:$0x2438];
	v53 =	vpop (erf);
	v12 =	vmax.f32 v50, v51;
	[tilespmem:$0x23B0] =	vst v10  }
0x6d: {  	v54 =	vmul.f32 v52, v32;
	v55 =	vmul.f32 v53, v33;
	[tilespmem:$0x2630] =	vst v12;
	v6 =	vmax.f32 v6, v31  }
0x6e: {  	v32 =	vld [tilespmem:$0x2518];
	v56 =	vpop (erf);
	v5 =	vmax.f32 v5, v44;
	[tilespmem:$0x24B0] =	vst v6  }
0x6f: {  	v52 =	vld [tilespmem:$0x2614];
	v59 =	vpop (erf);
	v15 =	vmax.f32 v54, v55;
	[tilespmem:$0x2410] =	vst v5  }
0x70: {  	v33 =	vld [tilespmem:$0x2538];
	v61 =	vmul.f32 v56, v25;
	v62 =	vmul.f32 v59, v23;
	v14 =	vmax.f32 v14, v34;
	[tilespmem:$0x26B0] =	vst v15  }
0x71: {  	v35 =	vld [tilespmem:$0x25B8];
	v4 =	vmax.f32 v41, v29;
	[tilespmem:$0x2590] =	vst v14  }
0x72: {  	v46 =	vld [tilespmem:$0x2494];
	v16 =	vmax.f32 v61, v62;
	[tilespmem:$0x2430] =	vst v4  }
0x73: {  	v56 =	vld [tilespmem:$0x2714];
	v9 =	vmax.f32 v9, v32;
	[tilespmem:$0x2730] =	vst v16  }
0x74: {  	v37 =	vld [tilespmem:$0x2638];
	v59 =	vmax.f32 v13, v52;
	[tilespmem:$0x2510] =	vst v9  }
0x75: {  	v54 =	vld [tilespmem:$0x2694];
	v8 =	vmax.f32 v8, v33;
	[tilespmem:$0x2610] =	vst v59  }
0x76: {  	v47 =	vld [tilespmem:$0x24B4];
	v11 =	vmax.f32 v11, v35;
	[tilespmem:$0x2530] =	vst v8  }
0x77: {  	v39 =	vld [tilespmem:$0x26B8];
	v23 =	vmax.f32 v7, v46;
	[tilespmem:$0x25B0] =	vst v11  }
0x78: {  	v50 =	vld [tilespmem:$0x2594];
	[tilespmem:$0x2490] =	vst v23;
	v20 =	vmax.f32 v20, v56  }
0x79: {  	v61 =	vld [tilespmem:$0x23B2];
	v12 =	vmax.f32 v12, v37;
	[tilespmem:$0x2710] =	vst v20  }
0x7a: {  	v62 =	vld [tilespmem:$0x2412];
	v27 =	vmax.f32 v18, v54;
	[tilespmem:$0x2630] =	vst v12  }
0x7b: {  	v45 =	vld [tilespmem:$0x2434];
	v6 =	vmax.f32 v6, v47;
	[tilespmem:$0x2690] =	vst v27  }
0x7c: {  	v60 =	vld [tilespmem:$0x2392];
	v15 =	vmax.f32 v15, v39;
	[tilespmem:$0x24B0] =	vst v6  }
0x7d: {  	v41 =	vld [tilespmem:$0x2738];
	v14 =	vmax.f32 v14, v50;
	[tilespmem:$0x26B0] =	vst v15  }
0x7e: {  	v48 =	vld [tilespmem:$0x2514];
	v7 =	vmax.f32 v10, v61;
	[tilespmem:$0x2590] =	vst v14  }
0x7f: {  	v49 =	vld [tilespmem:$0x2534];
	v5 =	vmax.f32 v5, v62;
	[tilespmem:$0x23B0] =	vst v7  }
0x80: {  	v51 =	vld [tilespmem:$0x25B4];
	v22 =	vmax.f32 v4, v45;
	[tilespmem:$0x2410] =	vst v5  }
0x81: {  	v30 =	vld [tilespmem:$0x2492];
	v4 =	vmax.f32 v3, v60;
	[tilespmem:$0x2430] =	vst v22  }
0x82: {  	v53 =	vld [tilespmem:$0x2634];
	v16 =	vmax.f32 v16, v41;
	[tilespmem:$0x2390] =	vst v4  }
0x83: {  	v31 =	vld [tilespmem:$0x24B2];
	v9 =	vmax.f32 v9, v48;
	[tilespmem:$0x2730] =	vst v16  }
0x84: {  	v55 =	vld [tilespmem:$0x26B4];
	v19 =	vmax.f32 v8, v49;
	[tilespmem:$0x2510] =	vst v9  }
0x85: {  	v33 =	vld [tilespmem:$0x2592];
	v57 =	vmax.f32 v11, v51;
	[tilespmem:$0x2530] =	vst v19  }
0x86: {  	v63 =	vld [tilespmem:$0x2432];
	v8 =	vmax.f32 v23, v30;
	[tilespmem:$0x25B0] =	vst v57  }
0x87: {  	v58 =	vld [tilespmem:$0x2734];
	[tilespmem:$0x2490] =	vst v8;
	v24 =	vmax.f32 v12, v53  }
0x88: {  	v3 =	vld [tilespmem:$0x2512];
	[tilespmem:$0x2630] =	vst v24;
	v12 =	vmax.f32 v6, v31  }
0x89: {  	v35 =	vld [tilespmem:$0x2612];
	v28 =	vmax.f32 v15, v55;
	[tilespmem:$0x24B0] =	vst v12  }
0x8a: {  	v38 =	vld [tilespmem:$0x2712];
	v13 =	vmax.f32 v14, v33;
	[tilespmem:$0x26B0] =	vst v28  }
0x8b: {  	v32 =	vld [tilespmem:$0x2532];
	v10 =	vmax.f32 v22, v63;
	[tilespmem:$0x2590] =	vst v13  }
0x8c: {  	v34 =	vld [tilespmem:$0x25B2];
	v29 =	vmax.f32 v16, v58;
	[tilespmem:$0x2430] =	vst v10  }
0x8d: {  	v36 =	vld [tilespmem:$0x2632];
	v11 =	vmax.f32 v9, v3;
	[tilespmem:$0x2730] =	vst v29  }
0x8e: {  	v3 =	vld [tilespmem:$0x2692];
	v16 =	vmax.f32 v59, v35;
	[tilespmem:$0x2510] =	vst v11  }
0x8f: {  	v37 =	vld [tilespmem:$0x26B2];
	v9 =	vmax.f32 v20, v38;
	[tilespmem:$0x2610] =	vst v16  }
0x90: {  	v15 =	vmax.f32 v19, v32;
	[tilespmem:$0x2710] =	vst v9;
	v39 =	vld [tilespmem:$0x2732]  }
0x91: {  	v17 =	vmax.f32 v57, v34;
	[tilespmem:$0x2530] =	vst v15  }
0x92: {  	[tilespmem:$0x25B0] =	vst v17;
	v18 =	vmax.f32 v24, v36  }
0x93: {  	[tilespmem:$0x2630] =	vst v18;
	v14 =	vmax.f32 v27, v3  }
0x94: {  	v6 =	vmax.f32 v28, v37;
	[tilespmem:$0x2690] =	vst v14  }
0x95: {  	v21 =	vld [tilespmem:$0x23B1];
	[tilespmem:$0x26B0] =	vst v6;
	v3 =	vmax.f32 v29, v39  }
0x96: {  	v25 =	vld [tilespmem:$0x2511];
	[tilespmem:$0x2730] =	vst v3  }
0x97: {  	v40 =	vld [tilespmem:s16+$0x0]  }
0x98: {  	v41 =	vld [tilespmem:s16+$0x10]  }
0x99: {  	v42 =	vld [tilespmem:s16+$0x20]  }
0x9a: {  	v43 =	vld [tilespmem:s16+$0x30]  }
0x9b: {  	v24 =	vld [tilespmem:$0x24B1]  }
0x9c: {  	v47 =	vld [tilespmem:s16+$0x40];
	v34 =	vmax.f32 v40, $0.0e+00  }
0x9d: {  	v48 =	vld [tilespmem:s16+$0x50];
	v35 =	vmax.f32 v41, $0.0e+00;
	v19 =	vsub.f32 v34, v0  }
0x9e: {  	v49 =	vld [tilespmem:s16+$0x60];
	v36 =	vmax.f32 v42, $0.0e+00;
	v20 =	vsub.f32 v35, v2  }
0x9f: {  	v30 =	vld [tilespmem:s16+$0x80];
	v37 =	vmax.f32 v43, $0.0e+00;
	v45 =	vsub.f32 v36, v0;
	v44 =	vmul.f32 $1.442695020e+00, v19  }
0xa0: {  	v31 =	vld [tilespmem:s16+$0x90];
	v46 =	vsub.f32 v37, v2;
	v20 =	vmul.f32 $1.442695020e+00, v20  }
0xa1: {  	v56 =	vld [tilespmem:s16+$0xB0];
	v22 =	vmul.f32 $1.442695020e+00, v45;
	(erf) = vpow2.f32 v44  }
0xa2: {  	v38 =	vmax.f32 v47, $0.0e+00;
	v43 =	vld [tilespmem:s16+$0xA0];
	v23 =	vmul.f32 $1.442695020e+00, v46;
	(erf) = vpow2.f32 v20  }
0xa3: {  	v29 =	vld [tilespmem:s16+$0x70];
	v39 =	vmax.f32 v48, $0.0e+00;
	v52 =	vsub.f32 v38, v0;
	(erf) = vpow2.f32 v22  }
0xa4: {  	v26 =	vld [tilespmem:$0x2531];
	v47 =	vmax.f32 v30, $0.0e+00;
	v54 =	vsub.f32 v39, v2;
	(erf) = vpow2.f32 v23  }
0xa5: {  	v57 =	vld [tilespmem:s16+$0xC0];
	v48 =	vmax.f32 v31, $0.0e+00;
	v30 =	vsub.f32 v47, v0;
	v33 =	vmul.f32 $1.442695020e+00, v52  }
0xa6: {  	v59 =	vld [tilespmem:s16+$0xD0];
	v28 =	vmul.f32 $1.442695020e+00, v54;
	v45 =	vmax.f32 v49, $0.0e+00;
	v52 =	vmax.f32 v56, $0.0e+00  }
0xa7: {  	v31 =	vld [tilespmem:$0x2631];
	v27 =	vsub.f32 v45, v0;
	v61 =	vsub.f32 v52, v2;
	v43 =	vmax.f32 v43, $0.0e+00  }
0xa8: {  	v19 =	vld [tilespmem:$0x2391];
	v46 =	vmax.f32 v29, $0.0e+00;
	v30 =	vmul.f32 $1.442695020e+00, v30;
	v49 =	vsub.f32 v43, v0  }
0xa9: {  	v29 =	vld [tilespmem:$0x2611];
	v55 =	vsub.f32 v46, v2;
	v27 =	vmul.f32 $1.442695020e+00, v27;
	v63 =	vmul.f32 $1.442695020e+00, v61  }
0xaa: {  	v20 =	vld [tilespmem:$0x2411];
	v60 =	vmul.f32 $1.442695020e+00, v49;
	(erf) = vpow2.f32 v33;
	v50 =	vpop (erf)  }
0xab: {  	v58 =	vsub.f32 v48, v2;
	v22 =	vld [tilespmem:$0x2431];
	(erf) = vpow2.f32 v28;
	v28 =	vmul.f32 $1.442695020e+00, v55;
	v51 =	vpop (erf)  }
0xac: {  	v49 =	vmax.f32 v57, $0.0e+00;
	(erf) = vpow2.f32 v27;
	v41 =	vmul.f32 v51, v35;
	v53 =	vpop (erf);
	v51 =	vld [tilespmem:s16+$0xF0]  }
0xad: {  	v62 =	vsub.f32 v49, v0;
	(erf) = vpow2.f32 v28;
	v40 =	vmul.f32 v50, v34;
	v50 =	vld [tilespmem:s16+$0xE0];
	v32 =	vpop (erf)  }
0xae: {  	v23 =	vld [tilespmem:$0x2491];
	v44 =	vmul.f32 v32, v37;
	v32 =	vmul.f32 $1.442695020e+00, v58  }
0xaf: {  	v33 =	vld [tilespmem:$0x2711];
	v55 =	vmul.f32 $1.442695020e+00, v62;
	(erf) = vpow2.f32 v30;
	v35 =	vmax.f32 v34, v35  }
0xb0: {  	v27 =	vld [tilespmem:$0x2591];
	v42 =	vmul.f32 v53, v36;
	v53 =	vmax.f32 v59, $0.0e+00;
	(erf) = vpow2.f32 v32  }
0xb1: {  	v28 =	vld [tilespmem:$0x25B1];
	v36 =	vmax.f32 v36, v37;
	v54 =	vsub.f32 v53, v2;
	v51 =	vmax.f32 v51, $0.0e+00  }
0xb2: {  	v30 =	vld [tilespmem:$0x26B1];
	v50 =	vmax.f32 v50, $0.0e+00;
	(erf) = vpow2.f32 v60;
	v57 =	vsub.f32 v51, v2  }
0xb3: {  	[tilespmem:$0x1FFF0] =	vst v1;
	v34 =	vld [tilespmem:$0x2731];
	v54 =	vmul.f32 $1.442695020e+00, v54;
	v56 =	vsub.f32 v50, v0;
	v60 =	vpop (erf);
	(erf) = vpow2.f32 v63  }
0xb4: {  	[tilespmem:$0x2790] =	vst v35;
	v40 =	vmax.f32 v40, v41;
	v32 =	vld [tilespmem:$0x2691];
	v37 =	vmul.f32 v60, v38;
	v61 =	vmul.f32 $1.442695020e+00, v57  }
0xb5: {  	[tilespmem:$0x2810] =	vst v36;
	v42 =	vmax.f32 v42, v44;
	v62 =	vpop (erf);
	(erf) = vpow2.f32 v55;
	v59 =	vmul.f32 $1.442695020e+00, v56;
	v55 =	vld [tilespmem:$0x2798]  }
0xb6: {  	[tilespmem:$0x27B0] =	vst v40;
	v38 =	vmax.f32 v38, v39;
	v41 =	vmul.f32 v62, v39;
	v63 =	vpop (erf);
	v39 =	vld [tilespmem:$0x2818];
	(erf) = vpow2.f32 v54  }
0xb7: {  	[tilespmem:$0x2890] =	vst v38;
	v54 =	vld [tilespmem:$0x27B8];
	v60 =	vpop (erf);
	v62 =	vmul.f32 v63, v45;
	v45 =	vmax.f32 v45, v46;
	(erf) = vpow2.f32 v59  }
0xb8: {  	[tilespmem:$0x2830] =	vst v42;
	v37 =	vmax.f32 v37, v41;
	v63 =	vmul.f32 v60, v46;
	v46 =	vld [tilespmem:$0x2898];
	(erf) = vpow2.f32 v61;
	v61 =	vpop (erf)  }
0xb9: {  	v56 =	vld [tilespmem:$0x2838];
	[tilespmem:$0x28B0] =	vst v37;
	v58 =	vpop (erf)  }
0xba: {  	[tilespmem:$0x2910] =	vst v45;
	v35 =	vmax.f32 v35, v55;
	v57 =	vmul.f32 v58, v48;
	v58 =	vld [tilespmem:$0x28B8]  }
0xbb: {  	v36 =	vmax.f32 v36, v39;
	v44 =	vmul.f32 v61, v47;
	v47 =	vmax.f32 v47, v48;
	[tilespmem:$0x2790] =	vst v35;
	v48 =	vld [tilespmem:$0x2918]  }
0xbc: {  	v40 =	vmax.f32 v40, v54;
	[tilespmem:$0x2810] =	vst v36;
	v39 =	vld [tilespmem:$0x2794]  }
0xbd: {  	v41 =	vmax.f32 v62, v63;
	v59 =	vpop (erf);
	[tilespmem:$0x27B0] =	vst v40;
	v38 =	vmax.f32 v38, v46;
	v46 =	vld [tilespmem:$0x2814]  }
0xbe: {  	[tilespmem:$0x2930] =	vst v41;
	v42 =	vmax.f32 v42, v56;
	v60 =	vpop (erf);
	v56 =	vld [tilespmem:$0x27B4]  }
0xbf: {  	[tilespmem:$0x2990] =	vst v47;
	v61 =	vpop (erf);
	v44 =	vmax.f32 v44, v57;
	v57 =	vmul.f32 v59, v43;
	v59 =	vmul.f32 v60, v52;
	v60 =	vld [tilespmem:$0x2938]  }
0xc0: {  	v43 =	vmax.f32 v43, v52;
	v52 =	vld [tilespmem:$0x2998];
	v62 =	vpop (erf);
	[tilespmem:$0x29B0] =	vst v44  }
0xc1: {  	[tilespmem:$0x2A10] =	vst v43;
	v57 =	vmax.f32 v57, v59;
	v59 =	vmul.f32 v61, v49;
	v61 =	vmul.f32 v62, v53;
	v62 =	vld [tilespmem:$0x29B8]  }
0xc2: {  	[tilespmem:$0x2830] =	vst v42;
	v1 =	vld [tilespmem:$0x2A18]  }
0xc3: {  	[tilespmem:$0x2890] =	vst v38;
	v37 =	vmax.f32 v37, v58;
	v58 =	vld [tilespmem:$0x2834]  }
0xc4: {  	v63 =	vpop (erf);
	v49 =	vmax.f32 v49, v53;
	[tilespmem:$0x2A30] =	vst v57;
	v45 =	vmax.f32 v45, v48;
	v48 =	vld [tilespmem:$0x2894]  }
0xc5: {  	v53 =	vpop (erf);
	[tilespmem:$0x2A90] =	vst v49;
	v59 =	vmax.f32 v59, v61;
	v61 =	vmul.f32 v63, v50;
	v63 =	vld [tilespmem:$0x2A38]  }
0xc6: {  	v53 =	vmul.f32 v53, v51;
	v50 =	vmax.f32 v50, v51;
	v51 =	vld [tilespmem:$0x2A98];
	[tilespmem:$0x28B0] =	vst v37  }
0xc7: {  	[tilespmem:$0x2910] =	vst v45;
	v41 =	vmax.f32 v41, v60;
	v60 =	vld [tilespmem:$0x28B4]  }
0xc8: {  	[tilespmem:$0x2AB0] =	vst v59;
	v47 =	vmax.f32 v47, v52;
	v52 =	vld [tilespmem:$0x2914]  }
0xc9: {  	v11 =	vmax.f32 v11, v25;
	v25 =	vmax.f32 v40, v56;
	[tilespmem:$0x2B10] =	vst v50;
	v53 =	vmax.f32 v61, v53;
	v61 =	vld [tilespmem:$0x2AB8]  }
0xca: {  	[tilespmem:$0x27B0] =	vst v25;
	v55 =	vld [tilespmem:$0x2B18]  }
0xcb: {  	v18 =	vmax.f32 v18, v31;
	[tilespmem:$0x2930] =	vst v41;
	v31 =	vld [tilespmem:$0x27B2]  }
0xcc: {  	[tilespmem:$0x2990] =	vst v47;
	v44 =	vmax.f32 v44, v62;
	v62 =	vld [tilespmem:$0x2934]  }
0xcd: {  	v13 =	vmax.f32 v13, v27;
	v27 =	vmax.f32 v36, v46;
	[tilespmem:$0x2B30] =	vst v53;
	v1 =	vmax.f32 v43, v1;
	v43 =	vld [tilespmem:$0x2994]  }
0xce: {  	[tilespmem:$0x2810] =	vst v27;
	v54 =	vld [tilespmem:$0x2B38]  }
0xcf: {  	v16 =	vmax.f32 v16, v29;
	[tilespmem:$0x29B0] =	vst v44;
	v29 =	vmax.f32 v42, v58;
	v58 =	vld [tilespmem:$0x2812]  }
0xd0: {  	[tilespmem:$0x2A10] =	vst v1;
	v57 =	vmax.f32 v57, v63;
	v63 =	vld [tilespmem:$0x29B4]  }
0xd1: {  	v14 =	vmax.f32 v14, v32;
	v32 =	vmax.f32 v38, v48;
	v49 =	vmax.f32 v49, v51;
	v51 =	vld [tilespmem:$0x2A14];
	[tilespmem:$0x2830] =	vst v29  }
0xd2: {  	v5 =	vmax.f32 v5, v20;
	v9 =	vmax.f32 v9, v33;
	[tilespmem:$0x2890] =	vst v32;
	v33 =	vld [tilespmem:$0x2832]  }
0xd3: {  	v5 =	vbroadcast v5, $0x0;
	v6 =	vmax.f32 v6, v30;
	[tilespmem:$0x2A30] =	vst v57;
	v30 =	vmax.f32 v37, v60;
	v60 =	vld [tilespmem:$0x2892]  }
0xd4: {  	v4 =	vmax.f32 v4, v19;
	[tilespmem:$0x2A90] =	vst v49;
	v59 =	vmax.f32 v59, v61;
	v61 =	vld [tilespmem:$0x2A34]  }
0xd5: {  	v7 =	vmax.f32 v7, v21;
	v4 =	vsel vm0, v5, v4;
	v5 =	vmax.f32 v45, v52;
	v21 =	vld [tilespmem:$0x2A94];
	[tilespmem:$0x28B0] =	vst v30  }
0xd6: {  	[tilespmem:$0x2910] =	vst v5;
	v37 =	vld [tilespmem:$0x28B2]  }
0xd7: {  	v12 =	vmax.f32 v12, v24;
	v19 =	vmax.f32 v50, v55;
	[tilespmem:$0x2AB0] =	vst v59;
	v36 =	vmax.f32 v41, v62;
	v62 =	vld [tilespmem:$0x2912]  }
0xd8: {  	v11 =	vbroadcast v11, $0x0;
	v12 =	vbroadcast v12, $0x0;
	v10 =	vmax.f32 v10, v22;
	[tilespmem:$0x2B10] =	vst v19;
	v22 =	vld [tilespmem:$0x2AB4]  }
0xd9: {  	v18 =	vbroadcast v18, $0x0;
	v8 =	vmax.f32 v8, v23;
	v38 =	vmax.f32 v47, v43;
	v55 =	vld [tilespmem:$0x2B14];
	[tilespmem:$0x2930] =	vst v36  }
0xda: {  	v10 =	vbroadcast v10, $0x0;
	v20 =	vmax.f32 v53, v54;
	v54 =	vmax.f32 v35, v39;
	[tilespmem:$0x2990] =	vst v38;
	v46 =	vld [tilespmem:$0x2932]  }
0xdb: {  	v15 =	vmax.f32 v15, v26;
	v16 =	vbroadcast v16, $0x0;
	v8 =	vbroadcast v8, $0x0;
	[tilespmem:$0x2790] =	vst v54;
	v47 =	vld [tilespmem:$0x2992]  }
0xdc: {  	v7 =	vsel vm0, v10, v7;
	v9 =	vbroadcast v9, $0x0;
	[tilespmem:$0x2B30] =	vst v20;
	v45 =	vmax.f32 v44, v63;
	v56 =	vld [tilespmem:$0x2792]  }
0xdd: {  	v4 =	vsel vm1, v4, v8;
	v13 =	vbroadcast v13, $0x0;
	v1 =	vmax.f32 v1, v51;
	v26 =	vld [tilespmem:$0x2B34];
	[tilespmem:$0x29B0] =	vst v45  }
0xde: {  	v7 =	vsel vm1, v7, v12;
	v4 =	vsel vm2, v4, v11;
	[tilespmem:$0x2A10] =	vst v1;
	v39 =	vmax.f32 v29, v33;
	v50 =	vld [tilespmem:$0x29B2]  }
0xdf: {  	v17 =	vmax.f32 v17, v28;
	v4 =	vsel vm3, v4, v13;
	v21 =	vmax.f32 v49, v21;
	v51 =	vld [tilespmem:$0x2A12];
	[tilespmem:$0x2830] =	vst v39  }
0xe0: {  	v17 =	vbroadcast v17, $0x0;
	v4 =	vsel vm4, v4, v16;
	[tilespmem:$0x2A90] =	vst v21;
	v49 =	vld [tilespmem:$0x2831];
	v52 =	vmax.f32 v19, v55  }
0xe1: {  	v3 =	vmax.f32 v3, v34;
	v48 =	vbroadcast v15, $0x0;
	v55 =	vld [tilespmem:$0x2A92];
	[tilespmem:$0x2B10] =	vst v52;
	v54 =	vmax.f32 v54, v56  }
0xe2: {  	v14 =	vbroadcast v14, $0x0;
	v15 =	vmax.f32 v57, v61;
	v56 =	vmax.f32 v27, v58;
	v57 =	vld [tilespmem:$0x2B12];
	[tilespmem:$0x2790] =	vst v54  }
0xe3: {  	v6 =	vbroadcast v6, $0x0;
	v7 =	vsel vm2, v7, v48;
	v58 =	vmax.f32 v32, v60;
	[tilespmem:$0x2810] =	vst v56;
	v60 =	vld [tilespmem:$0x2791]  }
0xe4: {  	v4 =	vsel vm5, v4, v14;
	v7 =	vsel vm3, v7, v17;
	v5 =	vmax.f32 v5, v62;
	[tilespmem:$0x2890] =	vst v58;
	v61 =	vld [tilespmem:$0x2811]  }
0xe5: {  	v4 =	vsel vm6, v4, v9;
	v7 =	vsel vm4, v7, v18;
	[tilespmem:$0x2910] =	vst v5;
	v62 =	vmax.f32 v38, v47;
	v63 =	vld [tilespmem:$0x2891]  }
0xe6: {  	v6 =	vsel vm5, v7, v6;
	v42 =	vmax.f32 v30, v37;
	v35 =	vld [tilespmem:$0x2911];
	[tilespmem:$0x2990] =	vst v62;
	v1 =	vmax.f32 v1, v51  }
0xe7: {  	v38 =	vmax.f32 v25, v31;
	v10 =	vmax.f32 v36, v46;
	v41 =	vld [tilespmem:$0x2991];
	[tilespmem:$0x2A10] =	vst v1;
	v17 =	vmax.f32 v21, v55  }
0xe8: {  	v32 =	vmax.f32 v59, v22;
	v43 =	vld [tilespmem:$0x2A11];
	[tilespmem:$0x2A90] =	vst v17;
	v12 =	vmax.f32 v52, v57;
	v16 =	vmax.f32 v54, v60  }
0xe9: {  	v34 =	vmax.f32 v20, v26;
	v44 =	vld [tilespmem:$0x2A91];
	[tilespmem:$0x2B10] =	vst v12;
	v14 =	vmax.f32 v56, v61;
	v16 =	vbroadcast v16, $0x0  }
0xea: {  	[tilespmem:$0x2A30] =	vst v15;
	v8 =	vmax.f32 v45, v50;
	v45 =	vld [tilespmem:$0x2B11];
	v9 =	vmax.f32 v58, v63;
	v14 =	vbroadcast v14, $0x0  }
0xeb: {  	v53 =	vld [tilespmem:$0x2A32];
	[tilespmem:$0x2B30] =	vst v34;
	v5 =	vmax.f32 v5, v35;
	v9 =	vbroadcast v9, $0x0;
	v4 =	vsel vm7, v4, v16  }
0xec: {  	[tilespmem:$0x2AB0] =	vst v32;
	v47 =	vld [tilespmem:$0x2B32];
	v5 =	vbroadcast v5, $0x0;
	v7 =	vmax.f32 v62, v41;
	v4 =	vsel vm8, v4, v14  }
0xed: {  	[tilespmem:$0x27B0] =	vst v38;
	v46 =	vld [tilespmem:$0x2AB2];
	v7 =	vbroadcast v7, $0x0;
	v1 =	vmax.f32 v1, v43;
	v4 =	vsel vm9, v4, v9  }
0xee: {  	[tilespmem:$0x2930] =	vst v10;
	v48 =	vld [tilespmem:$0x27B1];
	v1 =	vbroadcast v1, $0x0;
	v17 =	vmax.f32 v17, v44;
	v4 =	vsel vm10, v4, v5  }
0xef: {  	[tilespmem:$0x28B0] =	vst v42;
	v52 =	vld [tilespmem:$0x2931];
	v51 =	vbroadcast v17, $0x0;
	v12 =	vmax.f32 v12, v45;
	v4 =	vsel vm11, v4, v7  }
0xf0: {  	v50 =	vld [tilespmem:$0x28B1];
	[tilespmem:$0x29B0] =	vst v8;
	v13 =	vmax.f32 v15, v53;
	v53 =	vbroadcast v12, $0x0;
	v1 =	vsel vm12, v4, v1  }
0xf1: {  	v3 =	vbroadcast v3, $0x0;
	[tilespmem:$0x2A30] =	vst v13;
	v54 =	vld [tilespmem:$0x29B1];
	v55 =	vmax.f32 v34, v47;
	v1 =	vsel vm13, v1, v51  }
0xf2: {  	v11 =	vmax.f32 v32, v46;
	v56 =	vld [tilespmem:$0x2A31];
	[tilespmem:$0x2B30] =	vst v55;
	v1 =	vsel vm14, v1, v53  }
0xf3: {  	[tilespmem:$0x2AB0] =	vst v11;
	v14 =	vmax.f32 v38, v48;
	(erf) = vrcp.f32 v1;
	v1 =	vsel vm6, v6, v3;
	v3 =	vld [tilespmem:$0x2B31]  }
0xf4: {  	v57 =	vld [tilespmem:$0x2AB1];
	v59 =	vmax.f32 v10, v52;
	v9 =	vmax.f32 v39, v49;
	v14 =	vbroadcast v14, $0x0  }
0xf5: {  	v60 =	vbroadcast v59, $0x0;
	v5 =	vmax.f32 v42, v50;
	v58 =	vbroadcast v9, $0x0  }
0xf6: {  	v8 =	vmax.f32 v8, v54;
	v5 =	vbroadcast v5, $0x0;
	v1 =	vsel vm7, v1, v14  }
0xf7: {  	v61 =	vmax.f32 v13, v56;
	v62 =	vbroadcast v8, $0x0;
	v1 =	vsel vm8, v1, v58  }
0xf8: {  	v63 =	vbroadcast v61, $0x0;
	v1 =	vsel vm9, v1, v5;
	v3 =	vmax.f32 v55, v3  }
0xf9: {  	v4 =	vmax.f32 v11, v57;
	v1 =	vsel vm10, v1, v60;
	v3 =	vbroadcast v3, $0x0  }
0xfa: {  	v4 =	vbroadcast v4, $0x0;
	v1 =	vsel vm11, v1, v62  }
0xfb: {  	v1 =	vsel vm12, v1, v63  }
0xfc: {  	v1 =	vsel vm13, v1, v4  }
0xfd: {  	v1 =	vsel vm14, v1, v3;
	v3 =	vpop (erf)  }
0xfe: {  	v1 =	vmul.f32 v3, v1  }
0xff: {  	s18 =	sshra.s32 s17, $0x2  }
0x100: {  	p0 =	sne.s32 s17, $0x3C0;
	v3 =	vmul.f32 v1, v1;
	[tilespmem:s18+$0x2100] =	vst v1;
	v1 =	vld [tilespmem:$0x1FFF0]  }
.Ltmp0:
0x101: {  	_ = 	snop;
	(pc) =	sbr.rel @p0 .LBB2_2-.Ltmp0, $2  }
0x102: {  	_ =	sdelay $0x2  }
0x103: {  	s17 =	sadd.s32 $0x40, s17;
	s16 =	sadd.s32 $0x200, s16;
	v1 =	vadd.f32 v3, v1  }
0x104: {  	_ = 	snop  }
0x105: {  	[tilespmem:$0x2200] =	vst v1  }
0x106: {  	[spmem:s6] =	stream.linear.scatter [tilespmem:s12], [sflag:$0x2], $0x10, $0x38;
	[tilespmem:$0x2B90] =	vst v63  }
0x107: {  	_ =	swait.ge [sflag:s10], $0x10  }
0x108: {  	[sflag:s10] =	ssyncset.done $0x0  }
0x109: {  	[sflag:s10] =	ssyncadd.s32 $0xFFFFFFF0  }
0x10a: {  	[bflag:$0x0] =	sbarrier.arrive $0xFFFF  }
0x10b: {  	[tilespmem:s13], [sflag:$0x2] =	stream.linear.gather [spmem:s1], $0x100, $0x38;
	[tilespmem:$0x2B90] =	vst v63  }
0x10c: {  	_ =	swait.ge [sflag:s10], $0x100  }
0x10d: {  	[sflag:s10] =	ssyncset.done $0x0  }
0x10e: {  	[sflag:s10] =	ssyncadd.s32 $0xFFFFFF00  }
0x10f: {  	v0 =	vld [tilespmem:$0x2280]  }
0x110: {  	v57 =	vld [tilespmem:$0x2290];
	_ =	sdelay $0x1  }
0x111: {  	v2 =	vld [tilespmem:$0x22A0];
	_ =	sdelay $0x1  }
0x112: {  	v3 =	vld [tilespmem:$0x22B0]  }
0x113: {  	v0 =	vadd.f32 v57, v0  }
0x114: {  	v58 =	vld [tilespmem:$0x22C0]  }
0x115: {  	v0 =	vadd.f32 v2, v0  }
0x116: {  	v59 =	vld [tilespmem:$0x22D0]  }
0x117: {  	v0 =	vadd.f32 v3, v0  }
0x118: {  	v60 =	vld [tilespmem:$0x22E0]  }
0x119: {  	v0 =	vadd.f32 v58, v0  }
0x11a: {  	v61 =	vld [tilespmem:$0x22F0]  }
0x11b: {  	v0 =	vadd.f32 v59, v0  }
0x11c: {  	v62 =	vld [tilespmem:$0x2300]  }
0x11d: {  	v0 =	vadd.f32 v60, v0  }
0x11e: {  	v63 =	vld [tilespmem:$0x2310]  }
0x11f: {  	v0 =	vadd.f32 v61, v0  }
0x120: {  	v6 =	vld [tilespmem:$0x2320]  }
0x121: {  	v0 =	vadd.f32 v62, v0  }
0x122: {  	v7 =	vld [tilespmem:$0x2330]  }
0x123: {  	v0 =	vadd.f32 v63, v0  }
0x124: {  	v8 =	vld [tilespmem:$0x2340]  }
0x125: {  	v0 =	vadd.f32 v6, v0  }
0x126: {  	v9 =	vld [tilespmem:$0x2350]  }
0x127: {  	v0 =	vadd.f32 v7, v0  }
0x128: {  	v10 =	vld [tilespmem:$0x2360]  }
0x129: {  	v0 =	vadd.f32 v8, v0  }
0x12a: {  	v11 =	vld [tilespmem:$0x2370]  }
0x12b: {  	v0 =	vadd.f32 v9, v0;
	_ =	sdelay $0x1  }
0x12c: {  	v0 =	vadd.f32 v10, v0;
	_ =	sdelay $0x1  }
0x12d: {  	v0 =	vadd.f32 v11, v0;
	_ =	sdelay $0x1  }
0x12e: {  	(v2sf) =	vpush v0, $0x0  }
0x12f: {  	(v2sf) =	vpush v0, $0x1;
	_ =	sdelay $0x1  }
0x130: {  	(v2sf) =	vpush v0, $0x2;
	_ =	sdelay $0x1  }
0x131: {  	(v2sf) =	vpush v0, $0x3;
	_ =	sdelay $0x1  }
0x132: {  	(v2sf) =	vpush v0, $0x4;
	_ =	sdelay $0x1  }
0x133: {  	(v2sf) =	vpush v0, $0x5;
	_ =	sdelay $0x1  }
0x134: {  	(v2sf) =	vpush v0, $0x6;
	_ =	sdelay $0x1  }
0x135: {  	(v2sf) =	vpush v0, $0x7;
	_ =	sdelay $0x1  }
0x136: {  	s16 =	spop (v2sf);
	(v2sf) =	vpush v0, $0x8  }
0x137: {  	s17 =	spop (v2sf)  }
0x138: {  	(v2sf) =	vpush v0, $0x9;
	s16 =	sadd.f32 s17, s16  }
0x139: {  	s31 =	spop (v2sf)  }
0x13a: {  	(v2sf) =	vpush v0, $0xA;
	s16 =	sadd.f32 s16, s31  }
0x13b: {  	s18 =	spop (v2sf)  }
0x13c: {  	(v2sf) =	vpush v0, $0xB;
	s16 =	sadd.f32 s16, s18  }
0x13d: {  	s19 =	spop (v2sf)  }
0x13e: {  	(v2sf) =	vpush v0, $0xC;
	s16 =	sadd.f32 s16, s19  }
0x13f: {  	s20 =	spop (v2sf)  }
0x140: {  	(v2sf) =	vpush v0, $0xD;
	s16 =	sadd.f32 s16, s20  }
0x141: {  	s21 =	spop (v2sf)  }
0x142: {  	(v2sf) =	vpush v0, $0xE;
	s16 =	sadd.f32 s16, s21  }
0x143: {  	s22 =	spop (v2sf)  }
0x144: {  	(v2sf) =	vpush v0, $0xF;
	s16 =	sadd.f32 s16, s22  }
0x145: {  	s23 =	spop (v2sf)  }
0x146: {  	s16 =	sadd.f32 s16, s23  }
0x147: {  	s24 =	spop (v2sf)  }
0x148: {  	s16 =	sadd.f32 s16, s24  }
0x149: {  	s25 =	spop (v2sf)  }
0x14a: {  	s16 =	sadd.f32 s16, s25  }
0x14b: {  	s26 =	spop (v2sf)  }
0x14c: {  	s16 =	sadd.f32 s16, s26  }
0x14d: {  	s28 =	spop (v2sf)  }
0x14e: {  	s16 =	sadd.f32 s16, s28  }
0x14f: {  	s29 =	spop (v2sf)  }
0x150: {  	s16 =	sadd.f32 s16, s29  }
0x151: {  	s30 =	spop (v2sf)  }
0x152: {  	s16 =	sadd.f32 s16, s30  }
0x153: {  	s31 =	spop (v2sf)  }
0x154: {  	s16 =	sadd.f32 s16, s31;
	_ =	sdelay $0x1  }
0x155: {  	v12 =	vmov s16  }
0x156: {  	v0 =	vadd.f32 $1.000000000e+00, v12;
	_ =	sdelay $0x1  }
0x157: {  	v0 =	vmul.f32 $5.000000000e-01, v0;
	_ =	sdelay $0x1  }
0x158: {  	(erf) = vrcp.f32 v0;
	_ =	sdelay $0x8  }
0x159: {  	v13 =	vpop (erf)  }
0x15a: {  	v1 =	vmul.f32 s16, v13;
	_ =	sdelay $0x1  }
0x15b: {  	v0 =	vadd.f32 v1, v0;
	_ =	sdelay $0x1  }
0x15c: {  	v0 =	vmul.f32 $5.000000000e-01, v0;
	_ =	sdelay $0x1  }
0x15d: {  	(erf) = vrcp.f32 v0;
	_ =	sdelay $0x8  }
0x15e: {  	v14 =	vpop (erf)  }
0x15f: {  	v1 =	vmul.f32 s16, v14;
	_ =	sdelay $0x1  }
0x160: {  	v0 =	vadd.f32 v1, v0;
	_ =	sdelay $0x1  }
0x161: {  	v0 =	vmul.f32 $5.000000000e-01, v0;
	_ =	sdelay $0x1  }
0x162: {  	(erf) = vrcp.f32 v0;
	_ =	sdelay $0x8  }
0x163: {  	v15 =	vpop (erf)  }
0x164: {  	v1 =	vmul.f32 s16, v15;
	_ =	sdelay $0x1  }
0x165: {  	v0 =	vadd.f32 v1, v0;
	_ =	sdelay $0x1  }
0x166: {  	v0 =	vmul.f32 $5.000000000e-01, v0;
	_ =	sdelay $0x1  }
0x167: {  	(erf) = vrcp.f32 v0;
	_ =	sdelay $0x8  }
0x168: {  	v16 =	vpop (erf)  }
0x169: {  	v1 =	vmul.f32 s16, v16;
	_ =	sdelay $0x1  }
0x16a: {  	v0 =	vadd.f32 v1, v0;
	_ =	sdelay $0x1  }
0x16b: {  	v0 =	vmul.f32 $5.000000000e-01, v0;
	_ =	sdelay $0x1  }
0x16c: {  	(erf) = vrcp.f32 v0;
	_ =	sdelay $0x8  }
0x16d: {  	v17 =	vpop (erf)  }
0x16e: {  	v1 =	vmul.f32 s16, v17;
	_ =	sdelay $0x1  }
0x16f: {  	v0 =	vadd.f32 v1, v0;
	_ =	sdelay $0x1  }
0x170: {  	v0 =	vmul.f32 $5.000000000e-01, v0;
	_ =	sdelay $0x1  }
0x171: {  	(erf) = vrcp.f32 v0;
	_ =	sdelay $0x8  }
0x172: {  	v18 =	vpop (erf)  }
0x173: {  	v1 =	vmul.f32 s16, v18;
	_ =	sdelay $0x1  }
0x174: {  	v0 =	vadd.f32 v1, v0;
	_ =	sdelay $0x1  }
0x175: {  	v0 =	vmul.f32 $5.000000000e-01, v0;
	_ =	sdelay $0x1  }
0x176: {  	(erf) = vrcp.f32 v0;
	_ =	sdelay $0x8  }
0x177: {  	v19 =	vpop (erf)  }
0x178: {  	v1 =	vmul.f32 s16, v19;
	_ =	sdelay $0x1  }
0x179: {  	v0 =	vadd.f32 v1, v0;
	_ =	sdelay $0x1  }
0x17a: {  	v0 =	vmul.f32 $5.000000000e-01, v0;
	_ =	sdelay $0x1  }
0x17b: {  	(erf) = vrcp.f32 v0;
	_ =	sdelay $0x8  }
0x17c: {  	v20 =	vpop (erf)  }
0x17d: {  	v1 =	vmul.f32 s16, v20;
	_ =	sdelay $0x1  }
0x17e: {  	v0 =	vadd.f32 v1, v0;
	_ =	sdelay $0x1  }
0x17f: {  	v0 =	vmul.f32 $5.000000000e-01, v0;
	_ =	sdelay $0x1  }
0x180: {  	(erf) = vrcp.f32 v0;
	_ =	sdelay $0x8  }
0x181: {  	v21 =	vpop (erf)  }
0x182: {  	v1 =	vmul.f32 s16, v21;
	_ =	sdelay $0x1  }
0x183: {  	v0 =	vadd.f32 v1, v0;
	_ =	sdelay $0x1  }
0x184: {  	v0 =	vmul.f32 $5.000000000e-01, v0;
	_ =	sdelay $0x1  }
0x185: {  	(erf) = vrcp.f32 v0;
	_ =	sdelay $0x8  }
0x186: {  	v22 =	vpop (erf)  }
0x187: {  	v1 =	vmul.f32 s16, v22;
	_ =	sdelay $0x1  }
0x188: {  	v0 =	vadd.f32 v1, v0;
	_ =	sdelay $0x1  }
0x189: {  	v0 =	vmul.f32 $5.000000000e-01, v0;
	_ =	sdelay $0x1  }
0x18a: {  	(erf) = vrcp.f32 v0;
	_ =	sdelay $0x8  }
0x18b: {  	v23 =	vpop (erf)  }
0x18c: {  	v1 =	vmul.f32 s16, v23;
	_ =	sdelay $0x1  }
0x18d: {  	v0 =	vadd.f32 v1, v0;
	_ =	sdelay $0x1  }
0x18e: {  	v0 =	vmul.f32 $5.000000000e-01, v0;
	_ =	sdelay $0x1  }
0x18f: {  	(erf) = vrcp.f32 v0;
	_ =	sdelay $0x8  }
0x190: {  	v24 =	vpop (erf)  }
0x191: {  	v1 =	vmul.f32 s16, v24;
	_ =	sdelay $0x1  }
0x192: {  	v0 =	vadd.f32 v1, v0;
	_ =	sdelay $0x1  }
0x193: {  	v0 =	vmul.f32 $5.000000000e-01, v0;
	_ =	sdelay $0x1  }
0x194: {  	(erf) = vrcp.f32 v0;
	_ =	sdelay $0x8  }
0x195: {  	v25 =	vpop (erf)  }
0x196: {  	v1 =	vmul.f32 s16, v25;
	_ =	sdelay $0x1  }
0x197: {  	v0 =	vadd.f32 v1, v0;
	_ =	sdelay $0x1  }
0x198: {  	v0 =	vmul.f32 $5.000000000e-01, v0;
	_ =	sdelay $0x1  }
0x199: {  	(erf) = vrcp.f32 v0;
	_ =	sdelay $0x8  }
0x19a: {  	v26 =	vpop (erf)  }
0x19b: {  	v1 =	vmul.f32 s16, v26;
	_ =	sdelay $0x1  }
0x19c: {  	v0 =	vadd.f32 v1, v0;
	_ =	sdelay $0x1  }
0x19d: {  	v0 =	vmul.f32 $5.000000000e-01, v0;
	_ =	sdelay $0x1  }
0x19e: {  	(erf) = vrcp.f32 v0;
	_ =	sdelay $0x8  }
0x19f: {  	v27 =	vpop (erf)  }
0x1a0: {  	v1 =	vmul.f32 s16, v27;
	_ =	sdelay $0x1  }
0x1a1: {  	v0 =	vadd.f32 v1, v0;
	_ =	sdelay $0x1  }
0x1a2: {  	v0 =	vmul.f32 $5.000000000e-01, v0;
	_ =	sdelay $0x1  }
0x1a3: {  	(erf) = vrcp.f32 v0;
	_ =	sdelay $0x8  }
0x1a4: {  	v28 =	vpop (erf)  }
0x1a5: {  	v1 =	vmul.f32 s16, v28;
	_ =	sdelay $0x1  }
0x1a6: {  	v0 =	vadd.f32 v1, v0;
	_ =	sdelay $0x1  }
0x1a7: {  	v0 =	vmul.f32 $5.000000000e-01, v0;
	_ =	sdelay $0x1  }
0x1a8: {  	(erf) = vrcp.f32 v0;
	_ =	sdelay $0x8  }
0x1a9: {  	v29 =	vpop (erf)  }
0x1aa: {  	v1 =	vmul.f32 s16, v29;
	_ =	sdelay $0x1  }
0x1ab: {  	v0 =	vadd.f32 v1, v0;
	_ =	sdelay $0x1  }
0x1ac: {  	v0 =	vmul.f32 $5.000000000e-01, v0;
	_ =	sdelay $0x1  }
0x1ad: {  	(erf) = vrcp.f32 v0;
	_ =	sdelay $0x8  }
0x1ae: {  	v30 =	vpop (erf)  }
0x1af: {  	v1 =	vmul.f32 s16, v30;
	_ =	sdelay $0x1  }
0x1b0: {  	v0 =	vadd.f32 v1, v0;
	_ =	sdelay $0x1  }
0x1b1: {  	v0 =	vmul.f32 $5.000000000e-01, v0;
	_ =	sdelay $0x1  }
0x1b2: {  	(erf) = vrcp.f32 v0;
	_ =	sdelay $0x8  }
0x1b3: {  	v31 =	vpop (erf)  }
0x1b4: {  	v1 =	vmul.f32 s16, v31;
	_ =	sdelay $0x1  }
0x1b5: {  	v0 =	vadd.f32 v1, v0;
	_ =	sdelay $0x1  }
0x1b6: {  	v0 =	vmul.f32 $5.000000000e-01, v0;
	_ =	sdelay $0x1  }
0x1b7: {  	(erf) = vrcp.f32 v0;
	_ =	sdelay $0x8  }
0x1b8: {  	v32 =	vpop (erf)  }
0x1b9: {  	v1 =	vmul.f32 s16, v32;
	_ =	sdelay $0x1  }
0x1ba: {  	v0 =	vadd.f32 v1, v0;
	_ =	sdelay $0x1  }
0x1bb: {  	v0 =	vmul.f32 $5.000000000e-01, v0;
	_ =	sdelay $0x1  }
0x1bc: {  	(erf) = vrcp.f32 v0;
	_ =	sdelay $0x8  }
0x1bd: {  	v33 =	vpop (erf)  }
0x1be: {  	v1 =	vmul.f32 s16, v33;
	_ =	sdelay $0x1  }
0x1bf: {  	v0 =	vadd.f32 v1, v0;
	_ =	sdelay $0x1  }
0x1c0: {  	v0 =	vmul.f32 $5.000000000e-01, v0;
	_ =	sdelay $0x1  }
0x1c1: {  	(erf) = vrcp.f32 v0;
	_ =	sdelay $0x8  }
0x1c2: {  	v34 =	vpop (erf)  }
0x1c3: {  	v1 =	vmul.f32 s16, v34;
	_ =	sdelay $0x1  }
0x1c4: {  	v0 =	vadd.f32 v1, v0;
	_ =	sdelay $0x1  }
0x1c5: {  	v0 =	vmul.f32 $5.000000000e-01, v0;
	_ =	sdelay $0x1  }
0x1c6: {  	(erf) = vrcp.f32 v0;
	_ =	sdelay $0x8  }
0x1c7: {  	v35 =	vpop (erf)  }
0x1c8: {  	v1 =	vmul.f32 s16, v35;
	_ =	sdelay $0x1  }
0x1c9: {  	v0 =	vadd.f32 v1, v0;
	_ =	sdelay $0x1  }
0x1ca: {  	v0 =	vmul.f32 $5.000000000e-01, v0;
	_ =	sdelay $0x1  }
0x1cb: {  	(erf) = vrcp.f32 v0;
	_ =	sdelay $0x8  }
0x1cc: {  	v36 =	vpop (erf)  }
0x1cd: {  	v1 =	vmul.f32 s16, v36;
	_ =	sdelay $0x1  }
0x1ce: {  	v0 =	vadd.f32 v1, v0;
	_ =	sdelay $0x1  }
0x1cf: {  	v0 =	vmul.f32 $5.000000000e-01, v0;
	_ =	sdelay $0x1  }
0x1d0: {  	(erf) = vrcp.f32 v0;
	_ =	sdelay $0x4  }
0x1d1: {  	v37 =	vld [tilespmem:$0x2100]  }
0x1d2: {  	v38 =	vld [tilespmem:$0x2110]  }
0x1d3: {  	v39 =	vld [tilespmem:$0x2120]  }
0x1d4: {  	v40 =	vld [tilespmem:$0x2130]  }
0x1d5: {  	v5 =	vld [tilespmem:$0x2140];
	v4 =	vpop (erf)  }
0x1d6: {  	v6 =	vld [tilespmem:$0x2150];
	v0 =	vmul.f32 v4, v37  }
0x1d7: {  	v7 =	vld [tilespmem:$0x2160];
	v1 =	vmul.f32 v4, v38  }
0x1d8: {  	v42 =	vld [tilespmem:$0x2170];
	v41 =	vmul.f32 v4, v39;
	[tilespmem:$0x2100] =	vst v0  }
0x1d9: {  	v44 =	vld [tilespmem:$0x2180];
	v43 =	vmul.f32 v4, v40;
	[tilespmem:$0x2110] =	vst v1  }
0x1da: {  	v46 =	vld [tilespmem:$0x2190];
	v45 =	vmul.f32 v4, v5;
	[tilespmem:$0x2120] =	vst v41  }
0x1db: {  	v48 =	vld [tilespmem:$0x21A0];
	v47 =	vmul.f32 v4, v6;
	[tilespmem:$0x2130] =	vst v43  }
0x1dc: {  	v50 =	vld [tilespmem:$0x21B0];
	v49 =	vmul.f32 v4, v7;
	[tilespmem:$0x2140] =	vst v45  }
0x1dd: {  	v52 =	vld [tilespmem:$0x21C0];
	v51 =	vmul.f32 v4, v42;
	[tilespmem:$0x2150] =	vst v47  }
0x1de: {  	v54 =	vld [tilespmem:$0x21D0];
	v53 =	vmul.f32 v4, v44;
	[tilespmem:$0x2160] =	vst v49  }
0x1df: {  	v56 =	vld [tilespmem:$0x21E0];
	v55 =	vmul.f32 v4, v46;
	[tilespmem:$0x2170] =	vst v51  }
0x1e0: {  	v58 =	vld [tilespmem:$0x21F0];
	v57 =	vmul.f32 v4, v48;
	[tilespmem:$0x2180] =	vst v53  }
0x1e1: {  	v59 =	vmul.f32 v4, v50;
	[tilespmem:$0x2190] =	vst v55  }
0x1e2: {  	v60 =	vmul.f32 v4, v52;
	[tilespmem:$0x21A0] =	vst v57  }
0x1e3: {  	v61 =	vmul.f32 v4, v54;
	[tilespmem:$0x21B0] =	vst v59  }
0x1e4: {  	v62 =	vmul.f32 v4, v56;
	[tilespmem:$0x21C0] =	vst v60  }
0x1e5: {  	s15 =	sadd.s32 $0x1, s15;
	v63 =	vmul.f32 v4, v58;
	[tilespmem:$0x21D0] =	vst v61  }
0x1e6: {  	p0 =	sne.s32 s15, s8;
	[tilespmem:$0x21E0] =	vst v62  }
.Ltmp1:
0x1e7: {  	[tilespmem:$0x21F0] =	vst v63;
	(pc) =	sbr.rel @p0 .LBB2_1-.Ltmp1, $4  }
0x1e8: {  	[hbm4b:s7+s3] =	stream.linear.scatter [tilespmem:s14], [sflag:$0x2], $0x100, $0x38;
	[tilespmem:$0x2B90] =	vst v63  }
0x1e9: {  	_ =	swait.ge [sflag:s10], $0x100  }
0x1ea: {  	[sflag:s10] =	ssyncset.done $0x0  }
0x1eb: {  	[sflag:s10] =	ssyncadd.s32 $0xFFFFFF00  }
0x1ec: {  	_ =	sfence.sel $0x180000  }
0x1ed: {  	[bflag:$0x0] =	sbarrier.arrive $0xFFFF  }
0x1ee: {  	p0 =	sne.s32 s2, $0x0;
	_ =	strace $0x90000047  }
0x1ef: {  	s0 =	sadd.s32 @!p0 $0x100000, s0;
	[bflag:$0x2] =	sbarrier.arrive $0xFFFF  }
0x1f0: {  	[sflag:s0] =	ssyncadd.tile.s32 @!p0 $0x1;
	_ =	shalt  }
.Lfunc_end2:
_tile_overlayer_lowered:
.L_overlay_start_2:
0x1f1: {  	(tag) =	ssettag $0x2  }
0x1f2: {  	s0 =	rddreg [dreg:$0x0];
	s2 =	stileid.u32  }
0x1f3: {  	s1 =	rddreg [dreg:$0x1];
	p0 =	sne.s32 s2, $0x0  }
0x1f4: {  	s3 =	rddreg [dreg:$0x2];
	[bflag:$0x3] =	sbarrier.arrive $0xFFFF;
	s2 =	simm.s32 @!p0 $0x1C02  }
0x1f5: {  	[timem:s3], [sflag:s2] =	dma.local @!p0 [hbm:s0], s1  }
0x1f6: {  	s0 =	simm.s32 @!p0 $0x2  }
0x1f7: {  	_ =	swait.ge @!p0 [sflag:s0], s1  }
0x1f8: {  	s1 =	ssub.s32 @!p0 $0x0, s1;
	[sflag:s0] =	ssyncset.done @!p0 $0x0  }
0x1f9: {  	[sflag:s0] =	ssyncadd.s32 @!p0 s1  }
0x1fa: {  	[bflag:$0x3] =	sbarrier.arrive $0xFFFF  }
0x1fb: {  	_ =	shalt  }

</sc_bundles>
